<compile_context>
chip_gen: v7x
topology: tpu7x:2x2x1
jax: 0.10.2.dev20260603
libtpu: 0.0.44.dev20260713+nightly
codegen_flags: <defaults>
</compile_context>

<pallas_src>
import jax
import jax.numpy as jnp
from jax import lax
from jax.experimental import pallas as pl
from jax.experimental.pallas import tpu as pltpu
from jax.experimental.pallas import tpu_sc as plsc

VMIN, VMAX, BINS, WIDTH = 0.0, 1.0, 32, 128

NC, NS, L = 2, 16, 16
NW = NC * NS
ROWS, COLS = 16384, 50
IPW = ROWS // NW
CHUNK = 256
HPW = IPW // CHUNK
NCHUNK = COLS * HPW
NSUB = 2
SUB = CHUNK // NSUB


def _body(xt_hbm, table_hbm, out_hbm, xv, idxg, rows, table_v, table_sh,
          sem_x0, sem_x1, sem_g0, sem_g1, sem_o0, sem_o1):
    sem_x = (sem_x0, sem_x1)
    sem_g = (sem_g0, sem_g1)
    sem_o = (sem_o0, sem_o1)
    sid = lax.axis_index("s")
    wid = sid * NC + lax.axis_index("c")
    ibase = wid * IPW

    @pl.when(sid == 0)
    def _stage():
        pltpu.sync_copy(table_hbm, table_v)
        pltpu.sync_copy(table_v, table_sh)

    plsc.subcore_barrier()

    def offs(g):
        plane = jnp.right_shift(g, 1)
        i0 = ibase + jnp.bitwise_and(g, 1) * CHUNK
        return plane, i0

    def x_copy(g, b):
        plane, i0 = offs(lax.min(g, NCHUNK - 1))
        return pltpu.make_async_copy(
            xt_hbm.at[plane, pl.ds(i0, CHUNK)], xv.at[b], sem_x[b]
        )

    def quantize(b):
        for k in range(CHUNK // L):
            xk = xv[b, pl.ds(k * L, L)]
            qf = jnp.clip(xk * float(BINS), 0.0, float(BINS - 1))
            qi = qf.astype(jnp.int32)
            qi = jnp.where(xk != xk, jnp.full((L,), BINS, jnp.int32), qi)
            idxg[b, k * L // SUB, pl.ds((k * L) % SUB, L)] = qi

    def gathers(b):
        return [
            pltpu.make_async_copy(
                table_sh.at[idxg.at[b].at[m]],
                rows.at[b].at[pl.ds(m * SUB, SUB)],
                sem_g[b],
            )
            for m in range(NSUB)
        ]

    def out_copy(g, b):
        plane, i0 = offs(g)
        return pltpu.make_async_copy(
            rows.at[b], out_hbm.at[pl.ds(plane * ROWS + i0, CHUNK)], sem_o[b]
        )

    def step(g, b, wait_out):
        x_copy(g + 1, b ^ 1).start()
        x_copy(g, b).wait()
        if wait_out:
            out_copy(g - 2, b).wait()
        quantize(b)
        for d in gathers(b):
            d.start()
        for d in gathers(b ^ 1):
            d.wait()
        out_copy(g - 1, b ^ 1).start()

    x_copy(0, 0).start()
    x_copy(0, 0).wait()
    quantize(0)
    for d in gathers(0):
        d.start()
    x_copy(1, 1).start()
    x_copy(1, 1).wait()
    quantize(1)
    for d in gathers(1):
        d.start()
    for d in gathers(0):
        d.wait()
    out_copy(0, 0).start()
    x_copy(2, 0).start()

    def chunk_body(g2, carry):
        step(2 * g2, 0, wait_out=True)
        step(2 * g2 + 1, 1, wait_out=True)
        return carry

    lax.fori_loop(1, NCHUNK // 2, chunk_body, 0)

    for d in gathers(1):
        d.wait()
    out_copy(NCHUNK - 1, 1).start()
    x_copy(NCHUNK - 1, 0).wait()
    out_copy(NCHUNK - 2, 0).wait()
    out_copy(NCHUNK - 1, 1).wait()


def kernel(x, embed_weight):
    mesh = plsc.VectorSubcoreMesh(
        core_axis_name="c", subcore_axis_name="s", num_cores=NC, num_subcores=NS
    )
    out = pl.kernel(
        _body,
        out_type=jax.ShapeDtypeStruct((COLS * ROWS, WIDTH), jnp.float32),
        mesh=mesh,
        compiler_params=pltpu.CompilerParams(
            use_tc_tiling_on_sc=True, needs_layout_passes=False
        ),
        scratch_types=[
            pltpu.VMEM((2, CHUNK), jnp.float32),
            pltpu.VMEM((2, NSUB, SUB), jnp.int32),
            pltpu.VMEM((2, CHUNK, WIDTH), jnp.float32),
            pltpu.VMEM((BINS + 1, WIDTH), jnp.float32),
            pltpu.VMEM_SHARED((BINS + 1, WIDTH), jnp.float32),
            pltpu.SemaphoreType.DMA,
            pltpu.SemaphoreType.DMA,
            pltpu.SemaphoreType.DMA,
            pltpu.SemaphoreType.DMA,
            pltpu.SemaphoreType.DMA,
            pltpu.SemaphoreType.DMA,
        ],
    )(jnp.transpose(x), embed_weight)
    return jnp.transpose(out.reshape(COLS, ROWS, WIDTH), (1, 0, 2))

# --- scband reference (transcript-rebuilt; emitter-appended) ---
"""Pipeline reference for scband-binned-embedding-59468117180847 (READ-ONLY COPY).

The authoritative reference and input builder live on the scoring server;
editing this copy changes nothing except your own understanding.
"""

import jax, jax.numpy as jnp
import numpy as np

VMIN, VMAX, BINS, WIDTH = 0.0, 1.0, 32, 128


def setup_inputs(seed: int = 0) -> dict:
    key = jax.random.key(seed)
    k1, k2 = jax.random.split(key)
    x = jax.random.uniform(k1, (16384, 50), dtype=jnp.float32)
    embed_weight = jax.random.normal(k2, (BINS + 1, WIDTH), dtype=jnp.float32)
    return {"x": x, "embed_weight": embed_weight}


def reference(x, embed_weight):
    # quantize: ((x - vmin) / (vmax - vmin) * bins).to(long), clamp, nan -> bins
    qx = ((x - VMIN) / (VMAX - VMIN) * BINS).astype(jnp.int32)
    qx = jnp.clip(qx, 0, BINS - 1)
    qx = jnp.where(jnp.isnan(x), BINS, qx)
    qx = jax.lax.stop_gradient(qx)
    embs = jnp.take(embed_weight, qx, axis=0)
    return embs

if __name__ == "__main__":
    import jax
    _d = setup_inputs()
    print(jax.jit(kernel)(*tuple(_d.values())))

</pallas_src>

<mosaic_0001>
#map = affine_map<(d0, d1) -> (0, 0)>
module attributes {stable_mosaic.version = 14 : i64} {
  func.func @_body(%arg0: i32, %arg1: i32, %arg2: memref<50x16384xf32, #tpu.memory_space<hbm>>, %arg3: memref<33x128xf32, #tpu.memory_space<hbm>>, %arg4: memref<819200x128xf32, #tpu.memory_space<hbm>>, %arg5: memref<2x256xf32, #tpu.memory_space<vmem>>, %arg6: memref<2x2x128xi32, #tpu.memory_space<vmem>>, %arg7: memref<2x256x128xf32, #tpu.memory_space<vmem>>, %arg8: memref<33x128xf32, #tpu.memory_space<vmem>>, %arg9: memref<33x128xf32, #tpu.memory_space<vmem_shared>>, %arg10: memref<!tpu.dma_semaphore, #tpu.memory_space<semaphore_mem>>, %arg11: memref<!tpu.dma_semaphore, #tpu.memory_space<semaphore_mem>>, %arg12: memref<!tpu.dma_semaphore, #tpu.memory_space<semaphore_mem>>, %arg13: memref<!tpu.dma_semaphore, #tpu.memory_space<semaphore_mem>>, %arg14: memref<!tpu.dma_semaphore, #tpu.memory_space<semaphore_mem>>, %arg15: memref<!tpu.dma_semaphore, #tpu.memory_space<semaphore_mem>>) attributes {dimension_semantics = [#tpu.dimension_semantics<core_parallel>, #tpu.dimension_semantics<subcore_parallel>], iteration_bounds = array<i64: 2, 16>, scalar_prefetch = 0 : i64, scratch_operands = 11 : i64, tpu.core_type = #tpu.core_type<sc_vector_subcore>, window_params = [{transform_indices = #map}, {transform_indices = #map}, {transform_indices = #map}]} {
    %mul3A = arith.constant 2 : i32
    %mul3A_0 = arith.muli %arg1, %mul3A : i32
    %add3A = arith.addi %mul3A_0, %arg0 : i32
    %mul3A_1 = arith.constant 512 : i32
    %mul3A_2 = arith.muli %add3A, %mul3A_1 : i32
    %eq3A = arith.constant 0 : i32
    %eq3A_3 = arith.cmpi eq, %arg1, %eq3A : i32
    %convert_element_type3A = arith.extui %eq3A_3 : i1 to i32
    %cond3A = arith.constant 0 : i32
    %cond3A_4 = arith.cmpi ne, %convert_element_type3A, %cond3A : i32
    scf.if %cond3A_4 {
      "tpu.region"() ({
        %run_scoped3A = tpu.sem_alloc : memref<!tpu.dma_semaphore, #tpu.memory_space<semaphore_mem>>
        tpu.enqueue_dma source(%arg3 : memref<33x128xf32, #tpu.memory_space<hbm>>) target(%arg8 : memref<33x128xf32, #tpu.memory_space<vmem>>) target_semaphore(%run_scoped3A : memref<!tpu.dma_semaphore, #tpu.memory_space<semaphore_mem>>)
        tpu.wait_dma2 semaphore(%run_scoped3A : memref<!tpu.dma_semaphore, #tpu.memory_space<semaphore_mem>>) src(%arg3 : memref<33x128xf32, #tpu.memory_space<hbm>>) dst(%arg8 : memref<33x128xf32, #tpu.memory_space<vmem>>)
        tpu.yield
      }) : () -> ()
      "tpu.region"() ({
        %run_scoped3A = tpu.sem_alloc : memref<!tpu.dma_semaphore, #tpu.memory_space<semaphore_mem>>
        tpu.enqueue_dma source(%arg8 : memref<33x128xf32, #tpu.memory_space<vmem>>) target(%arg9 : memref<33x128xf32, #tpu.memory_space<vmem_shared>>) target_semaphore(%run_scoped3A : memref<!tpu.dma_semaphore, #tpu.memory_space<semaphore_mem>>)
        tpu.wait_dma2 semaphore(%run_scoped3A : memref<!tpu.dma_semaphore, #tpu.memory_space<semaphore_mem>>) src(%arg8 : memref<33x128xf32, #tpu.memory_space<vmem>>) dst(%arg9 : memref<33x128xf32, #tpu.memory_space<vmem_shared>>)
        tpu.yield
      }) : () -> ()
    } else {
    }
    %barrier3A = arith.constant 0 : index
    tpu.barrier barrier_id(%barrier3A)
    %min3A = arith.constant 0 : i32
    %min3A_5 = arith.constant 99 : i32
    %min3A_6 = arith.minsi %min3A, %min3A_5 : i32
    %shift_right_arithmetic3A = arith.constant 1 : i32
    %shift_right_arithmetic3A_7 = arith.shrsi %min3A_6, %shift_right_arithmetic3A : i32
    %and3A = arith.constant 1 : i32
    %and3A_8 = arith.andi %min3A_6, %and3A : i32
    %mul3A_9 = arith.constant 256 : i32
    %mul3A_10 = arith.muli %and3A_8, %mul3A_9 : i32
    %add3A_11 = arith.addi %mul3A_2, %mul3A_10 : i32
    %dma_start3A = arith.constant 0 : i32
    %dma_start3A_12 = arith.constant 0 : i32
    %dma_start3A_13 = tpu.memref_slice %arg5[%dma_start3A, %dma_start3A_12] : memref<2x256xf32, #tpu.memory_space<vmem>> -> memref<1x256xf32, #tpu.memory_space<vmem>>
    %dma_start3A_14 = tpu.memref_squeeze %dma_start3A_13 : memref<1x256xf32, #tpu.memory_space<vmem>> -> memref<256xf32, #tpu.memory_space<vmem>>
    %dma_start3A_15 = tpu.memref_slice %arg2[%shift_right_arithmetic3A_7, %add3A_11] : memref<50x16384xf32, #tpu.memory_space<hbm>> -> memref<1x256xf32, #tpu.memory_space<hbm>>
    %dma_start3A_16 = tpu.memref_squeeze %dma_start3A_15 : memref<1x256xf32, #tpu.memory_space<hbm>> -> memref<256xf32, #tpu.memory_space<hbm>>
    %dma_start3A_17 = arith.constant 0 : i32
    %dma_start3A_18 = tpu.memref_slice %arg5[%dma_start3A, %dma_start3A_17] : memref<2x256xf32, #tpu.memory_space<vmem>> -> memref<1x256xf32, #tpu.memory_space<vmem>>
    %dma_start3A_19 = tpu.memref_squeeze %dma_start3A_18 : memref<1x256xf32, #tpu.memory_space<vmem>> -> memref<256xf32, #tpu.memory_space<vmem>>
    %dma_start3A_20 = tpu.memref_slice %arg2[%shift_right_arithmetic3A_7, %add3A_11] : memref<50x16384xf32, #tpu.memory_space<hbm>> -> memref<1x256xf32, #tpu.memory_space<hbm>>
    %dma_start3A_21 = tpu.memref_squeeze %dma_start3A_20 : memref<1x256xf32, #tpu.memory_space<hbm>> -> memref<256xf32, #tpu.memory_space<hbm>>
    tpu.enqueue_dma source(%dma_start3A_21 : memref<256xf32, #tpu.memory_space<hbm>>) target(%dma_start3A_19 : memref<256xf32, #tpu.memory_space<vmem>>) target_semaphore(%arg10 : memref<!tpu.dma_semaphore, #tpu.memory_space<semaphore_mem>>)
    %min3A_22 = arith.constant 0 : i32
    %min3A_23 = arith.constant 99 : i32
    %min3A_24 = arith.minsi %min3A_22, %min3A_23 : i32
    %shift_right_arithmetic3A_25 = arith.constant 1 : i32
    %shift_right_arithmetic3A_26 = arith.shrsi %min3A_24, %shift_right_arithmetic3A_25 : i32
    %and3A_27 = arith.constant 1 : i32
    %and3A_28 = arith.andi %min3A_24, %and3A_27 : i32
    %mul3A_29 = arith.constant 256 : i32
    %mul3A_30 = arith.muli %and3A_28, %mul3A_29 : i32
    %add3A_31 = arith.addi %mul3A_2, %mul3A_30 : i32
    %dma_wait3A = arith.constant 0 : i32
    %dma_wait3A_32 = arith.constant 0 : i32
    %dma_wait3A_33 = tpu.memref_slice %arg5[%dma_wait3A, %dma_wait3A_32] : memref<2x256xf32, #tpu.memory_space<vmem>> -> memref<1x256xf32, #tpu.memory_space<vmem>>
    %dma_wait3A_34 = tpu.memref_squeeze %dma_wait3A_33 : memref<1x256xf32, #tpu.memory_space<vmem>> -> memref<256xf32, #tpu.memory_space<vmem>>
    %dma_wait3A_35 = tpu.memref_slice %arg2[%shift_right_arithmetic3A_26, %add3A_31] : memref<50x16384xf32, #tpu.memory_space<hbm>> -> memref<1x256xf32, #tpu.memory_space<hbm>>
    %dma_wait3A_36 = tpu.memref_squeeze %dma_wait3A_35 : memref<1x256xf32, #tpu.memory_space<hbm>> -> memref<256xf32, #tpu.memory_space<hbm>>
    %dma_wait3A_37 = arith.constant 0 : i32
    %dma_wait3A_38 = tpu.memref_slice %arg5[%dma_wait3A, %dma_wait3A_37] : memref<2x256xf32, #tpu.memory_space<vmem>> -> memref<1x256xf32, #tpu.memory_space<vmem>>
    %dma_wait3A_39 = tpu.memref_squeeze %dma_wait3A_38 : memref<1x256xf32, #tpu.memory_space<vmem>> -> memref<256xf32, #tpu.memory_space<vmem>>
    %dma_wait3A_40 = tpu.memref_slice %arg2[%shift_right_arithmetic3A_26, %add3A_31] : memref<50x16384xf32, #tpu.memory_space<hbm>> -> memref<1x256xf32, #tpu.memory_space<hbm>>
    %dma_wait3A_41 = tpu.memref_squeeze %dma_wait3A_40 : memref<1x256xf32, #tpu.memory_space<hbm>> -> memref<256xf32, #tpu.memory_space<hbm>>
    tpu.wait_dma2 semaphore(%arg10 : memref<!tpu.dma_semaphore, #tpu.memory_space<semaphore_mem>>) src(%dma_wait3A_41 : memref<256xf32, #tpu.memory_space<hbm>>) dst(%dma_wait3A_39 : memref<256xf32, #tpu.memory_space<vmem>>)
    %get3A = arith.constant 0 : i32
    %get3A_42 = arith.index_cast %get3A : i32 to index
    %get3A_43 = arith.constant 0 : index
    %get3A_44 = tpu.vector_load %arg5[%get3A_42, %get3A_43] {strides = array<i32>} : memref<2x256xf32, #tpu.memory_space<vmem>>, vector<16xf32>,
    %mul3A_45 = arith.constant 3.200000e+01 : f32
    %mul3A_46 = vector.broadcast %mul3A_45 : f32 to vector<16xf32>
    %mul3A_47 = arith.mulf %get3A_44, %mul3A_46 : vector<16xf32>
    %jit3A = arith.constant 0.000000e+00 : f32
    %jit3A_48 = arith.constant 3.100000e+01 : f32
    %max3A = vector.broadcast %jit3A : f32 to vector<16xf32>
    %max3A_49 = arith.maximumf %max3A, %mul3A_47 : vector<16xf32>
    %min3A_50 = vector.broadcast %jit3A_48 : f32 to vector<16xf32>
    %min3A_51 = arith.minimumf %min3A_50, %max3A_49 : vector<16xf32>
    %convert_element_type3A_52 = arith.fptosi %min3A_51 : vector<16xf32> to vector<16xi32>
    %ne3A = arith.cmpf one, %get3A_44, %get3A_44 : vector<16xf32>
    %broadcast_in_dim3A = arith.constant 32 : i32
    %broadcast_in_dim3A_53 = vector.broadcast %broadcast_in_dim3A : i32 to vector<16xi32>
    %select_n3A = arith.select %ne3A, %broadcast_in_dim3A_53, %convert_element_type3A_52 : vector<16xi1>, vector<16xi32>
    %swap3A = arith.constant 0 : i32
    %swap3A_54 = arith.constant 0 : i32
    %swap3A_55 = arith.index_cast %swap3A : i32 to index
    %swap3A_56 = arith.index_cast %swap3A_54 : i32 to index
    %swap3A_57 = arith.constant 0 : index
    %swap3A_58 = tpu.vector_load %arg6[%swap3A_55, %swap3A_56, %swap3A_57] {strides = array<i32>} : memref<2x2x128xi32, #tpu.memory_space<vmem>>, vector<16xi32>,
    tpu.vector_store %arg6[%swap3A_55, %swap3A_56, %swap3A_57], %select_n3A {strides = array<i32>} : memref<2x2x128xi32, #tpu.memory_space<vmem>>, vector<16xi32>,
    %get3A_59 = arith.constant 0 : i32
    %get3A_60 = arith.index_cast %get3A_59 : i32 to index
    %get3A_61 = arith.constant 16 : index
    %get3A_62 = tpu.vector_load %arg5[%get3A_60, %get3A_61] {strides = array<i32>} : memref<2x256xf32, #tpu.memory_space<vmem>>, vector<16xf32>,
    %mul3A_63 = arith.constant 3.200000e+01 : f32
    %mul3A_64 = vector.broadcast %mul3A_63 : f32 to vector<16xf32>
    %mul3A_65 = arith.mulf %get3A_62, %mul3A_64 : vector<16xf32>
    %jit3A_66 = arith.constant 0.000000e+00 : f32
    %jit3A_67 = arith.constant 3.100000e+01 : f32
    %max3A_68 = vector.broadcast %jit3A_66 : f32 to vector<16xf32>
    %max3A_69 = arith.maximumf %max3A_68, %mul3A_65 : vector<16xf32>
    %min3A_70 = vector.broadcast %jit3A_67 : f32 to vector<16xf32>
    %min3A_71 = arith.minimumf %min3A_70, %max3A_69 : vector<16xf32>
    %convert_element_type3A_72 = arith.fptosi %min3A_71 : vector<16xf32> to vector<16xi32>
    %ne3A_73 = arith.cmpf one, %get3A_62, %get3A_62 : vector<16xf32>
    %broadcast_in_dim3A_74 = arith.constant 32 : i32
    %broadcast_in_dim3A_75 = vector.broadcast %broadcast_in_dim3A_74 : i32 to vector<16xi32>
    %select_n3A_76 = arith.select %ne3A_73, %broadcast_in_dim3A_75, %convert_element_type3A_72 : vector<16xi1>, vector<16xi32>
    %swap3A_77 = arith.constant 0 : i32
    %swap3A_78 = arith.constant 0 : i32
    %swap3A_79 = arith.index_cast %swap3A_77 : i32 to index
    %swap3A_80 = arith.index_cast %swap3A_78 : i32 to index
    %swap3A_81 = arith.constant 16 : index
    %swap3A_82 = tpu.vector_load %arg6[%swap3A_79, %swap3A_80, %swap3A_81] {strides = array<i32>} : memref<2x2x128xi32, #tpu.memory_space<vmem>>, vector<16xi32>,
    tpu.vector_store %arg6[%swap3A_79, %swap3A_80, %swap3A_81], %select_n3A_76 {strides = array<i32>} : memref<2x2x128xi32, #tpu.memory_space<vmem>>, vector<16xi32>,
    %get3A_83 = arith.constant 0 : i32
    %get3A_84 = arith.index_cast %get3A_83 : i32 to index
    %get3A_85 = arith.constant 32 : index
    %get3A_86 = tpu.vector_load %arg5[%get3A_84, %get3A_85] {strides = array<i32>} : memref<2x256xf32, #tpu.memory_space<vmem>>, vector<16xf32>,
    %mul3A_87 = arith.constant 3.200000e+01 : f32
    %mul3A_88 = vector.broadcast %mul3A_87 : f32 to vector<16xf32>
    %mul3A_89 = arith.mulf %get3A_86, %mul3A_88 : vector<16xf32>
    %jit3A_90 = arith.constant 0.000000e+00 : f32
    %jit3A_91 = arith.constant 3.100000e+01 : f32
    %max3A_92 = vector.broadcast %jit3A_90 : f32 to vector<16xf32>
    %max3A_93 = arith.maximumf %max3A_92, %mul3A_89 : vector<16xf32>
    %min3A_94 = vector.broadcast %jit3A_91 : f32 to vector<16xf32>
    %min3A_95 = arith.minimumf %min3A_94, %max3A_93 : vector<16xf32>
    %convert_element_type3A_96 = arith.fptosi %min3A_95 : vector<16xf32> to vector<16xi32>
    %ne3A_97 = arith.cmpf one, %get3A_86, %get3A_86 : vector<16xf32>
    %broadcast_in_dim3A_98 = arith.constant 32 : i32
    %broadcast_in_dim3A_99 = vector.broadcast %broadcast_in_dim3A_98 : i32 to vector<16xi32>
    %select_n3A_100 = arith.select %ne3A_97, %broadcast_in_dim3A_99, %convert_element_type3A_96 : vector<16xi1>, vector<16xi32>
    %swap3A_101 = arith.constant 0 : i32
    %swap3A_102 = arith.constant 0 : i32
    %swap3A_103 = arith.index_cast %swap3A_101 : i32 to index
    %swap3A_104 = arith.index_cast %swap3A_102 : i32 to index
    %swap3A_105 = arith.constant 32 : index
    %swap3A_106 = tpu.vector_load %arg6[%swap3A_103, %swap3A_104, %swap3A_105] {strides = array<i32>} : memref<2x2x128xi32, #tpu.memory_space<vmem>>, vector<16xi32>,
    tpu.vector_store %arg6[%swap3A_103, %swap3A_104, %swap3A_105], %select_n3A_100 {strides = array<i32>} : memref<2x2x128xi32, #tpu.memory_space<vmem>>, vector<16xi32>,
    %get3A_107 = arith.constant 0 : i32
    %get3A_108 = arith.index_cast %get3A_107 : i32 to index
    %get3A_109 = arith.constant 48 : index
    %get3A_110 = tpu.vector_load %arg5[%get3A_108, %get3A_109] {strides = array<i32>} : memref<2x256xf32, #tpu.memory_space<vmem>>, vector<16xf32>,
    %mul3A_111 = arith.constant 3.200000e+01 : f32
    %mul3A_112 = vector.broadcast %mul3A_111 : f32 to vector<16xf32>
    %mul3A_113 = arith.mulf %get3A_110, %mul3A_112 : vector<16xf32>
    %jit3A_114 = arith.constant 0.000000e+00 : f32
    %jit3A_115 = arith.constant 3.100000e+01 : f32
    %max3A_116 = vector.broadcast %jit3A_114 : f32 to vector<16xf32>
    %max3A_117 = arith.maximumf %max3A_116, %mul3A_113 : vector<16xf32>
    %min3A_118 = vector.broadcast %jit3A_115 : f32 to vector<16xf32>
    %min3A_119 = arith.minimumf %min3A_118, %max3A_117 : vector<16xf32>
    %convert_element_type3A_120 = arith.fptosi %min3A_119 : vector<16xf32> to vector<16xi32>
    %ne3A_121 = arith.cmpf one, %get3A_110, %get3A_110 : vector<16xf32>
    %broadcast_in_dim3A_122 = arith.constant 32 : i32
    %broadcast_in_dim3A_123 = vector.broadcast %broadcast_in_dim3A_122 : i32 to vector<16xi32>
    %select_n3A_124 = arith.select %ne3A_121, %broadcast_in_dim3A_123, %convert_element_type3A_120 : vector<16xi1>, vector<16xi32>
    %swap3A_125 = arith.constant 0 : i32
    %swap3A_126 = arith.constant 0 : i32
    %swap3A_127 = arith.index_cast %swap3A_125 : i32 to index
    %swap3A_128 = arith.index_cast %swap3A_126 : i32 to index
    %swap3A_129 = arith.constant 48 : index
    %swap3A_130 = tpu.vector_load %arg6[%swap3A_127, %swap3A_128, %swap3A_129] {strides = array<i32>} : memref<2x2x128xi32, #tpu.memory_space<vmem>>, vector<16xi32>,
    tpu.vector_store %arg6[%swap3A_127, %swap3A_128, %swap3A_129], %select_n3A_124 {strides = array<i32>} : memref<2x2x128xi32, #tpu.memory_space<vmem>>, vector<16xi32>,
    %get3A_131 = arith.constant 0 : i32
    %get3A_132 = arith.index_cast %get3A_131 : i32 to index
    %get3A_133 = arith.constant 64 : index
    %get3A_134 = tpu.vector_load %arg5[%get3A_132, %get3A_133] {strides = array<i32>} : memref<2x256xf32, #tpu.memory_space<vmem>>, vector<16xf32>,
    %mul3A_135 = arith.constant 3.200000e+01 : f32
    %mul3A_136 = vector.broadcast %mul3A_135 : f32 to vector<16xf32>
    %mul3A_137 = arith.mulf %get3A_134, %mul3A_136 : vector<16xf32>
    %jit3A_138 = arith.constant 0.000000e+00 : f32
    %jit3A_139 = arith.constant 3.100000e+01 : f32
    %max3A_140 = vector.broadcast %jit3A_138 : f32 to vector<16xf32>
    %max3A_141 = arith.maximumf %max3A_140, %mul3A_137 : vector<16xf32>
    %min3A_142 = vector.broadcast %jit3A_139 : f32 to vector<16xf32>
    %min3A_143 = arith.minimumf %min3A_142, %max3A_141 : vector<16xf32>
    %convert_element_type3A_144 = arith.fptosi %min3A_143 : vector<16xf32> to vector<16xi32>
    %ne3A_145 = arith.cmpf one, %get3A_134, %get3A_134 : vector<16xf32>
    %broadcast_in_dim3A_146 = arith.constant 32 : i32
    %broadcast_in_dim3A_147 = vector.broadcast %broadcast_in_dim3A_146 : i32 to vector<16xi32>
    %select_n3A_148 = arith.select %ne3A_145, %broadcast_in_dim3A_147, %convert_element_type3A_144 : vector<16xi1>, vector<16xi32>
    %swap3A_149 = arith.constant 0 : i32
    %swap3A_150 = arith.constant 0 : i32
    %swap3A_151 = arith.index_cast %swap3A_149 : i32 to index
    %swap3A_152 = arith.index_cast %swap3A_150 : i32 to index
    %swap3A_153 = arith.constant 64 : index
    %swap3A_154 = tpu.vector_load %arg6[%swap3A_151, %swap3A_152, %swap3A_153] {strides = array<i32>} : memref<2x2x128xi32, #tpu.memory_space<vmem>>, vector<16xi32>,
    tpu.vector_store %arg6[%swap3A_151, %swap3A_152, %swap3A_153], %select_n3A_148 {strides = array<i32>} : memref<2x2x128xi32, #tpu.memory_space<vmem>>, vector<16xi32>,
    %get3A_155 = arith.constant 0 : i32
    %get3A_156 = arith.index_cast %get3A_155 : i32 to index
    %get3A_157 = arith.constant 80 : index
    %get3A_158 = tpu.vector_load %arg5[%get3A_156, %get3A_157] {strides = array<i32>} : memref<2x256xf32, #tpu.memory_space<vmem>>, vector<16xf32>,
    %mul3A_159 = arith.constant 3.200000e+01 : f32
    %mul3A_160 = vector.broadcast %mul3A_159 : f32 to vector<16xf32>
    %mul3A_161 = arith.mulf %get3A_158, %mul3A_160 : vector<16xf32>
    %jit3A_162 = arith.constant 0.000000e+00 : f32
    %jit3A_163 = arith.constant 3.100000e+01 : f32
    %max3A_164 = vector.broadcast %jit3A_162 : f32 to vector<16xf32>
    %max3A_165 = arith.maximumf %max3A_164, %mul3A_161 : vector<16xf32>
    %min3A_166 = vector.broadcast %jit3A_163 : f32 to vector<16xf32>
    %min3A_167 = arith.minimumf %min3A_166, %max3A_165 : vector<16xf32>
    %convert_element_type3A_168 = arith.fptosi %min3A_167 : vector<16xf32> to vector<16xi32>
    %ne3A_169 = arith.cmpf one, %get3A_158, %get3A_158 : vector<16xf32>
    %broadcast_in_dim3A_170 = arith.constant 32 : i32
    %broadcast_in_dim3A_171 = vector.broadcast %broadcast_in_dim3A_170 : i32 to vector<16xi32>
    %select_n3A_172 = arith.select %ne3A_169, %broadcast_in_dim3A_171, %convert_element_type3A_168 : vector<16xi1>, vector<16xi32>
    %swap3A_173 = arith.constant 0 : i32
    %swap3A_174 = arith.constant 0 : i32
    %swap3A_175 = arith.index_cast %swap3A_173 : i32 to index
    %swap3A_176 = arith.index_cast %swap3A_174 : i32 to index
    %swap3A_177 = arith.constant 80 : index
    %swap3A_178 = tpu.vector_load %arg6[%swap3A_175, %swap3A_176, %swap3A_177] {strides = array<i32>} : memref<2x2x128xi32, #tpu.memory_space<vmem>>, vector<16xi32>,
    tpu.vector_store %arg6[%swap3A_175, %swap3A_176, %swap3A_177], %select_n3A_172 {strides = array<i32>} : memref<2x2x128xi32, #tpu.memory_space<vmem>>, vector<16xi32>,
    %get3A_179 = arith.constant 0 : i32
    %get3A_180 = arith.index_cast %get3A_179 : i32 to index
    %get3A_181 = arith.constant 96 : index
    %get3A_182 = tpu.vector_load %arg5[%get3A_180, %get3A_181] {strides = array<i32>} : memref<2x256xf32, #tpu.memory_space<vmem>>, vector<16xf32>,
    %mul3A_183 = arith.constant 3.200000e+01 : f32
    %mul3A_184 = vector.broadcast %mul3A_183 : f32 to vector<16xf32>
    %mul3A_185 = arith.mulf %get3A_182, %mul3A_184 : vector<16xf32>
    %jit3A_186 = arith.constant 0.000000e+00 : f32
    %jit3A_187 = arith.constant 3.100000e+01 : f32
    %max3A_188 = vector.broadcast %jit3A_186 : f32 to vector<16xf32>
    %max3A_189 = arith.maximumf %max3A_188, %mul3A_185 : vector<16xf32>
    %min3A_190 = vector.broadcast %jit3A_187 : f32 to vector<16xf32>
    %min3A_191 = arith.minimumf %min3A_190, %max3A_189 : vector<16xf32>
    %convert_element_type3A_192 = arith.fptosi %min3A_191 : vector<16xf32> to vector<16xi32>
    %ne3A_193 = arith.cmpf one, %get3A_182, %get3A_182 : vector<16xf32>
    %broadcast_in_dim3A_194 = arith.constant 32 : i32
    %broadcast_in_dim3A_195 = vector.broadcast %broadcast_in_dim3A_194 : i32 to vector<16xi32>
    %select_n3A_196 = arith.select %ne3A_193, %broadcast_in_dim3A_195, %convert_element_type3A_192 : vector<16xi1>, vector<16xi32>
    %swap3A_197 = arith.constant 0 : i32
    %swap3A_198 = arith.constant 0 : i32
    %swap3A_199 = arith.index_cast %swap3A_197 : i32 to index
    %swap3A_200 = arith.index_cast %swap3A_198 : i32 to index
    %swap3A_201 = arith.constant 96 : index
    %swap3A_202 = tpu.vector_load %arg6[%swap3A_199, %swap3A_200, %swap3A_201] {strides = array<i32>} : memref<2x2x128xi32, #tpu.memory_space<vmem>>, vector<16xi32>,
    tpu.vector_store %arg6[%swap3A_199, %swap3A_200, %swap3A_201], %select_n3A_196 {strides = array<i32>} : memref<2x2x128xi32, #tpu.memory_space<vmem>>, vector<16xi32>,
    %get3A_203 = arith.constant 0 : i32
    %get3A_204 = arith.index_cast %get3A_203 : i32 to index
    %get3A_205 = arith.constant 112 : index
    %get3A_206 = tpu.vector_load %arg5[%get3A_204, %get3A_205] {strides = array<i32>} : memref<2x256xf32, #tpu.memory_space<vmem>>, vector<16xf32>,
    %mul3A_207 = arith.constant 3.200000e+01 : f32
    %mul3A_208 = vector.broadcast %mul3A_207 : f32 to vector<16xf32>
    %mul3A_209 = arith.mulf %get3A_206, %mul3A_208 : vector<16xf32>
    %jit3A_210 = arith.constant 0.000000e+00 : f32
    %jit3A_211 = arith.constant 3.100000e+01 : f32
    %max3A_212 = vector.broadcast %jit3A_210 : f32 to vector<16xf32>
    %max3A_213 = arith.maximumf %max3A_212, %mul3A_209 : vector<16xf32>
    %min3A_214 = vector.broadcast %jit3A_211 : f32 to vector<16xf32>
    %min3A_215 = arith.minimumf %min3A_214, %max3A_213 : vector<16xf32>
    %convert_element_type3A_216 = arith.fptosi %min3A_215 : vector<16xf32> to vector<16xi32>
    %ne3A_217 = arith.cmpf one, %get3A_206, %get3A_206 : vector<16xf32>
    %broadcast_in_dim3A_218 = arith.constant 32 : i32
    %broadcast_in_dim3A_219 = vector.broadcast %broadcast_in_dim3A_218 : i32 to vector<16xi32>
    %select_n3A_220 = arith.select %ne3A_217, %broadcast_in_dim3A_219, %convert_element_type3A_216 : vector<16xi1>, vector<16xi32>
    %swap3A_221 = arith.constant 0 : i32
    %swap3A_222 = arith.constant 0 : i32
    %swap3A_223 = arith.index_cast %swap3A_221 : i32 to index
    %swap3A_224 = arith.index_cast %swap3A_222 : i32 to index
    %swap3A_225 = arith.constant 112 : index
    %swap3A_226 = tpu.vector_load %arg6[%swap3A_223, %swap3A_224, %swap3A_225] {strides = array<i32>} : memref<2x2x128xi32, #tpu.memory_space<vmem>>, vector<16xi32>,
    tpu.vector_store %arg6[%swap3A_223, %swap3A_224, %swap3A_225], %select_n3A_220 {strides = array<i32>} : memref<2x2x128xi32, #tpu.memory_space<vmem>>, vector<16xi32>,
    %get3A_227 = arith.constant 0 : i32
    %get3A_228 = arith.index_cast %get3A_227 : i32 to index
    %get3A_229 = arith.constant 128 : index
    %get3A_230 = tpu.vector_load %arg5[%get3A_228, %get3A_229] {strides = array<i32>} : memref<2x256xf32, #tpu.memory_space<vmem>>, vector<16xf32>,
    %mul3A_231 = arith.constant 3.200000e+01 : f32
    %mul3A_232 = vector.broadcast %mul3A_231 : f32 to vector<16xf32>
    %mul3A_233 = arith.mulf %get3A_230, %mul3A_232 : vector<16xf32>
    %jit3A_234 = arith.constant 0.000000e+00 : f32
    %jit3A_235 = arith.constant 3.100000e+01 : f32
    %max3A_236 = vector.broadcast %jit3A_234 : f32 to vector<16xf32>
    %max3A_237 = arith.maximumf %max3A_236, %mul3A_233 : vector<16xf32>
    %min3A_238 = vector.broadcast %jit3A_235 : f32 to vector<16xf32>
    %min3A_239 = arith.minimumf %min3A_238, %max3A_237 : vector<16xf32>
    %convert_element_type3A_240 = arith.fptosi %min3A_239 : vector<16xf32> to vector<16xi32>
    %ne3A_241 = arith.cmpf one, %get3A_230, %get3A_230 : vector<16xf32>
    %broadcast_in_dim3A_242 = arith.constant 32 : i32
    %broadcast_in_dim3A_243 = vector.broadcast %broadcast_in_dim3A_242 : i32 to vector<16xi32>
    %select_n3A_244 = arith.select %ne3A_241, %broadcast_in_dim3A_243, %convert_element_type3A_240 : vector<16xi1>, vector<16xi32>
    %swap3A_245 = arith.constant 0 : i32
    %swap3A_246 = arith.constant 1 : i32
    %swap3A_247 = arith.index_cast %swap3A_245 : i32 to index
    %swap3A_248 = arith.index_cast %swap3A_246 : i32 to index
    %swap3A_249 = arith.constant 0 : index
    %swap3A_250 = tpu.vector_load %arg6[%swap3A_247, %swap3A_248, %swap3A_249] {strides = array<i32>} : memref<2x2x128xi32, #tpu.memory_space<vmem>>, vector<16xi32>,
    tpu.vector_store %arg6[%swap3A_247, %swap3A_248, %swap3A_249], %select_n3A_244 {strides = array<i32>} : memref<2x2x128xi32, #tpu.memory_space<vmem>>, vector<16xi32>,
    %get3A_251 = arith.constant 0 : i32
    %get3A_252 = arith.index_cast %get3A_251 : i32 to index
    %get3A_253 = arith.constant 144 : index
    %get3A_254 = tpu.vector_load %arg5[%get3A_252, %get3A_253] {strides = array<i32>} : memref<2x256xf32, #tpu.memory_space<vmem>>, vector<16xf32>,
    %mul3A_255 = arith.constant 3.200000e+01 : f32
    %mul3A_256 = vector.broadcast %mul3A_255 : f32 to vector<16xf32>
    %mul3A_257 = arith.mulf %get3A_254, %mul3A_256 : vector<16xf32>
    %jit3A_258 = arith.constant 0.000000e+00 : f32
    %jit3A_259 = arith.constant 3.100000e+01 : f32
    %max3A_260 = vector.broadcast %jit3A_258 : f32 to vector<16xf32>
    %max3A_261 = arith.maximumf %max3A_260, %mul3A_257 : vector<16xf32>
    %min3A_262 = vector.broadcast %jit3A_259 : f32 to vector<16xf32>
    %min3A_263 = arith.minimumf %min3A_262, %max3A_261 : vector<16xf32>
    %convert_element_type3A_264 = arith.fptosi %min3A_263 : vector<16xf32> to vector<16xi32>
    %ne3A_265 = arith.cmpf one, %get3A_254, %get3A_254 : vector<16xf32>
    %broadcast_in_dim3A_266 = arith.constant 32 : i32
    %broadcast_in_dim3A_267 = vector.broadcast %broadcast_in_dim3A_266 : i32 to vector<16xi32>
    %select_n3A_268 = arith.select %ne3A_265, %broadcast_in_dim3A_267, %convert_element_type3A_264 : vector<16xi1>, vector<16xi32>
    %swap3A_269 = arith.constant 0 : i32
    %swap3A_270 = arith.constant 1 : i32
    %swap3A_271 = arith.index_cast %swap3A_269 : i32 to index
    %swap3A_272 = arith.index_cast %swap3A_270 : i32 to index
    %swap3A_273 = arith.constant 16 : index
    %swap3A_274 = tpu.vector_load %arg6[%swap3A_271, %swap3A_272, %swap3A_273] {strides = array<i32>} : memref<2x2x128xi32, #tpu.memory_space<vmem>>, vector<16xi32>,
    tpu.vector_store %arg6[%swap3A_271, %swap3A_272, %swap3A_273], %select_n3A_268 {strides = array<i32>} : memref<2x2x128xi32, #tpu.memory_space<vmem>>, vector<16xi32>,
    %get3A_275 = arith.constant 0 : i32
    %get3A_276 = arith.index_cast %get3A_275 : i32 to index
    %get3A_277 = arith.constant 160 : index
    %get3A_278 = tpu.vector_load %arg5[%get3A_276, %get3A_277] {strides = array<i32>} : memref<2x256xf32, #tpu.memory_space<vmem>>, vector<16xf32>,
    %mul3A_279 = arith.constant 3.200000e+01 : f32
    %mul3A_280 = vector.broadcast %mul3A_279 : f32 to vector<16xf32>
    %mul3A_281 = arith.mulf %get3A_278, %mul3A_280 : vector<16xf32>
    %jit3A_282 = arith.constant 0.000000e+00 : f32
    %jit3A_283 = arith.constant 3.100000e+01 : f32
    %max3A_284 = vector.broadcast %jit3A_282 : f32 to vector<16xf32>
    %max3A_285 = arith.maximumf %max3A_284, %mul3A_281 : vector<16xf32>
    %min3A_286 = vector.broadcast %jit3A_283 : f32 to vector<16xf32>
    %min3A_287 = arith.minimumf %min3A_286, %max3A_285 : vector<16xf32>
    %convert_element_type3A_288 = arith.fptosi %min3A_287 : vector<16xf32> to vector<16xi32>
    %ne3A_289 = arith.cmpf one, %get3A_278, %get3A_278 : vector<16xf32>
    %broadcast_in_dim3A_290 = arith.constant 32 : i32
    %broadcast_in_dim3A_291 = vector.broadcast %broadcast_in_dim3A_290 : i32 to vector<16xi32>
    %select_n3A_292 = arith.select %ne3A_289, %broadcast_in_dim3A_291, %convert_element_type3A_288 : vector<16xi1>, vector<16xi32>
    %swap3A_293 = arith.constant 0 : i32
    %swap3A_294 = arith.constant 1 : i32
    %swap3A_295 = arith.index_cast %swap3A_293 : i32 to index
    %swap3A_296 = arith.index_cast %swap3A_294 : i32 to index
    %swap3A_297 = arith.constant 32 : index
    %swap3A_298 = tpu.vector_load %arg6[%swap3A_295, %swap3A_296, %swap3A_297] {strides = array<i32>} : memref<2x2x128xi32, #tpu.memory_space<vmem>>, vector<16xi32>,
    tpu.vector_store %arg6[%swap3A_295, %swap3A_296, %swap3A_297], %select_n3A_292 {strides = array<i32>} : memref<2x2x128xi32, #tpu.memory_space<vmem>>, vector<16xi32>,
    %get3A_299 = arith.constant 0 : i32
    %get3A_300 = arith.index_cast %get3A_299 : i32 to index
    %get3A_301 = arith.constant 176 : index
    %get3A_302 = tpu.vector_load %arg5[%get3A_300, %get3A_301] {strides = array<i32>} : memref<2x256xf32, #tpu.memory_space<vmem>>, vector<16xf32>,
    %mul3A_303 = arith.constant 3.200000e+01 : f32
    %mul3A_304 = vector.broadcast %mul3A_303 : f32 to vector<16xf32>
    %mul3A_305 = arith.mulf %get3A_302, %mul3A_304 : vector<16xf32>
    %jit3A_306 = arith.constant 0.000000e+00 : f32
    %jit3A_307 = arith.constant 3.100000e+01 : f32
    %max3A_308 = vector.broadcast %jit3A_306 : f32 to vector<16xf32>
    %max3A_309 = arith.maximumf %max3A_308, %mul3A_305 : vector<16xf32>
    %min3A_310 = vector.broadcast %jit3A_307 : f32 to vector<16xf32>
    %min3A_311 = arith.minimumf %min3A_310, %max3A_309 : vector<16xf32>
    %convert_element_type3A_312 = arith.fptosi %min3A_311 : vector<16xf32> to vector<16xi32>
    %ne3A_313 = arith.cmpf one, %get3A_302, %get3A_302 : vector<16xf32>
    %broadcast_in_dim3A_314 = arith.constant 32 : i32
    %broadcast_in_dim3A_315 = vector.broadcast %broadcast_in_dim3A_314 : i32 to vector<16xi32>
    %select_n3A_316 = arith.select %ne3A_313, %broadcast_in_dim3A_315, %convert_element_type3A_312 : vector<16xi1>, vector<16xi32>
    %swap3A_317 = arith.constant 0 : i32
    %swap3A_318 = arith.constant 1 : i32
    %swap3A_319 = arith.index_cast %swap3A_317 : i32 to index
    %swap3A_320 = arith.index_cast %swap3A_318 : i32 to index
    %swap3A_321 = arith.constant 48 : index
    %swap3A_322 = tpu.vector_load %arg6[%swap3A_319, %swap3A_320, %swap3A_321] {strides = array<i32>} : memref<2x2x128xi32, #tpu.memory_space<vmem>>, vector<16xi32>,
    tpu.vector_store %arg6[%swap3A_319, %swap3A_320, %swap3A_321], %select_n3A_316 {strides = array<i32>} : memref<2x2x128xi32, #tpu.memory_space<vmem>>, vector<16xi32>,
    %get3A_323 = arith.constant 0 : i32
    %get3A_324 = arith.index_cast %get3A_323 : i32 to index
    %get3A_325 = arith.constant 192 : index
    %get3A_326 = tpu.vector_load %arg5[%get3A_324, %get3A_325] {strides = array<i32>} : memref<2x256xf32, #tpu.memory_space<vmem>>, vector<16xf32>,
    %mul3A_327 = arith.constant 3.200000e+01 : f32
    %mul3A_328 = vector.broadcast %mul3A_327 : f32 to vector<16xf32>
    %mul3A_329 = arith.mulf %get3A_326, %mul3A_328 : vector<16xf32>
    %jit3A_330 = arith.constant 0.000000e+00 : f32
    %jit3A_331 = arith.constant 3.100000e+01 : f32
    %max3A_332 = vector.broadcast %jit3A_330 : f32 to vector<16xf32>
    %max3A_333 = arith.maximumf %max3A_332, %mul3A_329 : vector<16xf32>
    %min3A_334 = vector.broadcast %jit3A_331 : f32 to vector<16xf32>
    %min3A_335 = arith.minimumf %min3A_334, %max3A_333 : vector<16xf32>
    %convert_element_type3A_336 = arith.fptosi %min3A_335 : vector<16xf32> to vector<16xi32>
    %ne3A_337 = arith.cmpf one, %get3A_326, %get3A_326 : vector<16xf32>
    %broadcast_in_dim3A_338 = arith.constant 32 : i32
    %broadcast_in_dim3A_339 = vector.broadcast %broadcast_in_dim3A_338 : i32 to vector<16xi32>
    %select_n3A_340 = arith.select %ne3A_337, %broadcast_in_dim3A_339, %convert_element_type3A_336 : vector<16xi1>, vector<16xi32>
    %swap3A_341 = arith.constant 0 : i32
    %swap3A_342 = arith.constant 1 : i32
    %swap3A_343 = arith.index_cast %swap3A_341 : i32 to index
    %swap3A_344 = arith.index_cast %swap3A_342 : i32 to index
    %swap3A_345 = arith.constant 64 : index
    %swap3A_346 = tpu.vector_load %arg6[%swap3A_343, %swap3A_344, %swap3A_345] {strides = array<i32>} : memref<2x2x128xi32, #tpu.memory_space<vmem>>, vector<16xi32>,
    tpu.vector_store %arg6[%swap3A_343, %swap3A_344, %swap3A_345], %select_n3A_340 {strides = array<i32>} : memref<2x2x128xi32, #tpu.memory_space<vmem>>, vector<16xi32>,
    %get3A_347 = arith.constant 0 : i32
    %get3A_348 = arith.index_cast %get3A_347 : i32 to index
    %get3A_349 = arith.constant 208 : index
    %get3A_350 = tpu.vector_load %arg5[%get3A_348, %get3A_349] {strides = array<i32>} : memref<2x256xf32, #tpu.memory_space<vmem>>, vector<16xf32>,
    %mul3A_351 = arith.constant 3.200000e+01 : f32
    %mul3A_352 = vector.broadcast %mul3A_351 : f32 to vector<16xf32>
    %mul3A_353 = arith.mulf %get3A_350, %mul3A_352 : vector<16xf32>
    %jit3A_354 = arith.constant 0.000000e+00 : f32
    %jit3A_355 = arith.constant 3.100000e+01 : f32
    %max3A_356 = vector.broadcast %jit3A_354 : f32 to vector<16xf32>
    %max3A_357 = arith.maximumf %max3A_356, %mul3A_353 : vector<16xf32>
    %min3A_358 = vector.broadcast %jit3A_355 : f32 to vector<16xf32>
    %min3A_359 = arith.minimumf %min3A_358, %max3A_357 : vector<16xf32>
    %convert_element_type3A_360 = arith.fptosi %min3A_359 : vector<16xf32> to vector<16xi32>
    %ne3A_361 = arith.cmpf one, %get3A_350, %get3A_350 : vector<16xf32>
    %broadcast_in_dim3A_362 = arith.constant 32 : i32
    %broadcast_in_dim3A_363 = vector.broadcast %broadcast_in_dim3A_362 : i32 to vector<16xi32>
    %select_n3A_364 = arith.select %ne3A_361, %broadcast_in_dim3A_363, %convert_element_type3A_360 : vector<16xi1>, vector<16xi32>
    %swap3A_365 = arith.constant 0 : i32
    %swap3A_366 = arith.constant 1 : i32
    %swap3A_367 = arith.index_cast %swap3A_365 : i32 to index
    %swap3A_368 = arith.index_cast %swap3A_366 : i32 to index
    %swap3A_369 = arith.constant 80 : index
    %swap3A_370 = tpu.vector_load %arg6[%swap3A_367, %swap3A_368, %swap3A_369] {strides = array<i32>} : memref<2x2x128xi32, #tpu.memory_space<vmem>>, vector<16xi32>,
    tpu.vector_store %arg6[%swap3A_367, %swap3A_368, %swap3A_369], %select_n3A_364 {strides = array<i32>} : memref<2x2x128xi32, #tpu.memory_space<vmem>>, vector<16xi32>,
    %get3A_371 = arith.constant 0 : i32
    %get3A_372 = arith.index_cast %get3A_371 : i32 to index
    %get3A_373 = arith.constant 224 : index
    %get3A_374 = tpu.vector_load %arg5[%get3A_372, %get3A_373] {strides = array<i32>} : memref<2x256xf32, #tpu.memory_space<vmem>>, vector<16xf32>,
    %mul3A_375 = arith.constant 3.200000e+01 : f32
    %mul3A_376 = vector.broadcast %mul3A_375 : f32 to vector<16xf32>
    %mul3A_377 = arith.mulf %get3A_374, %mul3A_376 : vector<16xf32>
    %jit3A_378 = arith.constant 0.000000e+00 : f32
    %jit3A_379 = arith.constant 3.100000e+01 : f32
    %max3A_380 = vector.broadcast %jit3A_378 : f32 to vector<16xf32>
    %max3A_381 = arith.maximumf %max3A_380, %mul3A_377 : vector<16xf32>
    %min3A_382 = vector.broadcast %jit3A_379 : f32 to vector<16xf32>
    %min3A_383 = arith.minimumf %min3A_382, %max3A_381 : vector<16xf32>
    %convert_element_type3A_384 = arith.fptosi %min3A_383 : vector<16xf32> to vector<16xi32>
    %ne3A_385 = arith.cmpf one, %get3A_374, %get3A_374 : vector<16xf32>
    %broadcast_in_dim3A_386 = arith.constant 32 : i32
    %broadcast_in_dim3A_387 = vector.broadcast %broadcast_in_dim3A_386 : i32 to vector<16xi32>
    %select_n3A_388 = arith.select %ne3A_385, %broadcast_in_dim3A_387, %convert_element_type3A_384 : vector<16xi1>, vector<16xi32>
    %swap3A_389 = arith.constant 0 : i32
    %swap3A_390 = arith.constant 1 : i32
    %swap3A_391 = arith.index_cast %swap3A_389 : i32 to index
    %swap3A_392 = arith.index_cast %swap3A_390 : i32 to index
    %swap3A_393 = arith.constant 96 : index
    %swap3A_394 = tpu.vector_load %arg6[%swap3A_391, %swap3A_392, %swap3A_393] {strides = array<i32>} : memref<2x2x128xi32, #tpu.memory_space<vmem>>, vector<16xi32>,
    tpu.vector_store %arg6[%swap3A_391, %swap3A_392, %swap3A_393], %select_n3A_388 {strides = array<i32>} : memref<2x2x128xi32, #tpu.memory_space<vmem>>, vector<16xi32>,
    %get3A_395 = arith.constant 0 : i32
    %get3A_396 = arith.index_cast %get3A_395 : i32 to index
    %get3A_397 = arith.constant 240 : index
    %get3A_398 = tpu.vector_load %arg5[%get3A_396, %get3A_397] {strides = array<i32>} : memref<2x256xf32, #tpu.memory_space<vmem>>, vector<16xf32>,
    %mul3A_399 = arith.constant 3.200000e+01 : f32
    %mul3A_400 = vector.broadcast %mul3A_399 : f32 to vector<16xf32>
    %mul3A_401 = arith.mulf %get3A_398, %mul3A_400 : vector<16xf32>
    %jit3A_402 = arith.constant 0.000000e+00 : f32
    %jit3A_403 = arith.constant 3.100000e+01 : f32
    %max3A_404 = vector.broadcast %jit3A_402 : f32 to vector<16xf32>
    %max3A_405 = arith.maximumf %max3A_404, %mul3A_401 : vector<16xf32>
    %min3A_406 = vector.broadcast %jit3A_403 : f32 to vector<16xf32>
    %min3A_407 = arith.minimumf %min3A_406, %max3A_405 : vector<16xf32>
    %convert_element_type3A_408 = arith.fptosi %min3A_407 : vector<16xf32> to vector<16xi32>
    %ne3A_409 = arith.cmpf one, %get3A_398, %get3A_398 : vector<16xf32>
    %broadcast_in_dim3A_410 = arith.constant 32 : i32
    %broadcast_in_dim3A_411 = vector.broadcast %broadcast_in_dim3A_410 : i32 to vector<16xi32>
    %select_n3A_412 = arith.select %ne3A_409, %broadcast_in_dim3A_411, %convert_element_type3A_408 : vector<16xi1>, vector<16xi32>
    %swap3A_413 = arith.constant 0 : i32
    %swap3A_414 = arith.constant 1 : i32
    %swap3A_415 = arith.index_cast %swap3A_413 : i32 to index
    %swap3A_416 = arith.index_cast %swap3A_414 : i32 to index
    %swap3A_417 = arith.constant 112 : index
    %swap3A_418 = tpu.vector_load %arg6[%swap3A_415, %swap3A_416, %swap3A_417] {strides = array<i32>} : memref<2x2x128xi32, #tpu.memory_space<vmem>>, vector<16xi32>,
    tpu.vector_store %arg6[%swap3A_415, %swap3A_416, %swap3A_417], %select_n3A_412 {strides = array<i32>} : memref<2x2x128xi32, #tpu.memory_space<vmem>>, vector<16xi32>,
    %dma_start3A_419 = arith.constant 0 : i32
    %dma_start3A_420 = arith.constant 0 : i32
    %dma_start3A_421 = arith.constant 0 : i32
    %dma_start3A_422 = arith.constant 0 : i32
    %dma_start3A_423 = arith.constant 0 : i32
    %dma_start3A_424 = tpu.memref_slice %arg7[%dma_start3A_421, %dma_start3A_422, %dma_start3A_423] : memref<2x256x128xf32, #tpu.memory_space<vmem>> -> memref<1x256x128xf32, #tpu.memory_space<vmem>>
    %dma_start3A_425 = tpu.memref_squeeze %dma_start3A_424 : memref<1x256x128xf32, #tpu.memory_space<vmem>> -> memref<256x128xf32, #tpu.memory_space<vmem>>
    %dma_start3A_426 = arith.constant 0 : i32
    %dma_start3A_427 = arith.constant 0 : i32
    %dma_start3A_428 = tpu.memref_slice %dma_start3A_425[%dma_start3A_426, %dma_start3A_427] : memref<256x128xf32, #tpu.memory_space<vmem>> -> memref<128x128xf32, #tpu.memory_space<vmem>>
    %dma_start3A_429 = arith.constant 0 : i32
    %dma_start3A_430 = arith.constant 0 : i32
    %dma_start3A_431 = tpu.memref_slice %arg6[%dma_start3A_419, %dma_start3A_429, %dma_start3A_430] : memref<2x2x128xi32, #tpu.memory_space<vmem>> -> memref<1x2x128xi32, #tpu.memory_space<vmem>>
    %dma_start3A_432 = tpu.memref_squeeze %dma_start3A_431 : memref<1x2x128xi32, #tpu.memory_space<vmem>> -> memref<2x128xi32, #tpu.memory_space<vmem>>
    %dma_start3A_433 = arith.constant 0 : i32
    %dma_start3A_434 = tpu.memref_slice %dma_start3A_432[%dma_start3A_420, %dma_start3A_433] : memref<2x128xi32, #tpu.memory_space<vmem>> -> memref<1x128xi32, #tpu.memory_space<vmem>>
    %dma_start3A_435 = tpu.memref_squeeze %dma_start3A_434 : memref<1x128xi32, #tpu.memory_space<vmem>> -> memref<128xi32, #tpu.memory_space<vmem>>
    %dma_start3A_436 = arith.constant 0 : i32
    %dma_start3A_437 = arith.constant 0 : i32
    %dma_start3A_438 = tpu.memref_slice %arg9[%dma_start3A_436, %dma_start3A_437] : memref<33x128xf32, #tpu.memory_space<vmem_shared>> -> memref<33x128xf32, #tpu.memory_space<vmem_shared>>
    tpu.enqueue_indirect_dma source(%dma_start3A_438 : memref<33x128xf32, #tpu.memory_space<vmem_shared>>) target(%dma_start3A_428 : memref<128x128xf32, #tpu.memory_space<vmem>>) offsets(%dma_start3A_435 : memref<128xi32, #tpu.memory_space<vmem>>) semaphore(%arg12 : memref<!tpu.dma_semaphore, #tpu.memory_space<semaphore_mem>>)
    %dma_start3A_439 = arith.constant 0 : i32
    %dma_start3A_440 = arith.constant 1 : i32
    %dma_start3A_441 = arith.constant 0 : i32
    %dma_start3A_442 = arith.constant 0 : i32
    %dma_start3A_443 = arith.constant 0 : i32
    %dma_start3A_444 = tpu.memref_slice %arg7[%dma_start3A_441, %dma_start3A_442, %dma_start3A_443] : memref<2x256x128xf32, #tpu.memory_space<vmem>> -> memref<1x256x128xf32, #tpu.memory_space<vmem>>
    %dma_start3A_445 = tpu.memref_squeeze %dma_start3A_444 : memref<1x256x128xf32, #tpu.memory_space<vmem>> -> memref<256x128xf32, #tpu.memory_space<vmem>>
    %dma_start3A_446 = arith.constant 128 : i32
    %dma_start3A_447 = arith.constant 0 : i32
    %dma_start3A_448 = tpu.memref_slice %dma_start3A_445[%dma_start3A_446, %dma_start3A_447] : memref<256x128xf32, #tpu.memory_space<vmem>> -> memref<128x128xf32, #tpu.memory_space<vmem>>
    %dma_start3A_449 = arith.constant 0 : i32
    %dma_start3A_450 = arith.constant 0 : i32
    %dma_start3A_451 = tpu.memref_slice %arg6[%dma_start3A_439, %dma_start3A_449, %dma_start3A_450] : memref<2x2x128xi32, #tpu.memory_space<vmem>> -> memref<1x2x128xi32, #tpu.memory_space<vmem>>
    %dma_start3A_452 = tpu.memref_squeeze %dma_start3A_451 : memref<1x2x128xi32, #tpu.memory_space<vmem>> -> memref<2x128xi32, #tpu.memory_space<vmem>>
    %dma_start3A_453 = arith.constant 0 : i32
    %dma_start3A_454 = tpu.memref_slice %dma_start3A_452[%dma_start3A_440, %dma_start3A_453] : memref<2x128xi32, #tpu.memory_space<vmem>> -> memref<1x128xi32, #tpu.memory_space<vmem>>
    %dma_start3A_455 = tpu.memref_squeeze %dma_start3A_454 : memref<1x128xi32, #tpu.memory_space<vmem>> -> memref<128xi32, #tpu.memory_space<vmem>>
    %dma_start3A_456 = arith.constant 0 : i32
    %dma_start3A_457 = arith.constant 0 : i32
    %dma_start3A_458 = tpu.memref_slice %arg9[%dma_start3A_456, %dma_start3A_457] : memref<33x128xf32, #tpu.memory_space<vmem_shared>> -> memref<33x128xf32, #tpu.memory_space<vmem_shared>>
    tpu.enqueue_indirect_dma source(%dma_start3A_458 : memref<33x128xf32, #tpu.memory_space<vmem_shared>>) target(%dma_start3A_448 : memref<128x128xf32, #tpu.memory_space<vmem>>) offsets(%dma_start3A_455 : memref<128xi32, #tpu.memory_space<vmem>>) semaphore(%arg12 : memref<!tpu.dma_semaphore, #tpu.memory_space<semaphore_mem>>)
    %min3A_459 = arith.constant 1 : i32
    %min3A_460 = arith.constant 99 : i32
    %min3A_461 = arith.minsi %min3A_459, %min3A_460 : i32
    %shift_right_arithmetic3A_462 = arith.constant 1 : i32
    %shift_right_arithmetic3A_463 = arith.shrsi %min3A_461, %shift_right_arithmetic3A_462 : i32
    %and3A_464 = arith.constant 1 : i32
    %and3A_465 = arith.andi %min3A_461, %and3A_464 : i32
    %mul3A_466 = arith.constant 256 : i32
    %mul3A_467 = arith.muli %and3A_465, %mul3A_466 : i32
    %add3A_468 = arith.addi %mul3A_2, %mul3A_467 : i32
    %dma_start3A_469 = arith.constant 1 : i32
    %dma_start3A_470 = arith.constant 0 : i32
    %dma_start3A_471 = tpu.memref_slice %arg5[%dma_start3A_469, %dma_start3A_470] : memref<2x256xf32, #tpu.memory_space<vmem>> -> memref<1x256xf32, #tpu.memory_space<vmem>>
    %dma_start3A_472 = tpu.memref_squeeze %dma_start3A_471 : memref<1x256xf32, #tpu.memory_space<vmem>> -> memref<256xf32, #tpu.memory_space<vmem>>
    %dma_start3A_473 = tpu.memref_slice %arg2[%shift_right_arithmetic3A_463, %add3A_468] : memref<50x16384xf32, #tpu.memory_space<hbm>> -> memref<1x256xf32, #tpu.memory_space<hbm>>
    %dma_start3A_474 = tpu.memref_squeeze %dma_start3A_473 : memref<1x256xf32, #tpu.memory_space<hbm>> -> memref<256xf32, #tpu.memory_space<hbm>>
    %dma_start3A_475 = arith.constant 0 : i32
    %dma_start3A_476 = tpu.memref_slice %arg5[%dma_start3A_469, %dma_start3A_475] : memref<2x256xf32, #tpu.memory_space<vmem>> -> memref<1x256xf32, #tpu.memory_space<vmem>>
    %dma_start3A_477 = tpu.memref_squeeze %dma_start3A_476 : memref<1x256xf32, #tpu.memory_space<vmem>> -> memref<256xf32, #tpu.memory_space<vmem>>
    %dma_start3A_478 = tpu.memref_slice %arg2[%shift_right_arithmetic3A_463, %add3A_468] : memref<50x16384xf32, #tpu.memory_space<hbm>> -> memref<1x256xf32, #tpu.memory_space<hbm>>
    %dma_start3A_479 = tpu.memref_squeeze %dma_start3A_478 : memref<1x256xf32, #tpu.memory_space<hbm>> -> memref<256xf32, #tpu.memory_space<hbm>>
    tpu.enqueue_dma source(%dma_start3A_479 : memref<256xf32, #tpu.memory_space<hbm>>) target(%dma_start3A_477 : memref<256xf32, #tpu.memory_space<vmem>>) target_semaphore(%arg11 : memref<!tpu.dma_semaphore, #tpu.memory_space<semaphore_mem>>)
    %min3A_480 = arith.constant 1 : i32
    %min3A_481 = arith.constant 99 : i32
    %min3A_482 = arith.minsi %min3A_480, %min3A_481 : i32
    %shift_right_arithmetic3A_483 = arith.constant 1 : i32
    %shift_right_arithmetic3A_484 = arith.shrsi %min3A_482, %shift_right_arithmetic3A_483 : i32
    %and3A_485 = arith.constant 1 : i32
    %and3A_486 = arith.andi %min3A_482, %and3A_485 : i32
    %mul3A_487 = arith.constant 256 : i32
    %mul3A_488 = arith.muli %and3A_486, %mul3A_487 : i32
    %add3A_489 = arith.addi %mul3A_2, %mul3A_488 : i32
    %dma_wait3A_490 = arith.constant 1 : i32
    %dma_wait3A_491 = arith.constant 0 : i32
    %dma_wait3A_492 = tpu.memref_slice %arg5[%dma_wait3A_490, %dma_wait3A_491] : memref<2x256xf32, #tpu.memory_space<vmem>> -> memref<1x256xf32, #tpu.memory_space<vmem>>
    %dma_wait3A_493 = tpu.memref_squeeze %dma_wait3A_492 : memref<1x256xf32, #tpu.memory_space<vmem>> -> memref<256xf32, #tpu.memory_space<vmem>>
    %dma_wait3A_494 = tpu.memref_slice %arg2[%shift_right_arithmetic3A_484, %add3A_489] : memref<50x16384xf32, #tpu.memory_space<hbm>> -> memref<1x256xf32, #tpu.memory_space<hbm>>
    %dma_wait3A_495 = tpu.memref_squeeze %dma_wait3A_494 : memref<1x256xf32, #tpu.memory_space<hbm>> -> memref<256xf32, #tpu.memory_space<hbm>>
    %dma_wait3A_496 = arith.constant 0 : i32
    %dma_wait3A_497 = tpu.memref_slice %arg5[%dma_wait3A_490, %dma_wait3A_496] : memref<2x256xf32, #tpu.memory_space<vmem>> -> memref<1x256xf32, #tpu.memory_space<vmem>>
    %dma_wait3A_498 = tpu.memref_squeeze %dma_wait3A_497 : memref<1x256xf32, #tpu.memory_space<vmem>> -> memref<256xf32, #tpu.memory_space<vmem>>
    %dma_wait3A_499 = tpu.memref_slice %arg2[%shift_right_arithmetic3A_484, %add3A_489] : memref<50x16384xf32, #tpu.memory_space<hbm>> -> memref<1x256xf32, #tpu.memory_space<hbm>>
    %dma_wait3A_500 = tpu.memref_squeeze %dma_wait3A_499 : memref<1x256xf32, #tpu.memory_space<hbm>> -> memref<256xf32, #tpu.memory_space<hbm>>
    tpu.wait_dma2 semaphore(%arg11 : memref<!tpu.dma_semaphore, #tpu.memory_space<semaphore_mem>>) src(%dma_wait3A_500 : memref<256xf32, #tpu.memory_space<hbm>>) dst(%dma_wait3A_498 : memref<256xf32, #tpu.memory_space<vmem>>)
    %get3A_501 = arith.constant 1 : i32
    %get3A_502 = arith.index_cast %get3A_501 : i32 to index
    %get3A_503 = arith.constant 0 : index
    %get3A_504 = tpu.vector_load %arg5[%get3A_502, %get3A_503] {strides = array<i32>} : memref<2x256xf32, #tpu.memory_space<vmem>>, vector<16xf32>,
    %mul3A_505 = arith.constant 3.200000e+01 : f32
    %mul3A_506 = vector.broadcast %mul3A_505 : f32 to vector<16xf32>
    %mul3A_507 = arith.mulf %get3A_504, %mul3A_506 : vector<16xf32>
    %jit3A_508 = arith.constant 0.000000e+00 : f32
    %jit3A_509 = arith.constant 3.100000e+01 : f32
    %max3A_510 = vector.broadcast %jit3A_508 : f32 to vector<16xf32>
    %max3A_511 = arith.maximumf %max3A_510, %mul3A_507 : vector<16xf32>
    %min3A_512 = vector.broadcast %jit3A_509 : f32 to vector<16xf32>
    %min3A_513 = arith.minimumf %min3A_512, %max3A_511 : vector<16xf32>
    %convert_element_type3A_514 = arith.fptosi %min3A_513 : vector<16xf32> to vector<16xi32>
    %ne3A_515 = arith.cmpf one, %get3A_504, %get3A_504 : vector<16xf32>
    %broadcast_in_dim3A_516 = arith.constant 32 : i32
    %broadcast_in_dim3A_517 = vector.broadcast %broadcast_in_dim3A_516 : i32 to vector<16xi32>
    %select_n3A_518 = arith.select %ne3A_515, %broadcast_in_dim3A_517, %convert_element_type3A_514 : vector<16xi1>, vector<16xi32>
    %swap3A_519 = arith.constant 1 : i32
    %swap3A_520 = arith.constant 0 : i32
    %swap3A_521 = arith.index_cast %swap3A_519 : i32 to index
    %swap3A_522 = arith.index_cast %swap3A_520 : i32 to index
    %swap3A_523 = arith.constant 0 : index
    %swap3A_524 = tpu.vector_load %arg6[%swap3A_521, %swap3A_522, %swap3A_523] {strides = array<i32>} : memref<2x2x128xi32, #tpu.memory_space<vmem>>, vector<16xi32>,
    tpu.vector_store %arg6[%swap3A_521, %swap3A_522, %swap3A_523], %select_n3A_518 {strides = array<i32>} : memref<2x2x128xi32, #tpu.memory_space<vmem>>, vector<16xi32>,
    %get3A_525 = arith.constant 1 : i32
    %get3A_526 = arith.index_cast %get3A_525 : i32 to index
    %get3A_527 = arith.constant 16 : index
    %get3A_528 = tpu.vector_load %arg5[%get3A_526, %get3A_527] {strides = array<i32>} : memref<2x256xf32, #tpu.memory_space<vmem>>, vector<16xf32>,
    %mul3A_529 = arith.constant 3.200000e+01 : f32
    %mul3A_530 = vector.broadcast %mul3A_529 : f32 to vector<16xf32>
    %mul3A_531 = arith.mulf %get3A_528, %mul3A_530 : vector<16xf32>
    %jit3A_532 = arith.constant 0.000000e+00 : f32
    %jit3A_533 = arith.constant 3.100000e+01 : f32
    %max3A_534 = vector.broadcast %jit3A_532 : f32 to vector<16xf32>
    %max3A_535 = arith.maximumf %max3A_534, %mul3A_531 : vector<16xf32>
    %min3A_536 = vector.broadcast %jit3A_533 : f32 to vector<16xf32>
    %min3A_537 = arith.minimumf %min3A_536, %max3A_535 : vector<16xf32>
    %convert_element_type3A_538 = arith.fptosi %min3A_537 : vector<16xf32> to vector<16xi32>
    %ne3A_539 = arith.cmpf one, %get3A_528, %get3A_528 : vector<16xf32>
    %broadcast_in_dim3A_540 = arith.constant 32 : i32
    %broadcast_in_dim3A_541 = vector.broadcast %broadcast_in_dim3A_540 : i32 to vector<16xi32>
    %select_n3A_542 = arith.select %ne3A_539, %broadcast_in_dim3A_541, %convert_element_type3A_538 : vector<16xi1>, vector<16xi32>
    %swap3A_543 = arith.constant 1 : i32
    %swap3A_544 = arith.constant 0 : i32
    %swap3A_545 = arith.index_cast %swap3A_543 : i32 to index
    %swap3A_546 = arith.index_cast %swap3A_544 : i32 to index
    %swap3A_547 = arith.constant 16 : index
    %swap3A_548 = tpu.vector_load %arg6[%swap3A_545, %swap3A_546, %swap3A_547] {strides = array<i32>} : memref<2x2x128xi32, #tpu.memory_space<vmem>>, vector<16xi32>,
    tpu.vector_store %arg6[%swap3A_545, %swap3A_546, %swap3A_547], %select_n3A_542 {strides = array<i32>} : memref<2x2x128xi32, #tpu.memory_space<vmem>>, vector<16xi32>,
    %get3A_549 = arith.constant 1 : i32
    %get3A_550 = arith.index_cast %get3A_549 : i32 to index
    %get3A_551 = arith.constant 32 : index
    %get3A_552 = tpu.vector_load %arg5[%get3A_550, %get3A_551] {strides = array<i32>} : memref<2x256xf32, #tpu.memory_space<vmem>>, vector<16xf32>,
    %mul3A_553 = arith.constant 3.200000e+01 : f32
    %mul3A_554 = vector.broadcast %mul3A_553 : f32 to vector<16xf32>
    %mul3A_555 = arith.mulf %get3A_552, %mul3A_554 : vector<16xf32>
    %jit3A_556 = arith.constant 0.000000e+00 : f32
    %jit3A_557 = arith.constant 3.100000e+01 : f32
    %max3A_558 = vector.broadcast %jit3A_556 : f32 to vector<16xf32>
    %max3A_559 = arith.maximumf %max3A_558, %mul3A_555 : vector<16xf32>
    %min3A_560 = vector.broadcast %jit3A_557 : f32 to vector<16xf32>
    %min3A_561 = arith.minimumf %min3A_560, %max3A_559 : vector<16xf32>
    %convert_element_type3A_562 = arith.fptosi %min3A_561 : vector<16xf32> to vector<16xi32>
    %ne3A_563 = arith.cmpf one, %get3A_552, %get3A_552 : vector<16xf32>
    %broadcast_in_dim3A_564 = arith.constant 32 : i32
    %broadcast_in_dim3A_565 = vector.broadcast %broadcast_in_dim3A_564 : i32 to vector<16xi32>
    %select_n3A_566 = arith.select %ne3A_563, %broadcast_in_dim3A_565, %convert_element_type3A_562 : vector<16xi1>, vector<16xi32>
    %swap3A_567 = arith.constant 1 : i32
    %swap3A_568 = arith.constant 0 : i32
    %swap3A_569 = arith.index_cast %swap3A_567 : i32 to index
    %swap3A_570 = arith.index_cast %swap3A_568 : i32 to index
    %swap3A_571 = arith.constant 32 : index
    %swap3A_572 = tpu.vector_load %arg6[%swap3A_569, %swap3A_570, %swap3A_571] {strides = array<i32>} : memref<2x2x128xi32, #tpu.memory_space<vmem>>, vector<16xi32>,
    tpu.vector_store %arg6[%swap3A_569, %swap3A_570, %swap3A_571], %select_n3A_566 {strides = array<i32>} : memref<2x2x128xi32, #tpu.memory_space<vmem>>, vector<16xi32>,
    %get3A_573 = arith.constant 1 : i32
    %get3A_574 = arith.index_cast %get3A_573 : i32 to index
    %get3A_575 = arith.constant 48 : index
    %get3A_576 = tpu.vector_load %arg5[%get3A_574, %get3A_575] {strides = array<i32>} : memref<2x256xf32, #tpu.memory_space<vmem>>, vector<16xf32>,
    %mul3A_577 = arith.constant 3.200000e+01 : f32
    %mul3A_578 = vector.broadcast %mul3A_577 : f32 to vector<16xf32>
    %mul3A_579 = arith.mulf %get3A_576, %mul3A_578 : vector<16xf32>
    %jit3A_580 = arith.constant 0.000000e+00 : f32
    %jit3A_581 = arith.constant 3.100000e+01 : f32
    %max3A_582 = vector.broadcast %jit3A_580 : f32 to vector<16xf32>
    %max3A_583 = arith.maximumf %max3A_582, %mul3A_579 : vector<16xf32>
    %min3A_584 = vector.broadcast %jit3A_581 : f32 to vector<16xf32>
    %min3A_585 = arith.minimumf %min3A_584, %max3A_583 : vector<16xf32>
    %convert_element_type3A_586 = arith.fptosi %min3A_585 : vector<16xf32> to vector<16xi32>
    %ne3A_587 = arith.cmpf one, %get3A_576, %get3A_576 : vector<16xf32>
    %broadcast_in_dim3A_588 = arith.constant 32 : i32
    %broadcast_in_dim3A_589 = vector.broadcast %broadcast_in_dim3A_588 : i32 to vector<16xi32>
    %select_n3A_590 = arith.select %ne3A_587, %broadcast_in_dim3A_589, %convert_element_type3A_586 : vector<16xi1>, vector<16xi32>
    %swap3A_591 = arith.constant 1 : i32
    %swap3A_592 = arith.constant 0 : i32
    %swap3A_593 = arith.index_cast %swap3A_591 : i32 to index
    %swap3A_594 = arith.index_cast %swap3A_592 : i32 to index
    %swap3A_595 = arith.constant 48 : index
    %swap3A_596 = tpu.vector_load %arg6[%swap3A_593, %swap3A_594, %swap3A_595] {strides = array<i32>} : memref<2x2x128xi32, #tpu.memory_space<vmem>>, vector<16xi32>,
    tpu.vector_store %arg6[%swap3A_593, %swap3A_594, %swap3A_595], %select_n3A_590 {strides = array<i32>} : memref<2x2x128xi32, #tpu.memory_space<vmem>>, vector<16xi32>,
    %get3A_597 = arith.constant 1 : i32
    %get3A_598 = arith.index_cast %get3A_597 : i32 to index
    %get3A_599 = arith.constant 64 : index
    %get3A_600 = tpu.vector_load %arg5[%get3A_598, %get3A_599] {strides = array<i32>} : memref<2x256xf32, #tpu.memory_space<vmem>>, vector<16xf32>,
    %mul3A_601 = arith.constant 3.200000e+01 : f32
    %mul3A_602 = vector.broadcast %mul3A_601 : f32 to vector<16xf32>
    %mul3A_603 = arith.mulf %get3A_600, %mul3A_602 : vector<16xf32>
    %jit3A_604 = arith.constant 0.000000e+00 : f32
    %jit3A_605 = arith.constant 3.100000e+01 : f32
    %max3A_606 = vector.broadcast %jit3A_604 : f32 to vector<16xf32>
    %max3A_607 = arith.maximumf %max3A_606, %mul3A_603 : vector<16xf32>
    %min3A_608 = vector.broadcast %jit3A_605 : f32 to vector<16xf32>
    %min3A_609 = arith.minimumf %min3A_608, %max3A_607 : vector<16xf32>
    %convert_element_type3A_610 = arith.fptosi %min3A_609 : vector<16xf32> to vector<16xi32>
    %ne3A_611 = arith.cmpf one, %get3A_600, %get3A_600 : vector<16xf32>
    %broadcast_in_dim3A_612 = arith.constant 32 : i32
    %broadcast_in_dim3A_613 = vector.broadcast %broadcast_in_dim3A_612 : i32 to vector<16xi32>
    %select_n3A_614 = arith.select %ne3A_611, %broadcast_in_dim3A_613, %convert_element_type3A_610 : vector<16xi1>, vector<16xi32>
    %swap3A_615 = arith.constant 1 : i32
    %swap3A_616 = arith.constant 0 : i32
    %swap3A_617 = arith.index_cast %swap3A_615 : i32 to index
    %swap3A_618 = arith.index_cast %swap3A_616 : i32 to index
    %swap3A_619 = arith.constant 64 : index
    %swap3A_620 = tpu.vector_load %arg6[%swap3A_617, %swap3A_618, %swap3A_619] {strides = array<i32>} : memref<2x2x128xi32, #tpu.memory_space<vmem>>, vector<16xi32>,
    tpu.vector_store %arg6[%swap3A_617, %swap3A_618, %swap3A_619], %select_n3A_614 {strides = array<i32>} : memref<2x2x128xi32, #tpu.memory_space<vmem>>, vector<16xi32>,
    %get3A_621 = arith.constant 1 : i32
    %get3A_622 = arith.index_cast %get3A_621 : i32 to index
    %get3A_623 = arith.constant 80 : index
    %get3A_624 = tpu.vector_load %arg5[%get3A_622, %get3A_623] {strides = array<i32>} : memref<2x256xf32, #tpu.memory_space<vmem>>, vector<16xf32>,
    %mul3A_625 = arith.constant 3.200000e+01 : f32
    %mul3A_626 = vector.broadcast %mul3A_625 : f32 to vector<16xf32>
    %mul3A_627 = arith.mulf %get3A_624, %mul3A_626 : vector<16xf32>
    %jit3A_628 = arith.constant 0.000000e+00 : f32
    %jit3A_629 = arith.constant 3.100000e+01 : f32
    %max3A_630 = vector.broadcast %jit3A_628 : f32 to vector<16xf32>
    %max3A_631 = arith.maximumf %max3A_630, %mul3A_627 : vector<16xf32>
    %min3A_632 = vector.broadcast %jit3A_629 : f32 to vector<16xf32>
    %min3A_633 = arith.minimumf %min3A_632, %max3A_631 : vector<16xf32>
    %convert_element_type3A_634 = arith.fptosi %min3A_633 : vector<16xf32> to vector<16xi32>
    %ne3A_635 = arith.cmpf one, %get3A_624, %get3A_624 : vector<16xf32>
    %broadcast_in_dim3A_636 = arith.constant 32 : i32
    %broadcast_in_dim3A_637 = vector.broadcast %broadcast_in_dim3A_636 : i32 to vector<16xi32>
    %select_n3A_638 = arith.select %ne3A_635, %broadcast_in_dim3A_637, %convert_element_type3A_634 : vector<16xi1>, vector<16xi32>
    %swap3A_639 = arith.constant 1 : i32
    %swap3A_640 = arith.constant 0 : i32
    %swap3A_641 = arith.index_cast %swap3A_639 : i32 to index
    %swap3A_642 = arith.index_cast %swap3A_640 : i32 to index
    %swap3A_643 = arith.constant 80 : index
    %swap3A_644 = tpu.vector_load %arg6[%swap3A_641, %swap3A_642, %swap3A_643] {strides = array<i32>} : memref<2x2x128xi32, #tpu.memory_space<vmem>>, vector<16xi32>,
    tpu.vector_store %arg6[%swap3A_641, %swap3A_642, %swap3A_643], %select_n3A_638 {strides = array<i32>} : memref<2x2x128xi32, #tpu.memory_space<vmem>>, vector<16xi32>,
    %get3A_645 = arith.constant 1 : i32
    %get3A_646 = arith.index_cast %get3A_645 : i32 to index
    %get3A_647 = arith.constant 96 : index
    %get3A_648 = tpu.vector_load %arg5[%get3A_646, %get3A_647] {strides = array<i32>} : memref<2x256xf32, #tpu.memory_space<vmem>>, vector<16xf32>,
    %mul3A_649 = arith.constant 3.200000e+01 : f32
    %mul3A_650 = vector.broadcast %mul3A_649 : f32 to vector<16xf32>
    %mul3A_651 = arith.mulf %get3A_648, %mul3A_650 : vector<16xf32>
    %jit3A_652 = arith.constant 0.000000e+00 : f32
    %jit3A_653 = arith.constant 3.100000e+01 : f32
    %max3A_654 = vector.broadcast %jit3A_652 : f32 to vector<16xf32>
    %max3A_655 = arith.maximumf %max3A_654, %mul3A_651 : vector<16xf32>
    %min3A_656 = vector.broadcast %jit3A_653 : f32 to vector<16xf32>
    %min3A_657 = arith.minimumf %min3A_656, %max3A_655 : vector<16xf32>
    %convert_element_type3A_658 = arith.fptosi %min3A_657 : vector<16xf32> to vector<16xi32>
    %ne3A_659 = arith.cmpf one, %get3A_648, %get3A_648 : vector<16xf32>
    %broadcast_in_dim3A_660 = arith.constant 32 : i32
    %broadcast_in_dim3A_661 = vector.broadcast %broadcast_in_dim3A_660 : i32 to vector<16xi32>
    %select_n3A_662 = arith.select %ne3A_659, %broadcast_in_dim3A_661, %convert_element_type3A_658 : vector<16xi1>, vector<16xi32>
    %swap3A_663 = arith.constant 1 : i32
    %swap3A_664 = arith.constant 0 : i32
    %swap3A_665 = arith.index_cast %swap3A_663 : i32 to index
    %swap3A_666 = arith.index_cast %swap3A_664 : i32 to index
    %swap3A_667 = arith.constant 96 : index
    %swap3A_668 = tpu.vector_load %arg6[%swap3A_665, %swap3A_666, %swap3A_667] {strides = array<i32>} : memref<2x2x128xi32, #tpu.memory_space<vmem>>, vector<16xi32>,
    tpu.vector_store %arg6[%swap3A_665, %swap3A_666, %swap3A_667], %select_n3A_662 {strides = array<i32>} : memref<2x2x128xi32, #tpu.memory_space<vmem>>, vector<16xi32>,
    %get3A_669 = arith.constant 1 : i32
    %get3A_670 = arith.index_cast %get3A_669 : i32 to index
    %get3A_671 = arith.constant 112 : index
    %get3A_672 = tpu.vector_load %arg5[%get3A_670, %get3A_671] {strides = array<i32>} : memref<2x256xf32, #tpu.memory_space<vmem>>, vector<16xf32>,
    %mul3A_673 = arith.constant 3.200000e+01 : f32
    %mul3A_674 = vector.broadcast %mul3A_673 : f32 to vector<16xf32>
    %mul3A_675 = arith.mulf %get3A_672, %mul3A_674 : vector<16xf32>
    %jit3A_676 = arith.constant 0.000000e+00 : f32
    %jit3A_677 = arith.constant 3.100000e+01 : f32
    %max3A_678 = vector.broadcast %jit3A_676 : f32 to vector<16xf32>
    %max3A_679 = arith.maximumf %max3A_678, %mul3A_675 : vector<16xf32>
    %min3A_680 = vector.broadcast %jit3A_677 : f32 to vector<16xf32>
    %min3A_681 = arith.minimumf %min3A_680, %max3A_679 : vector<16xf32>
    %convert_element_type3A_682 = arith.fptosi %min3A_681 : vector<16xf32> to vector<16xi32>
    %ne3A_683 = arith.cmpf one, %get3A_672, %get3A_672 : vector<16xf32>
    %broadcast_in_dim3A_684 = arith.constant 32 : i32
    %broadcast_in_dim3A_685 = vector.broadcast %broadcast_in_dim3A_684 : i32 to vector<16xi32>
    %select_n3A_686 = arith.select %ne3A_683, %broadcast_in_dim3A_685, %convert_element_type3A_682 : vector<16xi1>, vector<16xi32>
    %swap3A_687 = arith.constant 1 : i32
    %swap3A_688 = arith.constant 0 : i32
    %swap3A_689 = arith.index_cast %swap3A_687 : i32 to index
    %swap3A_690 = arith.index_cast %swap3A_688 : i32 to index
    %swap3A_691 = arith.constant 112 : index
    %swap3A_692 = tpu.vector_load %arg6[%swap3A_689, %swap3A_690, %swap3A_691] {strides = array<i32>} : memref<2x2x128xi32, #tpu.memory_space<vmem>>, vector<16xi32>,
    tpu.vector_store %arg6[%swap3A_689, %swap3A_690, %swap3A_691], %select_n3A_686 {strides = array<i32>} : memref<2x2x128xi32, #tpu.memory_space<vmem>>, vector<16xi32>,
    %get3A_693 = arith.constant 1 : i32
    %get3A_694 = arith.index_cast %get3A_693 : i32 to index
    %get3A_695 = arith.constant 128 : index
    %get3A_696 = tpu.vector_load %arg5[%get3A_694, %get3A_695] {strides = array<i32>} : memref<2x256xf32, #tpu.memory_space<vmem>>, vector<16xf32>,
    %mul3A_697 = arith.constant 3.200000e+01 : f32
    %mul3A_698 = vector.broadcast %mul3A_697 : f32 to vector<16xf32>
    %mul3A_699 = arith.mulf %get3A_696, %mul3A_698 : vector<16xf32>
    %jit3A_700 = arith.constant 0.000000e+00 : f32
    %jit3A_701 = arith.constant 3.100000e+01 : f32
    %max3A_702 = vector.broadcast %jit3A_700 : f32 to vector<16xf32>
    %max3A_703 = arith.maximumf %max3A_702, %mul3A_699 : vector<16xf32>
    %min3A_704 = vector.broadcast %jit3A_701 : f32 to vector<16xf32>
    %min3A_705 = arith.minimumf %min3A_704, %max3A_703 : vector<16xf32>
    %convert_element_type3A_706 = arith.fptosi %min3A_705 : vector<16xf32> to vector<16xi32>
    %ne3A_707 = arith.cmpf one, %get3A_696, %get3A_696 : vector<16xf32>
    %broadcast_in_dim3A_708 = arith.constant 32 : i32
    %broadcast_in_dim3A_709 = vector.broadcast %broadcast_in_dim3A_708 : i32 to vector<16xi32>
    %select_n3A_710 = arith.select %ne3A_707, %broadcast_in_dim3A_709, %convert_element_type3A_706 : vector<16xi1>, vector<16xi32>
    %swap3A_711 = arith.constant 1 : i32
    %swap3A_712 = arith.constant 1 : i32
    %swap3A_713 = arith.index_cast %swap3A_711 : i32 to index
    %swap3A_714 = arith.index_cast %swap3A_712 : i32 to index
    %swap3A_715 = arith.constant 0 : index
    %swap3A_716 = tpu.vector_load %arg6[%swap3A_713, %swap3A_714, %swap3A_715] {strides = array<i32>} : memref<2x2x128xi32, #tpu.memory_space<vmem>>, vector<16xi32>,
    tpu.vector_store %arg6[%swap3A_713, %swap3A_714, %swap3A_715], %select_n3A_710 {strides = array<i32>} : memref<2x2x128xi32, #tpu.memory_space<vmem>>, vector<16xi32>,
    %get3A_717 = arith.constant 1 : i32
    %get3A_718 = arith.index_cast %get3A_717 : i32 to index
    %get3A_719 = arith.constant 144 : index
    %get3A_720 = tpu.vector_load %arg5[%get3A_718, %get3A_719] {strides = array<i32>} : memref<2x256xf32, #tpu.memory_space<vmem>>, vector<16xf32>,
    %mul3A_721 = arith.constant 3.200000e+01 : f32
    %mul3A_722 = vector.broadcast %mul3A_721 : f32 to vector<16xf32>
    %mul3A_723 = arith.mulf %get3A_720, %mul3A_722 : vector<16xf32>
    %jit3A_724 = arith.constant 0.000000e+00 : f32
    %jit3A_725 = arith.constant 3.100000e+01 : f32
    %max3A_726 = vector.broadcast %jit3A_724 : f32 to vector<16xf32>
    %max3A_727 = arith.maximumf %max3A_726, %mul3A_723 : vector<16xf32>
    %min3A_728 = vector.broadcast %jit3A_725 : f32 to vector<16xf32>
    %min3A_729 = arith.minimumf %min3A_728, %max3A_727 : vector<16xf32>
    %convert_element_type3A_730 = arith.fptosi %min3A_729 : vector<16xf32> to vector<16xi32>
    %ne3A_731 = arith.cmpf one, %get3A_720, %get3A_720 : vector<16xf32>
    %broadcast_in_dim3A_732 = arith.constant 32 : i32
    %broadcast_in_dim3A_733 = vector.broadcast %broadcast_in_dim3A_732 : i32 to vector<16xi32>
    %select_n3A_734 = arith.select %ne3A_731, %broadcast_in_dim3A_733, %convert_element_type3A_730 : vector<16xi1>, vector<16xi32>
    %swap3A_735 = arith.constant 1 : i32
    %swap3A_736 = arith.constant 1 : i32
    %swap3A_737 = arith.index_cast %swap3A_735 : i32 to index
    %swap3A_738 = arith.index_cast %swap3A_736 : i32 to index
    %swap3A_739 = arith.constant 16 : index
    %swap3A_740 = tpu.vector_load %arg6[%swap3A_737, %swap3A_738, %swap3A_739] {strides = array<i32>} : memref<2x2x128xi32, #tpu.memory_space<vmem>>, vector<16xi32>,
    tpu.vector_store %arg6[%swap3A_737, %swap3A_738, %swap3A_739], %select_n3A_734 {strides = array<i32>} : memref<2x2x128xi32, #tpu.memory_space<vmem>>, vector<16xi32>,
    %get3A_741 = arith.constant 1 : i32
    %get3A_742 = arith.index_cast %get3A_741 : i32 to index
    %get3A_743 = arith.constant 160 : index
    %get3A_744 = tpu.vector_load %arg5[%get3A_742, %get3A_743] {strides = array<i32>} : memref<2x256xf32, #tpu.memory_space<vmem>>, vector<16xf32>,
    %mul3A_745 = arith.constant 3.200000e+01 : f32
    %mul3A_746 = vector.broadcast %mul3A_745 : f32 to vector<16xf32>
    %mul3A_747 = arith.mulf %get3A_744, %mul3A_746 : vector<16xf32>
    %jit3A_748 = arith.constant 0.000000e+00 : f32
    %jit3A_749 = arith.constant 3.100000e+01 : f32
    %max3A_750 = vector.broadcast %jit3A_748 : f32 to vector<16xf32>
    %max3A_751 = arith.maximumf %max3A_750, %mul3A_747 : vector<16xf32>
    %min3A_752 = vector.broadcast %jit3A_749 : f32 to vector<16xf32>
    %min3A_753 = arith.minimumf %min3A_752, %max3A_751 : vector<16xf32>
    %convert_element_type3A_754 = arith.fptosi %min3A_753 : vector<16xf32> to vector<16xi32>
    %ne3A_755 = arith.cmpf one, %get3A_744, %get3A_744 : vector<16xf32>
    %broadcast_in_dim3A_756 = arith.constant 32 : i32
    %broadcast_in_dim3A_757 = vector.broadcast %broadcast_in_dim3A_756 : i32 to vector<16xi32>
    %select_n3A_758 = arith.select %ne3A_755, %broadcast_in_dim3A_757, %convert_element_type3A_754 : vector<16xi1>, vector<16xi32>
    %swap3A_759 = arith.constant 1 : i32
    %swap3A_760 = arith.constant 1 : i32
    %swap3A_761 = arith.index_cast %swap3A_759 : i32 to index
    %swap3A_762 = arith.index_cast %swap3A_760 : i32 to index
    %swap3A_763 = arith.constant 32 : index
    %swap3A_764 = tpu.vector_load %arg6[%swap3A_761, %swap3A_762, %swap3A_763] {strides = array<i32>} : memref<2x2x128xi32, #tpu.memory_space<vmem>>, vector<16xi32>,
    tpu.vector_store %arg6[%swap3A_761, %swap3A_762, %swap3A_763], %select_n3A_758 {strides = array<i32>} : memref<2x2x128xi32, #tpu.memory_space<vmem>>, vector<16xi32>,
    %get3A_765 = arith.constant 1 : i32
    %get3A_766 = arith.index_cast %get3A_765 : i32 to index
    %get3A_767 = arith.constant 176 : index
    %get3A_768 = tpu.vector_load %arg5[%get3A_766, %get3A_767] {strides = array<i32>} : memref<2x256xf32, #tpu.memory_space<vmem>>, vector<16xf32>,
    %mul3A_769 = arith.constant 3.200000e+01 : f32
    %mul3A_770 = vector.broadcast %mul3A_769 : f32 to vector<16xf32>
    %mul3A_771 = arith.mulf %get3A_768, %mul3A_770 : vector<16xf32>
    %jit3A_772 = arith.constant 0.000000e+00 : f32
    %jit3A_773 = arith.constant 3.100000e+01 : f32
    %max3A_774 = vector.broadcast %jit3A_772 : f32 to vector<16xf32>
    %max3A_775 = arith.maximumf %max3A_774, %mul3A_771 : vector<16xf32>
    %min3A_776 = vector.broadcast %jit3A_773 : f32 to vector<16xf32>
    %min3A_777 = arith.minimumf %min3A_776, %max3A_775 : vector<16xf32>
    %convert_element_type3A_778 = arith.fptosi %min3A_777 : vector<16xf32> to vector<16xi32>
    %ne3A_779 = arith.cmpf one, %get3A_768, %get3A_768 : vector<16xf32>
    %broadcast_in_dim3A_780 = arith.constant 32 : i32
    %broadcast_in_dim3A_781 = vector.broadcast %broadcast_in_dim3A_780 : i32 to vector<16xi32>
    %select_n3A_782 = arith.select %ne3A_779, %broadcast_in_dim3A_781, %convert_element_type3A_778 : vector<16xi1>, vector<16xi32>
    %swap3A_783 = arith.constant 1 : i32
    %swap3A_784 = arith.constant 1 : i32
    %swap3A_785 = arith.index_cast %swap3A_783 : i32 to index
    %swap3A_786 = arith.index_cast %swap3A_784 : i32 to index
    %swap3A_787 = arith.constant 48 : index
    %swap3A_788 = tpu.vector_load %arg6[%swap3A_785, %swap3A_786, %swap3A_787] {strides = array<i32>} : memref<2x2x128xi32, #tpu.memory_space<vmem>>, vector<16xi32>,
    tpu.vector_store %arg6[%swap3A_785, %swap3A_786, %swap3A_787], %select_n3A_782 {strides = array<i32>} : memref<2x2x128xi32, #tpu.memory_space<vmem>>, vector<16xi32>,
    %get3A_789 = arith.constant 1 : i32
    %get3A_790 = arith.index_cast %get3A_789 : i32 to index
    %get3A_791 = arith.constant 192 : index
    %get3A_792 = tpu.vector_load %arg5[%get3A_790, %get3A_791] {strides = array<i32>} : memref<2x256xf32, #tpu.memory_space<vmem>>, vector<16xf32>,
    %mul3A_793 = arith.constant 3.200000e+01 : f32
    %mul3A_794 = vector.broadcast %mul3A_793 : f32 to vector<16xf32>
    %mul3A_795 = arith.mulf %get3A_792, %mul3A_794 : vector<16xf32>
    %jit3A_796 = arith.constant 0.000000e+00 : f32
    %jit3A_797 = arith.constant 3.100000e+01 : f32
    %max3A_798 = vector.broadcast %jit3A_796 : f32 to vector<16xf32>
    %max3A_799 = arith.maximumf %max3A_798, %mul3A_795 : vector<16xf32>
    %min3A_800 = vector.broadcast %jit3A_797 : f32 to vector<16xf32>
    %min3A_801 = arith.minimumf %min3A_800, %max3A_799 : vector<16xf32>
    %convert_element_type3A_802 = arith.fptosi %min3A_801 : vector<16xf32> to vector<16xi32>
    %ne3A_803 = arith.cmpf one, %get3A_792, %get3A_792 : vector<16xf32>
    %broadcast_in_dim3A_804 = arith.constant 32 : i32
    %broadcast_in_dim3A_805 = vector.broadcast %broadcast_in_dim3A_804 : i32 to vector<16xi32>
    %select_n3A_806 = arith.select %ne3A_803, %broadcast_in_dim3A_805, %convert_element_type3A_802 : vector<16xi1>, vector<16xi32>
    %swap3A_807 = arith.constant 1 : i32
    %swap3A_808 = arith.constant 1 : i32
    %swap3A_809 = arith.index_cast %swap3A_807 : i32 to index
    %swap3A_810 = arith.index_cast %swap3A_808 : i32 to index
    %swap3A_811 = arith.constant 64 : index
    %swap3A_812 = tpu.vector_load %arg6[%swap3A_809, %swap3A_810, %swap3A_811] {strides = array<i32>} : memref<2x2x128xi32, #tpu.memory_space<vmem>>, vector<16xi32>,
    tpu.vector_store %arg6[%swap3A_809, %swap3A_810, %swap3A_811], %select_n3A_806 {strides = array<i32>} : memref<2x2x128xi32, #tpu.memory_space<vmem>>, vector<16xi32>,
    %get3A_813 = arith.constant 1 : i32
    %get3A_814 = arith.index_cast %get3A_813 : i32 to index
    %get3A_815 = arith.constant 208 : index
    %get3A_816 = tpu.vector_load %arg5[%get3A_814, %get3A_815] {strides = array<i32>} : memref<2x256xf32, #tpu.memory_space<vmem>>, vector<16xf32>,
    %mul3A_817 = arith.constant 3.200000e+01 : f32
    %mul3A_818 = vector.broadcast %mul3A_817 : f32 to vector<16xf32>
    %mul3A_819 = arith.mulf %get3A_816, %mul3A_818 : vector<16xf32>
    %jit3A_820 = arith.constant 0.000000e+00 : f32
    %jit3A_821 = arith.constant 3.100000e+01 : f32
    %max3A_822 = vector.broadcast %jit3A_820 : f32 to vector<16xf32>
    %max3A_823 = arith.maximumf %max3A_822, %mul3A_819 : vector<16xf32>
    %min3A_824 = vector.broadcast %jit3A_821 : f32 to vector<16xf32>
    %min3A_825 = arith.minimumf %min3A_824, %max3A_823 : vector<16xf32>
    %convert_element_type3A_826 = arith.fptosi %min3A_825 : vector<16xf32> to vector<16xi32>
    %ne3A_827 = arith.cmpf one, %get3A_816, %get3A_816 : vector<16xf32>
    %broadcast_in_dim3A_828 = arith.constant 32 : i32
    %broadcast_in_dim3A_829 = vector.broadcast %broadcast_in_dim3A_828 : i32 to vector<16xi32>
    %select_n3A_830 = arith.select %ne3A_827, %broadcast_in_dim3A_829, %convert_element_type3A_826 : vector<16xi1>, vector<16xi32>
    %swap3A_831 = arith.constant 1 : i32
    %swap3A_832 = arith.constant 1 : i32
    %swap3A_833 = arith.index_cast %swap3A_831 : i32 to index
    %swap3A_834 = arith.index_cast %swap3A_832 : i32 to index
    %swap3A_835 = arith.constant 80 : index
    %swap3A_836 = tpu.vector_load %arg6[%swap3A_833, %swap3A_834, %swap3A_835] {strides = array<i32>} : memref<2x2x128xi32, #tpu.memory_space<vmem>>, vector<16xi32>,
    tpu.vector_store %arg6[%swap3A_833, %swap3A_834, %swap3A_835], %select_n3A_830 {strides = array<i32>} : memref<2x2x128xi32, #tpu.memory_space<vmem>>, vector<16xi32>,
    %get3A_837 = arith.constant 1 : i32
    %get3A_838 = arith.index_cast %get3A_837 : i32 to index
    %get3A_839 = arith.constant 224 : index
    %get3A_840 = tpu.vector_load %arg5[%get3A_838, %get3A_839] {strides = array<i32>} : memref<2x256xf32, #tpu.memory_space<vmem>>, vector<16xf32>,
    %mul3A_841 = arith.constant 3.200000e+01 : f32
    %mul3A_842 = vector.broadcast %mul3A_841 : f32 to vector<16xf32>
    %mul3A_843 = arith.mulf %get3A_840, %mul3A_842 : vector<16xf32>
    %jit3A_844 = arith.constant 0.000000e+00 : f32
    %jit3A_845 = arith.constant 3.100000e+01 : f32
    %max3A_846 = vector.broadcast %jit3A_844 : f32 to vector<16xf32>
    %max3A_847 = arith.maximumf %max3A_846, %mul3A_843 : vector<16xf32>
    %min3A_848 = vector.broadcast %jit3A_845 : f32 to vector<16xf32>
    %min3A_849 = arith.minimumf %min3A_848, %max3A_847 : vector<16xf32>
    %convert_element_type3A_850 = arith.fptosi %min3A_849 : vector<16xf32> to vector<16xi32>
    %ne3A_851 = arith.cmpf one, %get3A_840, %get3A_840 : vector<16xf32>
    %broadcast_in_dim3A_852 = arith.constant 32 : i32
    %broadcast_in_dim3A_853 = vector.broadcast %broadcast_in_dim3A_852 : i32 to vector<16xi32>
    %select_n3A_854 = arith.select %ne3A_851, %broadcast_in_dim3A_853, %convert_element_type3A_850 : vector<16xi1>, vector<16xi32>
    %swap3A_855 = arith.constant 1 : i32
    %swap3A_856 = arith.constant 1 : i32
    %swap3A_857 = arith.index_cast %swap3A_855 : i32 to index
    %swap3A_858 = arith.index_cast %swap3A_856 : i32 to index
    %swap3A_859 = arith.constant 96 : index
    %swap3A_860 = tpu.vector_load %arg6[%swap3A_857, %swap3A_858, %swap3A_859] {strides = array<i32>} : memref<2x2x128xi32, #tpu.memory_space<vmem>>, vector<16xi32>,
    tpu.vector_store %arg6[%swap3A_857, %swap3A_858, %swap3A_859], %select_n3A_854 {strides = array<i32>} : memref<2x2x128xi32, #tpu.memory_space<vmem>>, vector<16xi32>,
    %get3A_861 = arith.constant 1 : i32
    %get3A_862 = arith.index_cast %get3A_861 : i32 to index
    %get3A_863 = arith.constant 240 : index
    %get3A_864 = tpu.vector_load %arg5[%get3A_862, %get3A_863] {strides = array<i32>} : memref<2x256xf32, #tpu.memory_space<vmem>>, vector<16xf32>,
    %mul3A_865 = arith.constant 3.200000e+01 : f32
    %mul3A_866 = vector.broadcast %mul3A_865 : f32 to vector<16xf32>
    %mul3A_867 = arith.mulf %get3A_864, %mul3A_866 : vector<16xf32>
    %jit3A_868 = arith.constant 0.000000e+00 : f32
    %jit3A_869 = arith.constant 3.100000e+01 : f32
    %max3A_870 = vector.broadcast %jit3A_868 : f32 to vector<16xf32>
    %max3A_871 = arith.maximumf %max3A_870, %mul3A_867 : vector<16xf32>
    %min3A_872 = vector.broadcast %jit3A_869 : f32 to vector<16xf32>
    %min3A_873 = arith.minimumf %min3A_872, %max3A_871 : vector<16xf32>
    %convert_element_type3A_874 = arith.fptosi %min3A_873 : vector<16xf32> to vector<16xi32>
    %ne3A_875 = arith.cmpf one, %get3A_864, %get3A_864 : vector<16xf32>
    %broadcast_in_dim3A_876 = arith.constant 32 : i32
    %broadcast_in_dim3A_877 = vector.broadcast %broadcast_in_dim3A_876 : i32 to vector<16xi32>
    %select_n3A_878 = arith.select %ne3A_875, %broadcast_in_dim3A_877, %convert_element_type3A_874 : vector<16xi1>, vector<16xi32>
    %swap3A_879 = arith.constant 1 : i32
    %swap3A_880 = arith.constant 1 : i32
    %swap3A_881 = arith.index_cast %swap3A_879 : i32 to index
    %swap3A_882 = arith.index_cast %swap3A_880 : i32 to index
    %swap3A_883 = arith.constant 112 : index
    %swap3A_884 = tpu.vector_load %arg6[%swap3A_881, %swap3A_882, %swap3A_883] {strides = array<i32>} : memref<2x2x128xi32, #tpu.memory_space<vmem>>, vector<16xi32>,
    tpu.vector_store %arg6[%swap3A_881, %swap3A_882, %swap3A_883], %select_n3A_878 {strides = array<i32>} : memref<2x2x128xi32, #tpu.memory_space<vmem>>, vector<16xi32>,
    %dma_start3A_885 = arith.constant 1 : i32
    %dma_start3A_886 = arith.constant 0 : i32
    %dma_start3A_887 = arith.constant 1 : i32
    %dma_start3A_888 = arith.constant 0 : i32
    %dma_start3A_889 = arith.constant 0 : i32
    %dma_start3A_890 = tpu.memref_slice %arg7[%dma_start3A_887, %dma_start3A_888, %dma_start3A_889] : memref<2x256x128xf32, #tpu.memory_space<vmem>> -> memref<1x256x128xf32, #tpu.memory_space<vmem>>
    %dma_start3A_891 = tpu.memref_squeeze %dma_start3A_890 : memref<1x256x128xf32, #tpu.memory_space<vmem>> -> memref<256x128xf32, #tpu.memory_space<vmem>>
    %dma_start3A_892 = arith.constant 0 : i32
    %dma_start3A_893 = arith.constant 0 : i32
    %dma_start3A_894 = tpu.memref_slice %dma_start3A_891[%dma_start3A_892, %dma_start3A_893] : memref<256x128xf32, #tpu.memory_space<vmem>> -> memref<128x128xf32, #tpu.memory_space<vmem>>
    %dma_start3A_895 = arith.constant 0 : i32
    %dma_start3A_896 = arith.constant 0 : i32
    %dma_start3A_897 = tpu.memref_slice %arg6[%dma_start3A_885, %dma_start3A_895, %dma_start3A_896] : memref<2x2x128xi32, #tpu.memory_space<vmem>> -> memref<1x2x128xi32, #tpu.memory_space<vmem>>
    %dma_start3A_898 = tpu.memref_squeeze %dma_start3A_897 : memref<1x2x128xi32, #tpu.memory_space<vmem>> -> memref<2x128xi32, #tpu.memory_space<vmem>>
    %dma_start3A_899 = arith.constant 0 : i32
    %dma_start3A_900 = tpu.memref_slice %dma_start3A_898[%dma_start3A_886, %dma_start3A_899] : memref<2x128xi32, #tpu.memory_space<vmem>> -> memref<1x128xi32, #tpu.memory_space<vmem>>
    %dma_start3A_901 = tpu.memref_squeeze %dma_start3A_900 : memref<1x128xi32, #tpu.memory_space<vmem>> -> memref<128xi32, #tpu.memory_space<vmem>>
    %dma_start3A_902 = arith.constant 0 : i32
    %dma_start3A_903 = arith.constant 0 : i32
    %dma_start3A_904 = tpu.memref_slice %arg9[%dma_start3A_902, %dma_start3A_903] : memref<33x128xf32, #tpu.memory_space<vmem_shared>> -> memref<33x128xf32, #tpu.memory_space<vmem_shared>>
    tpu.enqueue_indirect_dma source(%dma_start3A_904 : memref<33x128xf32, #tpu.memory_space<vmem_shared>>) target(%dma_start3A_894 : memref<128x128xf32, #tpu.memory_space<vmem>>) offsets(%dma_start3A_901 : memref<128xi32, #tpu.memory_space<vmem>>) semaphore(%arg13 : memref<!tpu.dma_semaphore, #tpu.memory_space<semaphore_mem>>)
    %dma_start3A_905 = arith.constant 1 : i32
    %dma_start3A_906 = arith.constant 1 : i32
    %dma_start3A_907 = arith.constant 1 : i32
    %dma_start3A_908 = arith.constant 0 : i32
    %dma_start3A_909 = arith.constant 0 : i32
    %dma_start3A_910 = tpu.memref_slice %arg7[%dma_start3A_907, %dma_start3A_908, %dma_start3A_909] : memref<2x256x128xf32, #tpu.memory_space<vmem>> -> memref<1x256x128xf32, #tpu.memory_space<vmem>>
    %dma_start3A_911 = tpu.memref_squeeze %dma_start3A_910 : memref<1x256x128xf32, #tpu.memory_space<vmem>> -> memref<256x128xf32, #tpu.memory_space<vmem>>
    %dma_start3A_912 = arith.constant 128 : i32
    %dma_start3A_913 = arith.constant 0 : i32
    %dma_start3A_914 = tpu.memref_slice %dma_start3A_911[%dma_start3A_912, %dma_start3A_913] : memref<256x128xf32, #tpu.memory_space<vmem>> -> memref<128x128xf32, #tpu.memory_space<vmem>>
    %dma_start3A_915 = arith.constant 0 : i32
    %dma_start3A_916 = arith.constant 0 : i32
    %dma_start3A_917 = tpu.memref_slice %arg6[%dma_start3A_905, %dma_start3A_915, %dma_start3A_916] : memref<2x2x128xi32, #tpu.memory_space<vmem>> -> memref<1x2x128xi32, #tpu.memory_space<vmem>>
    %dma_start3A_918 = tpu.memref_squeeze %dma_start3A_917 : memref<1x2x128xi32, #tpu.memory_space<vmem>> -> memref<2x128xi32, #tpu.memory_space<vmem>>
    %dma_start3A_919 = arith.constant 0 : i32
    %dma_start3A_920 = tpu.memref_slice %dma_start3A_918[%dma_start3A_906, %dma_start3A_919] : memref<2x128xi32, #tpu.memory_space<vmem>> -> memref<1x128xi32, #tpu.memory_space<vmem>>
    %dma_start3A_921 = tpu.memref_squeeze %dma_start3A_920 : memref<1x128xi32, #tpu.memory_space<vmem>> -> memref<128xi32, #tpu.memory_space<vmem>>
    %dma_start3A_922 = arith.constant 0 : i32
    %dma_start3A_923 = arith.constant 0 : i32
    %dma_start3A_924 = tpu.memref_slice %arg9[%dma_start3A_922, %dma_start3A_923] : memref<33x128xf32, #tpu.memory_space<vmem_shared>> -> memref<33x128xf32, #tpu.memory_space<vmem_shared>>
    tpu.enqueue_indirect_dma source(%dma_start3A_924 : memref<33x128xf32, #tpu.memory_space<vmem_shared>>) target(%dma_start3A_914 : memref<128x128xf32, #tpu.memory_space<vmem>>) offsets(%dma_start3A_921 : memref<128xi32, #tpu.memory_space<vmem>>) semaphore(%arg13 : memref<!tpu.dma_semaphore, #tpu.memory_space<semaphore_mem>>)
    %dma_wait3A_925 = arith.constant 0 : i32
    %dma_wait3A_926 = arith.constant 0 : i32
    %dma_wait3A_927 = arith.constant 0 : i32
    %dma_wait3A_928 = arith.constant 0 : i32
    %dma_wait3A_929 = arith.constant 0 : i32
    %dma_wait3A_930 = tpu.memref_slice %arg7[%dma_wait3A_927, %dma_wait3A_928, %dma_wait3A_929] : memref<2x256x128xf32, #tpu.memory_space<vmem>> -> memref<1x256x128xf32, #tpu.memory_space<vmem>>
    %dma_wait3A_931 = tpu.memref_squeeze %dma_wait3A_930 : memref<1x256x128xf32, #tpu.memory_space<vmem>> -> memref<256x128xf32, #tpu.memory_space<vmem>>
    %dma_wait3A_932 = arith.constant 0 : i32
    %dma_wait3A_933 = arith.constant 0 : i32
    %dma_wait3A_934 = tpu.memref_slice %dma_wait3A_931[%dma_wait3A_932, %dma_wait3A_933] : memref<256x128xf32, #tpu.memory_space<vmem>> -> memref<128x128xf32, #tpu.memory_space<vmem>>
    %dma_wait3A_935 = arith.constant 0 : i32
    %dma_wait3A_936 = arith.constant 0 : i32
    %dma_wait3A_937 = tpu.memref_slice %arg6[%dma_wait3A_925, %dma_wait3A_935, %dma_wait3A_936] : memref<2x2x128xi32, #tpu.memory_space<vmem>> -> memref<1x2x128xi32, #tpu.memory_space<vmem>>
    %dma_wait3A_938 = tpu.memref_squeeze %dma_wait3A_937 : memref<1x2x128xi32, #tpu.memory_space<vmem>> -> memref<2x128xi32, #tpu.memory_space<vmem>>
    %dma_wait3A_939 = arith.constant 0 : i32
    %dma_wait3A_940 = tpu.memref_slice %dma_wait3A_938[%dma_wait3A_926, %dma_wait3A_939] : memref<2x128xi32, #tpu.memory_space<vmem>> -> memref<1x128xi32, #tpu.memory_space<vmem>>
    %dma_wait3A_941 = tpu.memref_squeeze %dma_wait3A_940 : memref<1x128xi32, #tpu.memory_space<vmem>> -> memref<128xi32, #tpu.memory_space<vmem>>
    %dma_wait3A_942 = arith.constant 0 : i32
    %dma_wait3A_943 = arith.constant 0 : i32
    %dma_wait3A_944 = tpu.memref_slice %arg9[%dma_wait3A_942, %dma_wait3A_943] : memref<33x128xf32, #tpu.memory_space<vmem_shared>> -> memref<33x128xf32, #tpu.memory_space<vmem_shared>>
    tpu.wait_indirect_dma semaphore(%arg12 : memref<!tpu.dma_semaphore, #tpu.memory_space<semaphore_mem>>) src(%dma_wait3A_944 : memref<33x128xf32, #tpu.memory_space<vmem_shared>>) dst(%dma_wait3A_934 : memref<128x128xf32, #tpu.memory_space<vmem>>)
    %dma_wait3A_945 = arith.constant 0 : i32
    %dma_wait3A_946 = arith.constant 1 : i32
    %dma_wait3A_947 = arith.constant 0 : i32
    %dma_wait3A_948 = arith.constant 0 : i32
    %dma_wait3A_949 = arith.constant 0 : i32
    %dma_wait3A_950 = tpu.memref_slice %arg7[%dma_wait3A_947, %dma_wait3A_948, %dma_wait3A_949] : memref<2x256x128xf32, #tpu.memory_space<vmem>> -> memref<1x256x128xf32, #tpu.memory_space<vmem>>
    %dma_wait3A_951 = tpu.memref_squeeze %dma_wait3A_950 : memref<1x256x128xf32, #tpu.memory_space<vmem>> -> memref<256x128xf32, #tpu.memory_space<vmem>>
    %dma_wait3A_952 = arith.constant 128 : i32
    %dma_wait3A_953 = arith.constant 0 : i32
    %dma_wait3A_954 = tpu.memref_slice %dma_wait3A_951[%dma_wait3A_952, %dma_wait3A_953] : memref<256x128xf32, #tpu.memory_space<vmem>> -> memref<128x128xf32, #tpu.memory_space<vmem>>
    %dma_wait3A_955 = arith.constant 0 : i32
    %dma_wait3A_956 = arith.constant 0 : i32
    %dma_wait3A_957 = tpu.memref_slice %arg6[%dma_wait3A_945, %dma_wait3A_955, %dma_wait3A_956] : memref<2x2x128xi32, #tpu.memory_space<vmem>> -> memref<1x2x128xi32, #tpu.memory_space<vmem>>
    %dma_wait3A_958 = tpu.memref_squeeze %dma_wait3A_957 : memref<1x2x128xi32, #tpu.memory_space<vmem>> -> memref<2x128xi32, #tpu.memory_space<vmem>>
    %dma_wait3A_959 = arith.constant 0 : i32
    %dma_wait3A_960 = tpu.memref_slice %dma_wait3A_958[%dma_wait3A_946, %dma_wait3A_959] : memref<2x128xi32, #tpu.memory_space<vmem>> -> memref<1x128xi32, #tpu.memory_space<vmem>>
    %dma_wait3A_961 = tpu.memref_squeeze %dma_wait3A_960 : memref<1x128xi32, #tpu.memory_space<vmem>> -> memref<128xi32, #tpu.memory_space<vmem>>
    %dma_wait3A_962 = arith.constant 0 : i32
    %dma_wait3A_963 = arith.constant 0 : i32
    %dma_wait3A_964 = tpu.memref_slice %arg9[%dma_wait3A_962, %dma_wait3A_963] : memref<33x128xf32, #tpu.memory_space<vmem_shared>> -> memref<33x128xf32, #tpu.memory_space<vmem_shared>>
    tpu.wait_indirect_dma semaphore(%arg12 : memref<!tpu.dma_semaphore, #tpu.memory_space<semaphore_mem>>) src(%dma_wait3A_964 : memref<33x128xf32, #tpu.memory_space<vmem_shared>>) dst(%dma_wait3A_954 : memref<128x128xf32, #tpu.memory_space<vmem>>)
    %shift_right_arithmetic3A_965 = arith.constant 0 : i32
    %shift_right_arithmetic3A_966 = arith.constant 1 : i32
    %shift_right_arithmetic3A_967 = arith.shrsi %shift_right_arithmetic3A_965, %shift_right_arithmetic3A_966 : i32
    %and3A_968 = arith.constant 0 : i32
    %and3A_969 = arith.constant 1 : i32
    %and3A_970 = arith.andi %and3A_968, %and3A_969 : i32
    %mul3A_971 = arith.constant 256 : i32
    %mul3A_972 = arith.muli %and3A_970, %mul3A_971 : i32
    %add3A_973 = arith.addi %mul3A_2, %mul3A_972 : i32
    %mul3A_974 = arith.constant 16384 : i32
    %mul3A_975 = arith.muli %shift_right_arithmetic3A_967, %mul3A_974 : i32
    %add3A_976 = arith.addi %mul3A_975, %add3A_973 : i32
    %dma_start3A_977 = arith.constant 0 : i32
    %dma_start3A_978 = arith.constant 0 : i32
    %dma_start3A_979 = arith.constant 0 : i32
    %dma_start3A_980 = tpu.memref_slice %arg7[%dma_start3A_977, %dma_start3A_978, %dma_start3A_979] : memref<2x256x128xf32, #tpu.memory_space<vmem>> -> memref<1x256x128xf32, #tpu.memory_space<vmem>>
    %dma_start3A_981 = tpu.memref_squeeze %dma_start3A_980 : memref<1x256x128xf32, #tpu.memory_space<vmem>> -> memref<256x128xf32, #tpu.memory_space<vmem>>
    %dma_start3A_982 = arith.constant 0 : i32
    %dma_start3A_983 = tpu.memref_slice %arg4[%add3A_976, %dma_start3A_982] : memref<819200x128xf32, #tpu.memory_space<hbm>> -> memref<256x128xf32, #tpu.memory_space<hbm>>
    %dma_start3A_984 = arith.constant 0 : i32
    %dma_start3A_985 = tpu.memref_slice %arg4[%add3A_976, %dma_start3A_984] : memref<819200x128xf32, #tpu.memory_space<hbm>> -> memref<256x128xf32, #tpu.memory_space<hbm>>
    %dma_start3A_986 = arith.constant 0 : i32
    %dma_start3A_987 = arith.constant 0 : i32
    %dma_start3A_988 = tpu.memref_slice %arg7[%dma_start3A_977, %dma_start3A_986, %dma_start3A_987] : memref<2x256x128xf32, #tpu.memory_space<vmem>> -> memref<1x256x128xf32, #tpu.memory_space<vmem>>
    %dma_start3A_989 = tpu.memref_squeeze %dma_start3A_988 : memref<1x256x128xf32, #tpu.memory_space<vmem>> -> memref<256x128xf32, #tpu.memory_space<vmem>>
    tpu.enqueue_dma source(%dma_start3A_989 : memref<256x128xf32, #tpu.memory_space<vmem>>) target(%dma_start3A_985 : memref<256x128xf32, #tpu.memory_space<hbm>>) target_semaphore(%arg14 : memref<!tpu.dma_semaphore, #tpu.memory_space<semaphore_mem>>)
    %min3A_990 = arith.constant 2 : i32
    %min3A_991 = arith.constant 99 : i32
    %min3A_992 = arith.minsi %min3A_990, %min3A_991 : i32
    %shift_right_arithmetic3A_993 = arith.constant 1 : i32
    %shift_right_arithmetic3A_994 = arith.shrsi %min3A_992, %shift_right_arithmetic3A_993 : i32
    %and3A_995 = arith.constant 1 : i32
    %and3A_996 = arith.andi %min3A_992, %and3A_995 : i32
    %mul3A_997 = arith.constant 256 : i32
    %mul3A_998 = arith.muli %and3A_996, %mul3A_997 : i32
    %add3A_999 = arith.addi %mul3A_2, %mul3A_998 : i32
    %dma_start3A_1000 = arith.constant 0 : i32
    %dma_start3A_1001 = arith.constant 0 : i32
    %dma_start3A_1002 = tpu.memref_slice %arg5[%dma_start3A_1000, %dma_start3A_1001] : memref<2x256xf32, #tpu.memory_space<vmem>> -> memref<1x256xf32, #tpu.memory_space<vmem>>
    %dma_start3A_1003 = tpu.memref_squeeze %dma_start3A_1002 : memref<1x256xf32, #tpu.memory_space<vmem>> -> memref<256xf32, #tpu.memory_space<vmem>>
    %dma_start3A_1004 = tpu.memref_slice %arg2[%shift_right_arithmetic3A_994, %add3A_999] : memref<50x16384xf32, #tpu.memory_space<hbm>> -> memref<1x256xf32, #tpu.memory_space<hbm>>
    %dma_start3A_1005 = tpu.memref_squeeze %dma_start3A_1004 : memref<1x256xf32, #tpu.memory_space<hbm>> -> memref<256xf32, #tpu.memory_space<hbm>>
    %dma_start3A_1006 = arith.constant 0 : i32
    %dma_start3A_1007 = tpu.memref_slice %arg5[%dma_start3A_1000, %dma_start3A_1006] : memref<2x256xf32, #tpu.memory_space<vmem>> -> memref<1x256xf32, #tpu.memory_space<vmem>>
    %dma_start3A_1008 = tpu.memref_squeeze %dma_start3A_1007 : memref<1x256xf32, #tpu.memory_space<vmem>> -> memref<256xf32, #tpu.memory_space<vmem>>
    %dma_start3A_1009 = tpu.memref_slice %arg2[%shift_right_arithmetic3A_994, %add3A_999] : memref<50x16384xf32, #tpu.memory_space<hbm>> -> memref<1x256xf32, #tpu.memory_space<hbm>>
    %dma_start3A_1010 = tpu.memref_squeeze %dma_start3A_1009 : memref<1x256xf32, #tpu.memory_space<hbm>> -> memref<256xf32, #tpu.memory_space<hbm>>
    tpu.enqueue_dma source(%dma_start3A_1010 : memref<256xf32, #tpu.memory_space<hbm>>) target(%dma_start3A_1008 : memref<256xf32, #tpu.memory_space<vmem>>) target_semaphore(%arg10 : memref<!tpu.dma_semaphore, #tpu.memory_space<semaphore_mem>>)
    %scan3A = arith.constant 0 : i32
    %scan3A_1011 = arith.constant 1 : i32
    %scan3A_1012 = arith.constant 49 : i32
    %scan3A_1013 = arith.addi %scan3A_1011, %scan3A_1012 : i32
    %scan3A_1014 = arith.constant 1 : i32
    scf.for %scan3A_1152 = %scan3A_1011 to %scan3A_1013 step %scan3A_1014  : i32 {
      %mul3A_1153 = arith.constant 2 : i32
      %mul3A_1154 = arith.muli %mul3A_1153, %scan3A_1152 : i32
      %add3A_1155 = arith.constant 1 : i32
      %add3A_1156 = arith.addi %mul3A_1154, %add3A_1155 : i32
      %min3A_1157 = arith.constant 99 : i32
      %min3A_1158 = arith.minsi %add3A_1156, %min3A_1157 : i32
      %shift_right_arithmetic3A_1159 = arith.constant 1 : i32
      %shift_right_arithmetic3A_1160 = arith.shrsi %min3A_1158, %shift_right_arithmetic3A_1159 : i32
      %and3A_1161 = arith.constant 1 : i32
      %and3A_1162 = arith.andi %min3A_1158, %and3A_1161 : i32
      %mul3A_1163 = arith.constant 256 : i32
      %mul3A_1164 = arith.muli %and3A_1162, %mul3A_1163 : i32
      %add3A_1165 = arith.addi %mul3A_2, %mul3A_1164 : i32
      %dma_start3A_1166 = arith.constant 1 : i32
      %dma_start3A_1167 = arith.constant 0 : i32
      %dma_start3A_1168 = tpu.memref_slice %arg5[%dma_start3A_1166, %dma_start3A_1167] : memref<2x256xf32, #tpu.memory_space<vmem>> -> memref<1x256xf32, #tpu.memory_space<vmem>>
      %dma_start3A_1169 = tpu.memref_squeeze %dma_start3A_1168 : memref<1x256xf32, #tpu.memory_space<vmem>> -> memref<256xf32, #tpu.memory_space<vmem>>
      %dma_start3A_1170 = tpu.memref_slice %arg2[%shift_right_arithmetic3A_1160, %add3A_1165] : memref<50x16384xf32, #tpu.memory_space<hbm>> -> memref<1x256xf32, #tpu.memory_space<hbm>>
      %dma_start3A_1171 = tpu.memref_squeeze %dma_start3A_1170 : memref<1x256xf32, #tpu.memory_space<hbm>> -> memref<256xf32, #tpu.memory_space<hbm>>
      %dma_start3A_1172 = arith.constant 0 : i32
      %dma_start3A_1173 = tpu.memref_slice %arg5[%dma_start3A_1166, %dma_start3A_1172] : memref<2x256xf32, #tpu.memory_space<vmem>> -> memref<1x256xf32, #tpu.memory_space<vmem>>
      %dma_start3A_1174 = tpu.memref_squeeze %dma_start3A_1173 : memref<1x256xf32, #tpu.memory_space<vmem>> -> memref<256xf32, #tpu.memory_space<vmem>>
      %dma_start3A_1175 = tpu.memref_slice %arg2[%shift_right_arithmetic3A_1160, %add3A_1165] : memref<50x16384xf32, #tpu.memory_space<hbm>> -> memref<1x256xf32, #tpu.memory_space<hbm>>
      %dma_start3A_1176 = tpu.memref_squeeze %dma_start3A_1175 : memref<1x256xf32, #tpu.memory_space<hbm>> -> memref<256xf32, #tpu.memory_space<hbm>>
      tpu.enqueue_dma source(%dma_start3A_1176 : memref<256xf32, #tpu.memory_space<hbm>>) target(%dma_start3A_1174 : memref<256xf32, #tpu.memory_space<vmem>>) target_semaphore(%arg11 : memref<!tpu.dma_semaphore, #tpu.memory_space<semaphore_mem>>)
      %min3A_1177 = arith.constant 99 : i32
      %min3A_1178 = arith.minsi %mul3A_1154, %min3A_1177 : i32
      %shift_right_arithmetic3A_1179 = arith.constant 1 : i32
      %shift_right_arithmetic3A_1180 = arith.shrsi %min3A_1178, %shift_right_arithmetic3A_1179 : i32
      %and3A_1181 = arith.constant 1 : i32
      %and3A_1182 = arith.andi %min3A_1178, %and3A_1181 : i32
      %mul3A_1183 = arith.constant 256 : i32
      %mul3A_1184 = arith.muli %and3A_1182, %mul3A_1183 : i32
      %add3A_1185 = arith.addi %mul3A_2, %mul3A_1184 : i32
      %dma_wait3A_1186 = arith.constant 0 : i32
      %dma_wait3A_1187 = arith.constant 0 : i32
      %dma_wait3A_1188 = tpu.memref_slice %arg5[%dma_wait3A_1186, %dma_wait3A_1187] : memref<2x256xf32, #tpu.memory_space<vmem>> -> memref<1x256xf32, #tpu.memory_space<vmem>>
      %dma_wait3A_1189 = tpu.memref_squeeze %dma_wait3A_1188 : memref<1x256xf32, #tpu.memory_space<vmem>> -> memref<256xf32, #tpu.memory_space<vmem>>
      %dma_wait3A_1190 = tpu.memref_slice %arg2[%shift_right_arithmetic3A_1180, %add3A_1185] : memref<50x16384xf32, #tpu.memory_space<hbm>> -> memref<1x256xf32, #tpu.memory_space<hbm>>
      %dma_wait3A_1191 = tpu.memref_squeeze %dma_wait3A_1190 : memref<1x256xf32, #tpu.memory_space<hbm>> -> memref<256xf32, #tpu.memory_space<hbm>>
      %dma_wait3A_1192 = arith.constant 0 : i32
      %dma_wait3A_1193 = tpu.memref_slice %arg5[%dma_wait3A_1186, %dma_wait3A_1192] : memref<2x256xf32, #tpu.memory_space<vmem>> -> memref<1x256xf32, #tpu.memory_space<vmem>>
      %dma_wait3A_1194 = tpu.memref_squeeze %dma_wait3A_1193 : memref<1x256xf32, #tpu.memory_space<vmem>> -> memref<256xf32, #tpu.memory_space<vmem>>
      %dma_wait3A_1195 = tpu.memref_slice %arg2[%shift_right_arithmetic3A_1180, %add3A_1185] : memref<50x16384xf32, #tpu.memory_space<hbm>> -> memref<1x256xf32, #tpu.memory_space<hbm>>
      %dma_wait3A_1196 = tpu.memref_squeeze %dma_wait3A_1195 : memref<1x256xf32, #tpu.memory_space<hbm>> -> memref<256xf32, #tpu.memory_space<hbm>>
      tpu.wait_dma2 semaphore(%arg10 : memref<!tpu.dma_semaphore, #tpu.memory_space<semaphore_mem>>) src(%dma_wait3A_1196 : memref<256xf32, #tpu.memory_space<hbm>>) dst(%dma_wait3A_1194 : memref<256xf32, #tpu.memory_space<vmem>>)
      %sub3A = arith.constant 2 : i32
      %sub3A_1197 = arith.subi %mul3A_1154, %sub3A : i32
      %shift_right_arithmetic3A_1198 = arith.constant 1 : i32
      %shift_right_arithmetic3A_1199 = arith.shrsi %sub3A_1197, %shift_right_arithmetic3A_1198 : i32
      %and3A_1200 = arith.constant 1 : i32
      %and3A_1201 = arith.andi %sub3A_1197, %and3A_1200 : i32
      %mul3A_1202 = arith.constant 256 : i32
      %mul3A_1203 = arith.muli %and3A_1201, %mul3A_1202 : i32
      %add3A_1204 = arith.addi %mul3A_2, %mul3A_1203 : i32
      %mul3A_1205 = arith.constant 16384 : i32
      %mul3A_1206 = arith.muli %shift_right_arithmetic3A_1199, %mul3A_1205 : i32
      %add3A_1207 = arith.addi %mul3A_1206, %add3A_1204 : i32
      %dma_wait3A_1208 = arith.constant 0 : i32
      %dma_wait3A_1209 = arith.constant 0 : i32
      %dma_wait3A_1210 = arith.constant 0 : i32
      %dma_wait3A_1211 = tpu.memref_slice %arg7[%dma_wait3A_1208, %dma_wait3A_1209, %dma_wait3A_1210] : memref<2x256x128xf32, #tpu.memory_space<vmem>> -> memref<1x256x128xf32, #tpu.memory_space<vmem>>
      %dma_wait3A_1212 = tpu.memref_squeeze %dma_wait3A_1211 : memref<1x256x128xf32, #tpu.memory_space<vmem>> -> memref<256x128xf32, #tpu.memory_space<vmem>>
      %dma_wait3A_1213 = arith.constant 0 : i32
      %dma_wait3A_1214 = tpu.memref_slice %arg4[%add3A_1207, %dma_wait3A_1213] : memref<819200x128xf32, #tpu.memory_space<hbm>> -> memref<256x128xf32, #tpu.memory_space<hbm>>
      %dma_wait3A_1215 = arith.constant 0 : i32
      %dma_wait3A_1216 = tpu.memref_slice %arg4[%add3A_1207, %dma_wait3A_1215] : memref<819200x128xf32, #tpu.memory_space<hbm>> -> memref<256x128xf32, #tpu.memory_space<hbm>>
      %dma_wait3A_1217 = arith.constant 0 : i32
      %dma_wait3A_1218 = arith.constant 0 : i32
      %dma_wait3A_1219 = tpu.memref_slice %arg7[%dma_wait3A_1208, %dma_wait3A_1217, %dma_wait3A_1218] : memref<2x256x128xf32, #tpu.memory_space<vmem>> -> memref<1x256x128xf32, #tpu.memory_space<vmem>>
      %dma_wait3A_1220 = tpu.memref_squeeze %dma_wait3A_1219 : memref<1x256x128xf32, #tpu.memory_space<vmem>> -> memref<256x128xf32, #tpu.memory_space<vmem>>
      tpu.wait_dma2 semaphore(%arg14 : memref<!tpu.dma_semaphore, #tpu.memory_space<semaphore_mem>>) src(%dma_wait3A_1220 : memref<256x128xf32, #tpu.memory_space<vmem>>) dst(%dma_wait3A_1216 : memref<256x128xf32, #tpu.memory_space<hbm>>)
      %get3A_1221 = arith.constant 0 : i32
      %get3A_1222 = arith.index_cast %get3A_1221 : i32 to index
      %get3A_1223 = arith.constant 0 : index
      %get3A_1224 = tpu.vector_load %arg5[%get3A_1222, %get3A_1223] {strides = array<i32>} : memref<2x256xf32, #tpu.memory_space<vmem>>, vector<16xf32>,
      %mul3A_1225 = arith.constant 3.200000e+01 : f32
      %mul3A_1226 = vector.broadcast %mul3A_1225 : f32 to vector<16xf32>
      %mul3A_1227 = arith.mulf %get3A_1224, %mul3A_1226 : vector<16xf32>
      %jit3A_1228 = arith.constant 0.000000e+00 : f32
      %jit3A_1229 = arith.constant 3.100000e+01 : f32
      %max3A_1230 = vector.broadcast %jit3A_1228 : f32 to vector<16xf32>
      %max3A_1231 = arith.maximumf %max3A_1230, %mul3A_1227 : vector<16xf32>
      %min3A_1232 = vector.broadcast %jit3A_1229 : f32 to vector<16xf32>
      %min3A_1233 = arith.minimumf %min3A_1232, %max3A_1231 : vector<16xf32>
      %convert_element_type3A_1234 = arith.fptosi %min3A_1233 : vector<16xf32> to vector<16xi32>
      %ne3A_1235 = arith.cmpf one, %get3A_1224, %get3A_1224 : vector<16xf32>
      %broadcast_in_dim3A_1236 = arith.constant 32 : i32
      %broadcast_in_dim3A_1237 = vector.broadcast %broadcast_in_dim3A_1236 : i32 to vector<16xi32>
      %select_n3A_1238 = arith.select %ne3A_1235, %broadcast_in_dim3A_1237, %convert_element_type3A_1234 : vector<16xi1>, vector<16xi32>
      %swap3A_1239 = arith.constant 0 : i32
      %swap3A_1240 = arith.constant 0 : i32
      %swap3A_1241 = arith.index_cast %swap3A_1239 : i32 to index
      %swap3A_1242 = arith.index_cast %swap3A_1240 : i32 to index
      %swap3A_1243 = arith.constant 0 : index
      %swap3A_1244 = tpu.vector_load %arg6[%swap3A_1241, %swap3A_1242, %swap3A_1243] {strides = array<i32>} : memref<2x2x128xi32, #tpu.memory_space<vmem>>, vector<16xi32>,
      tpu.vector_store %arg6[%swap3A_1241, %swap3A_1242, %swap3A_1243], %select_n3A_1238 {strides = array<i32>} : memref<2x2x128xi32, #tpu.memory_space<vmem>>, vector<16xi32>,
      %get3A_1245 = arith.constant 0 : i32
      %get3A_1246 = arith.index_cast %get3A_1245 : i32 to index
      %get3A_1247 = arith.constant 16 : index
      %get3A_1248 = tpu.vector_load %arg5[%get3A_1246, %get3A_1247] {strides = array<i32>} : memref<2x256xf32, #tpu.memory_space<vmem>>, vector<16xf32>,
      %mul3A_1249 = arith.constant 3.200000e+01 : f32
      %mul3A_1250 = vector.broadcast %mul3A_1249 : f32 to vector<16xf32>
      %mul3A_1251 = arith.mulf %get3A_1248, %mul3A_1250 : vector<16xf32>
      %jit3A_1252 = arith.constant 0.000000e+00 : f32
      %jit3A_1253 = arith.constant 3.100000e+01 : f32
      %max3A_1254 = vector.broadcast %jit3A_1252 : f32 to vector<16xf32>
      %max3A_1255 = arith.maximumf %max3A_1254, %mul3A_1251 : vector<16xf32>
      %min3A_1256 = vector.broadcast %jit3A_1253 : f32 to vector<16xf32>
      %min3A_1257 = arith.minimumf %min3A_1256, %max3A_1255 : vector<16xf32>
      %convert_element_type3A_1258 = arith.fptosi %min3A_1257 : vector<16xf32> to vector<16xi32>
      %ne3A_1259 = arith.cmpf one, %get3A_1248, %get3A_1248 : vector<16xf32>
      %broadcast_in_dim3A_1260 = arith.constant 32 : i32
      %broadcast_in_dim3A_1261 = vector.broadcast %broadcast_in_dim3A_1260 : i32 to vector<16xi32>
      %select_n3A_1262 = arith.select %ne3A_1259, %broadcast_in_dim3A_1261, %convert_element_type3A_1258 : vector<16xi1>, vector<16xi32>
      %swap3A_1263 = arith.constant 0 : i32
      %swap3A_1264 = arith.constant 0 : i32
      %swap3A_1265 = arith.index_cast %swap3A_1263 : i32 to index
      %swap3A_1266 = arith.index_cast %swap3A_1264 : i32 to index
      %swap3A_1267 = arith.constant 16 : index
      %swap3A_1268 = tpu.vector_load %arg6[%swap3A_1265, %swap3A_1266, %swap3A_1267] {strides = array<i32>} : memref<2x2x128xi32, #tpu.memory_space<vmem>>, vector<16xi32>,
      tpu.vector_store %arg6[%swap3A_1265, %swap3A_1266, %swap3A_1267], %select_n3A_1262 {strides = array<i32>} : memref<2x2x128xi32, #tpu.memory_space<vmem>>, vector<16xi32>,
      %get3A_1269 = arith.constant 0 : i32
      %get3A_1270 = arith.index_cast %get3A_1269 : i32 to index
      %get3A_1271 = arith.constant 32 : index
      %get3A_1272 = tpu.vector_load %arg5[%get3A_1270, %get3A_1271] {strides = array<i32>} : memref<2x256xf32, #tpu.memory_space<vmem>>, vector<16xf32>,
      %mul3A_1273 = arith.constant 3.200000e+01 : f32
      %mul3A_1274 = vector.broadcast %mul3A_1273 : f32 to vector<16xf32>
      %mul3A_1275 = arith.mulf %get3A_1272, %mul3A_1274 : vector<16xf32>
      %jit3A_1276 = arith.constant 0.000000e+00 : f32
      %jit3A_1277 = arith.constant 3.100000e+01 : f32
      %max3A_1278 = vector.broadcast %jit3A_1276 : f32 to vector<16xf32>
      %max3A_1279 = arith.maximumf %max3A_1278, %mul3A_1275 : vector<16xf32>
      %min3A_1280 = vector.broadcast %jit3A_1277 : f32 to vector<16xf32>
      %min3A_1281 = arith.minimumf %min3A_1280, %max3A_1279 : vector<16xf32>
      %convert_element_type3A_1282 = arith.fptosi %min3A_1281 : vector<16xf32> to vector<16xi32>
      %ne3A_1283 = arith.cmpf one, %get3A_1272, %get3A_1272 : vector<16xf32>
      %broadcast_in_dim3A_1284 = arith.constant 32 : i32
      %broadcast_in_dim3A_1285 = vector.broadcast %broadcast_in_dim3A_1284 : i32 to vector<16xi32>
      %select_n3A_1286 = arith.select %ne3A_1283, %broadcast_in_dim3A_1285, %convert_element_type3A_1282 : vector<16xi1>, vector<16xi32>
      %swap3A_1287 = arith.constant 0 : i32
      %swap3A_1288 = arith.constant 0 : i32
      %swap3A_1289 = arith.index_cast %swap3A_1287 : i32 to index
      %swap3A_1290 = arith.index_cast %swap3A_1288 : i32 to index
      %swap3A_1291 = arith.constant 32 : index
      %swap3A_1292 = tpu.vector_load %arg6[%swap3A_1289, %swap3A_1290, %swap3A_1291] {strides = array<i32>} : memref<2x2x128xi32, #tpu.memory_space<vmem>>, vector<16xi32>,
      tpu.vector_store %arg6[%swap3A_1289, %swap3A_1290, %swap3A_1291], %select_n3A_1286 {strides = array<i32>} : memref<2x2x128xi32, #tpu.memory_space<vmem>>, vector<16xi32>,
      %get3A_1293 = arith.constant 0 : i32
      %get3A_1294 = arith.index_cast %get3A_1293 : i32 to index
      %get3A_1295 = arith.constant 48 : index
      %get3A_1296 = tpu.vector_load %arg5[%get3A_1294, %get3A_1295] {strides = array<i32>} : memref<2x256xf32, #tpu.memory_space<vmem>>, vector<16xf32>,
      %mul3A_1297 = arith.constant 3.200000e+01 : f32
      %mul3A_1298 = vector.broadcast %mul3A_1297 : f32 to vector<16xf32>
      %mul3A_1299 = arith.mulf %get3A_1296, %mul3A_1298 : vector<16xf32>
      %jit3A_1300 = arith.constant 0.000000e+00 : f32
      %jit3A_1301 = arith.constant 3.100000e+01 : f32
      %max3A_1302 = vector.broadcast %jit3A_1300 : f32 to vector<16xf32>
      %max3A_1303 = arith.maximumf %max3A_1302, %mul3A_1299 : vector<16xf32>
      %min3A_1304 = vector.broadcast %jit3A_1301 : f32 to vector<16xf32>
      %min3A_1305 = arith.minimumf %min3A_1304, %max3A_1303 : vector<16xf32>
      %convert_element_type3A_1306 = arith.fptosi %min3A_1305 : vector<16xf32> to vector<16xi32>
      %ne3A_1307 = arith.cmpf one, %get3A_1296, %get3A_1296 : vector<16xf32>
      %broadcast_in_dim3A_1308 = arith.constant 32 : i32
      %broadcast_in_dim3A_1309 = vector.broadcast %broadcast_in_dim3A_1308 : i32 to vector<16xi32>
      %select_n3A_1310 = arith.select %ne3A_1307, %broadcast_in_dim3A_1309, %convert_element_type3A_1306 : vector<16xi1>, vector<16xi32>
      %swap3A_1311 = arith.constant 0 : i32
      %swap3A_1312 = arith.constant 0 : i32
      %swap3A_1313 = arith.index_cast %swap3A_1311 : i32 to index
      %swap3A_1314 = arith.index_cast %swap3A_1312 : i32 to index
      %swap3A_1315 = arith.constant 48 : index
      %swap3A_1316 = tpu.vector_load %arg6[%swap3A_1313, %swap3A_1314, %swap3A_1315] {strides = array<i32>} : memref<2x2x128xi32, #tpu.memory_space<vmem>>, vector<16xi32>,
      tpu.vector_store %arg6[%swap3A_1313, %swap3A_1314, %swap3A_1315], %select_n3A_1310 {strides = array<i32>} : memref<2x2x128xi32, #tpu.memory_space<vmem>>, vector<16xi32>,
      %get3A_1317 = arith.constant 0 : i32
      %get3A_1318 = arith.index_cast %get3A_1317 : i32 to index
      %get3A_1319 = arith.constant 64 : index
      %get3A_1320 = tpu.vector_load %arg5[%get3A_1318, %get3A_1319] {strides = array<i32>} : memref<2x256xf32, #tpu.memory_space<vmem>>, vector<16xf32>,
      %mul3A_1321 = arith.constant 3.200000e+01 : f32
      %mul3A_1322 = vector.broadcast %mul3A_1321 : f32 to vector<16xf32>
      %mul3A_1323 = arith.mulf %get3A_1320, %mul3A_1322 : vector<16xf32>
      %jit3A_1324 = arith.constant 0.000000e+00 : f32
      %jit3A_1325 = arith.constant 3.100000e+01 : f32
      %max3A_1326 = vector.broadcast %jit3A_1324 : f32 to vector<16xf32>
      %max3A_1327 = arith.maximumf %max3A_1326, %mul3A_1323 : vector<16xf32>
      %min3A_1328 = vector.broadcast %jit3A_1325 : f32 to vector<16xf32>
      %min3A_1329 = arith.minimumf %min3A_1328, %max3A_1327 : vector<16xf32>
      %convert_element_type3A_1330 = arith.fptosi %min3A_1329 : vector<16xf32> to vector<16xi32>
      %ne3A_1331 = arith.cmpf one, %get3A_1320, %get3A_1320 : vector<16xf32>
      %broadcast_in_dim3A_1332 = arith.constant 32 : i32
      %broadcast_in_dim3A_1333 = vector.broadcast %broadcast_in_dim3A_1332 : i32 to vector<16xi32>
      %select_n3A_1334 = arith.select %ne3A_1331, %broadcast_in_dim3A_1333, %convert_element_type3A_1330 : vector<16xi1>, vector<16xi32>
      %swap3A_1335 = arith.constant 0 : i32
      %swap3A_1336 = arith.constant 0 : i32
      %swap3A_1337 = arith.index_cast %swap3A_1335 : i32 to index
      %swap3A_1338 = arith.index_cast %swap3A_1336 : i32 to index
      %swap3A_1339 = arith.constant 64 : index
      %swap3A_1340 = tpu.vector_load %arg6[%swap3A_1337, %swap3A_1338, %swap3A_1339] {strides = array<i32>} : memref<2x2x128xi32, #tpu.memory_space<vmem>>, vector<16xi32>,
      tpu.vector_store %arg6[%swap3A_1337, %swap3A_1338, %swap3A_1339], %select_n3A_1334 {strides = array<i32>} : memref<2x2x128xi32, #tpu.memory_space<vmem>>, vector<16xi32>,
      %get3A_1341 = arith.constant 0 : i32
      %get3A_1342 = arith.index_cast %get3A_1341 : i32 to index
      %get3A_1343 = arith.constant 80 : index
      %get3A_1344 = tpu.vector_load %arg5[%get3A_1342, %get3A_1343] {strides = array<i32>} : memref<2x256xf32, #tpu.memory_space<vmem>>, vector<16xf32>,
      %mul3A_1345 = arith.constant 3.200000e+01 : f32
      %mul3A_1346 = vector.broadcast %mul3A_1345 : f32 to vector<16xf32>
      %mul3A_1347 = arith.mulf %get3A_1344, %mul3A_1346 : vector<16xf32>
      %jit3A_1348 = arith.constant 0.000000e+00 : f32
      %jit3A_1349 = arith.constant 3.100000e+01 : f32
      %max3A_1350 = vector.broadcast %jit3A_1348 : f32 to vector<16xf32>
      %max3A_1351 = arith.maximumf %max3A_1350, %mul3A_1347 : vector<16xf32>
      %min3A_1352 = vector.broadcast %jit3A_1349 : f32 to vector<16xf32>
      %min3A_1353 = arith.minimumf %min3A_1352, %max3A_1351 : vector<16xf32>
      %convert_element_type3A_1354 = arith.fptosi %min3A_1353 : vector<16xf32> to vector<16xi32>
      %ne3A_1355 = arith.cmpf one, %get3A_1344, %get3A_1344 : vector<16xf32>
      %broadcast_in_dim3A_1356 = arith.constant 32 : i32
      %broadcast_in_dim3A_1357 = vector.broadcast %broadcast_in_dim3A_1356 : i32 to vector<16xi32>
      %select_n3A_1358 = arith.select %ne3A_1355, %broadcast_in_dim3A_1357, %convert_element_type3A_1354 : vector<16xi1>, vector<16xi32>
      %swap3A_1359 = arith.constant 0 : i32
      %swap3A_1360 = arith.constant 0 : i32
      %swap3A_1361 = arith.index_cast %swap3A_1359 : i32 to index
      %swap3A_1362 = arith.index_cast %swap3A_1360 : i32 to index
      %swap3A_1363 = arith.constant 80 : index
      %swap3A_1364 = tpu.vector_load %arg6[%swap3A_1361, %swap3A_1362, %swap3A_1363] {strides = array<i32>} : memref<2x2x128xi32, #tpu.memory_space<vmem>>, vector<16xi32>,
      tpu.vector_store %arg6[%swap3A_1361, %swap3A_1362, %swap3A_1363], %select_n3A_1358 {strides = array<i32>} : memref<2x2x128xi32, #tpu.memory_space<vmem>>, vector<16xi32>,
      %get3A_1365 = arith.constant 0 : i32
      %get3A_1366 = arith.index_cast %get3A_1365 : i32 to index
      %get3A_1367 = arith.constant 96 : index
      %get3A_1368 = tpu.vector_load %arg5[%get3A_1366, %get3A_1367] {strides = array<i32>} : memref<2x256xf32, #tpu.memory_space<vmem>>, vector<16xf32>,
      %mul3A_1369 = arith.constant 3.200000e+01 : f32
      %mul3A_1370 = vector.broadcast %mul3A_1369 : f32 to vector<16xf32>
      %mul3A_1371 = arith.mulf %get3A_1368, %mul3A_1370 : vector<16xf32>
      %jit3A_1372 = arith.constant 0.000000e+00 : f32
      %jit3A_1373 = arith.constant 3.100000e+01 : f32
      %max3A_1374 = vector.broadcast %jit3A_1372 : f32 to vector<16xf32>
      %max3A_1375 = arith.maximumf %max3A_1374, %mul3A_1371 : vector<16xf32>
      %min3A_1376 = vector.broadcast %jit3A_1373 : f32 to vector<16xf32>
      %min3A_1377 = arith.minimumf %min3A_1376, %max3A_1375 : vector<16xf32>
      %convert_element_type3A_1378 = arith.fptosi %min3A_1377 : vector<16xf32> to vector<16xi32>
      %ne3A_1379 = arith.cmpf one, %get3A_1368, %get3A_1368 : vector<16xf32>
      %broadcast_in_dim3A_1380 = arith.constant 32 : i32
      %broadcast_in_dim3A_1381 = vector.broadcast %broadcast_in_dim3A_1380 : i32 to vector<16xi32>
      %select_n3A_1382 = arith.select %ne3A_1379, %broadcast_in_dim3A_1381, %convert_element_type3A_1378 : vector<16xi1>, vector<16xi32>
      %swap3A_1383 = arith.constant 0 : i32
      %swap3A_1384 = arith.constant 0 : i32
      %swap3A_1385 = arith.index_cast %swap3A_1383 : i32 to index
      %swap3A_1386 = arith.index_cast %swap3A_1384 : i32 to index
      %swap3A_1387 = arith.constant 96 : index
      %swap3A_1388 = tpu.vector_load %arg6[%swap3A_1385, %swap3A_1386, %swap3A_1387] {strides = array<i32>} : memref<2x2x128xi32, #tpu.memory_space<vmem>>, vector<16xi32>,
      tpu.vector_store %arg6[%swap3A_1385, %swap3A_1386, %swap3A_1387], %select_n3A_1382 {strides = array<i32>} : memref<2x2x128xi32, #tpu.memory_space<vmem>>, vector<16xi32>,
      %get3A_1389 = arith.constant 0 : i32
      %get3A_1390 = arith.index_cast %get3A_1389 : i32 to index
      %get3A_1391 = arith.constant 112 : index
      %get3A_1392 = tpu.vector_load %arg5[%get3A_1390, %get3A_1391] {strides = array<i32>} : memref<2x256xf32, #tpu.memory_space<vmem>>, vector<16xf32>,
      %mul3A_1393 = arith.constant 3.200000e+01 : f32
      %mul3A_1394 = vector.broadcast %mul3A_1393 : f32 to vector<16xf32>
      %mul3A_1395 = arith.mulf %get3A_1392, %mul3A_1394 : vector<16xf32>
      %jit3A_1396 = arith.constant 0.000000e+00 : f32
      %jit3A_1397 = arith.constant 3.100000e+01 : f32
      %max3A_1398 = vector.broadcast %jit3A_1396 : f32 to vector<16xf32>
      %max3A_1399 = arith.maximumf %max3A_1398, %mul3A_1395 : vector<16xf32>
      %min3A_1400 = vector.broadcast %jit3A_1397 : f32 to vector<16xf32>
      %min3A_1401 = arith.minimumf %min3A_1400, %max3A_1399 : vector<16xf32>
      %convert_element_type3A_1402 = arith.fptosi %min3A_1401 : vector<16xf32> to vector<16xi32>
      %ne3A_1403 = arith.cmpf one, %get3A_1392, %get3A_1392 : vector<16xf32>
      %broadcast_in_dim3A_1404 = arith.constant 32 : i32
      %broadcast_in_dim3A_1405 = vector.broadcast %broadcast_in_dim3A_1404 : i32 to vector<16xi32>
      %select_n3A_1406 = arith.select %ne3A_1403, %broadcast_in_dim3A_1405, %convert_element_type3A_1402 : vector<16xi1>, vector<16xi32>
      %swap3A_1407 = arith.constant 0 : i32
      %swap3A_1408 = arith.constant 0 : i32
      %swap3A_1409 = arith.index_cast %swap3A_1407 : i32 to index
      %swap3A_1410 = arith.index_cast %swap3A_1408 : i32 to index
      %swap3A_1411 = arith.constant 112 : index
      %swap3A_1412 = tpu.vector_load %arg6[%swap3A_1409, %swap3A_1410, %swap3A_1411] {strides = array<i32>} : memref<2x2x128xi32, #tpu.memory_space<vmem>>, vector<16xi32>,
      tpu.vector_store %arg6[%swap3A_1409, %swap3A_1410, %swap3A_1411], %select_n3A_1406 {strides = array<i32>} : memref<2x2x128xi32, #tpu.memory_space<vmem>>, vector<16xi32>,
      %get3A_1413 = arith.constant 0 : i32
      %get3A_1414 = arith.index_cast %get3A_1413 : i32 to index
      %get3A_1415 = arith.constant 128 : index
      %get3A_1416 = tpu.vector_load %arg5[%get3A_1414, %get3A_1415] {strides = array<i32>} : memref<2x256xf32, #tpu.memory_space<vmem>>, vector<16xf32>,
      %mul3A_1417 = arith.constant 3.200000e+01 : f32
      %mul3A_1418 = vector.broadcast %mul3A_1417 : f32 to vector<16xf32>
      %mul3A_1419 = arith.mulf %get3A_1416, %mul3A_1418 : vector<16xf32>
      %jit3A_1420 = arith.constant 0.000000e+00 : f32
      %jit3A_1421 = arith.constant 3.100000e+01 : f32
      %max3A_1422 = vector.broadcast %jit3A_1420 : f32 to vector<16xf32>
      %max3A_1423 = arith.maximumf %max3A_1422, %mul3A_1419 : vector<16xf32>
      %min3A_1424 = vector.broadcast %jit3A_1421 : f32 to vector<16xf32>
      %min3A_1425 = arith.minimumf %min3A_1424, %max3A_1423 : vector<16xf32>
      %convert_element_type3A_1426 = arith.fptosi %min3A_1425 : vector<16xf32> to vector<16xi32>
      %ne3A_1427 = arith.cmpf one, %get3A_1416, %get3A_1416 : vector<16xf32>
      %broadcast_in_dim3A_1428 = arith.constant 32 : i32
      %broadcast_in_dim3A_1429 = vector.broadcast %broadcast_in_dim3A_1428 : i32 to vector<16xi32>
      %select_n3A_1430 = arith.select %ne3A_1427, %broadcast_in_dim3A_1429, %convert_element_type3A_1426 : vector<16xi1>, vector<16xi32>
      %swap3A_1431 = arith.constant 0 : i32
      %swap3A_1432 = arith.constant 1 : i32
      %swap3A_1433 = arith.index_cast %swap3A_1431 : i32 to index
      %swap3A_1434 = arith.index_cast %swap3A_1432 : i32 to index
      %swap3A_1435 = arith.constant 0 : index
      %swap3A_1436 = tpu.vector_load %arg6[%swap3A_1433, %swap3A_1434, %swap3A_1435] {strides = array<i32>} : memref<2x2x128xi32, #tpu.memory_space<vmem>>, vector<16xi32>,
      tpu.vector_store %arg6[%swap3A_1433, %swap3A_1434, %swap3A_1435], %select_n3A_1430 {strides = array<i32>} : memref<2x2x128xi32, #tpu.memory_space<vmem>>, vector<16xi32>,
      %get3A_1437 = arith.constant 0 : i32
      %get3A_1438 = arith.index_cast %get3A_1437 : i32 to index
      %get3A_1439 = arith.constant 144 : index
      %get3A_1440 = tpu.vector_load %arg5[%get3A_1438, %get3A_1439] {strides = array<i32>} : memref<2x256xf32, #tpu.memory_space<vmem>>, vector<16xf32>,
      %mul3A_1441 = arith.constant 3.200000e+01 : f32
      %mul3A_1442 = vector.broadcast %mul3A_1441 : f32 to vector<16xf32>
      %mul3A_1443 = arith.mulf %get3A_1440, %mul3A_1442 : vector<16xf32>
      %jit3A_1444 = arith.constant 0.000000e+00 : f32
      %jit3A_1445 = arith.constant 3.100000e+01 : f32
      %max3A_1446 = vector.broadcast %jit3A_1444 : f32 to vector<16xf32>
      %max3A_1447 = arith.maximumf %max3A_1446, %mul3A_1443 : vector<16xf32>
      %min3A_1448 = vector.broadcast %jit3A_1445 : f32 to vector<16xf32>
      %min3A_1449 = arith.minimumf %min3A_1448, %max3A_1447 : vector<16xf32>
      %convert_element_type3A_1450 = arith.fptosi %min3A_1449 : vector<16xf32> to vector<16xi32>
      %ne3A_1451 = arith.cmpf one, %get3A_1440, %get3A_1440 : vector<16xf32>
      %broadcast_in_dim3A_1452 = arith.constant 32 : i32
      %broadcast_in_dim3A_1453 = vector.broadcast %broadcast_in_dim3A_1452 : i32 to vector<16xi32>
      %select_n3A_1454 = arith.select %ne3A_1451, %broadcast_in_dim3A_1453, %convert_element_type3A_1450 : vector<16xi1>, vector<16xi32>
      %swap3A_1455 = arith.constant 0 : i32
      %swap3A_1456 = arith.constant 1 : i32
      %swap3A_1457 = arith.index_cast %swap3A_1455 : i32 to index
      %swap3A_1458 = arith.index_cast %swap3A_1456 : i32 to index
      %swap3A_1459 = arith.constant 16 : index
      %swap3A_1460 = tpu.vector_load %arg6[%swap3A_1457, %swap3A_1458, %swap3A_1459] {strides = array<i32>} : memref<2x2x128xi32, #tpu.memory_space<vmem>>, vector<16xi32>,
      tpu.vector_store %arg6[%swap3A_1457, %swap3A_1458, %swap3A_1459], %select_n3A_1454 {strides = array<i32>} : memref<2x2x128xi32, #tpu.memory_space<vmem>>, vector<16xi32>,
      %get3A_1461 = arith.constant 0 : i32
      %get3A_1462 = arith.index_cast %get3A_1461 : i32 to index
      %get3A_1463 = arith.constant 160 : index
      %get3A_1464 = tpu.vector_load %arg5[%get3A_1462, %get3A_1463] {strides = array<i32>} : memref<2x256xf32, #tpu.memory_space<vmem>>, vector<16xf32>,
      %mul3A_1465 = arith.constant 3.200000e+01 : f32
      %mul3A_1466 = vector.broadcast %mul3A_1465 : f32 to vector<16xf32>
      %mul3A_1467 = arith.mulf %get3A_1464, %mul3A_1466 : vector<16xf32>
      %jit3A_1468 = arith.constant 0.000000e+00 : f32
      %jit3A_1469 = arith.constant 3.100000e+01 : f32
      %max3A_1470 = vector.broadcast %jit3A_1468 : f32 to vector<16xf32>
      %max3A_1471 = arith.maximumf %max3A_1470, %mul3A_1467 : vector<16xf32>
      %min3A_1472 = vector.broadcast %jit3A_1469 : f32 to vector<16xf32>
      %min3A_1473 = arith.minimumf %min3A_1472, %max3A_1471 : vector<16xf32>
      %convert_element_type3A_1474 = arith.fptosi %min3A_1473 : vector<16xf32> to vector<16xi32>
      %ne3A_1475 = arith.cmpf one, %get3A_1464, %get3A_1464 : vector<16xf32>
      %broadcast_in_dim3A_1476 = arith.constant 32 : i32
      %broadcast_in_dim3A_1477 = vector.broadcast %broadcast_in_dim3A_1476 : i32 to vector<16xi32>
      %select_n3A_1478 = arith.select %ne3A_1475, %broadcast_in_dim3A_1477, %convert_element_type3A_1474 : vector<16xi1>, vector<16xi32>
      %swap3A_1479 = arith.constant 0 : i32
      %swap3A_1480 = arith.constant 1 : i32
      %swap3A_1481 = arith.index_cast %swap3A_1479 : i32 to index
      %swap3A_1482 = arith.index_cast %swap3A_1480 : i32 to index
      %swap3A_1483 = arith.constant 32 : index
      %swap3A_1484 = tpu.vector_load %arg6[%swap3A_1481, %swap3A_1482, %swap3A_1483] {strides = array<i32>} : memref<2x2x128xi32, #tpu.memory_space<vmem>>, vector<16xi32>,
      tpu.vector_store %arg6[%swap3A_1481, %swap3A_1482, %swap3A_1483], %select_n3A_1478 {strides = array<i32>} : memref<2x2x128xi32, #tpu.memory_space<vmem>>, vector<16xi32>,
      %get3A_1485 = arith.constant 0 : i32
      %get3A_1486 = arith.index_cast %get3A_1485 : i32 to index
      %get3A_1487 = arith.constant 176 : index
      %get3A_1488 = tpu.vector_load %arg5[%get3A_1486, %get3A_1487] {strides = array<i32>} : memref<2x256xf32, #tpu.memory_space<vmem>>, vector<16xf32>,
      %mul3A_1489 = arith.constant 3.200000e+01 : f32
      %mul3A_1490 = vector.broadcast %mul3A_1489 : f32 to vector<16xf32>
      %mul3A_1491 = arith.mulf %get3A_1488, %mul3A_1490 : vector<16xf32>
      %jit3A_1492 = arith.constant 0.000000e+00 : f32
      %jit3A_1493 = arith.constant 3.100000e+01 : f32
      %max3A_1494 = vector.broadcast %jit3A_1492 : f32 to vector<16xf32>
      %max3A_1495 = arith.maximumf %max3A_1494, %mul3A_1491 : vector<16xf32>
      %min3A_1496 = vector.broadcast %jit3A_1493 : f32 to vector<16xf32>
      %min3A_1497 = arith.minimumf %min3A_1496, %max3A_1495 : vector<16xf32>
      %convert_element_type3A_1498 = arith.fptosi %min3A_1497 : vector<16xf32> to vector<16xi32>
      %ne3A_1499 = arith.cmpf one, %get3A_1488, %get3A_1488 : vector<16xf32>
      %broadcast_in_dim3A_1500 = arith.constant 32 : i32
      %broadcast_in_dim3A_1501 = vector.broadcast %broadcast_in_dim3A_1500 : i32 to vector<16xi32>
      %select_n3A_1502 = arith.select %ne3A_1499, %broadcast_in_dim3A_1501, %convert_element_type3A_1498 : vector<16xi1>, vector<16xi32>
      %swap3A_1503 = arith.constant 0 : i32
      %swap3A_1504 = arith.constant 1 : i32
      %swap3A_1505 = arith.index_cast %swap3A_1503 : i32 to index
      %swap3A_1506 = arith.index_cast %swap3A_1504 : i32 to index
      %swap3A_1507 = arith.constant 48 : index
      %swap3A_1508 = tpu.vector_load %arg6[%swap3A_1505, %swap3A_1506, %swap3A_1507] {strides = array<i32>} : memref<2x2x128xi32, #tpu.memory_space<vmem>>, vector<16xi32>,
      tpu.vector_store %arg6[%swap3A_1505, %swap3A_1506, %swap3A_1507], %select_n3A_1502 {strides = array<i32>} : memref<2x2x128xi32, #tpu.memory_space<vmem>>, vector<16xi32>,
      %get3A_1509 = arith.constant 0 : i32
      %get3A_1510 = arith.index_cast %get3A_1509 : i32 to index
      %get3A_1511 = arith.constant 192 : index
      %get3A_1512 = tpu.vector_load %arg5[%get3A_1510, %get3A_1511] {strides = array<i32>} : memref<2x256xf32, #tpu.memory_space<vmem>>, vector<16xf32>,
      %mul3A_1513 = arith.constant 3.200000e+01 : f32
      %mul3A_1514 = vector.broadcast %mul3A_1513 : f32 to vector<16xf32>
      %mul3A_1515 = arith.mulf %get3A_1512, %mul3A_1514 : vector<16xf32>
      %jit3A_1516 = arith.constant 0.000000e+00 : f32
      %jit3A_1517 = arith.constant 3.100000e+01 : f32
      %max3A_1518 = vector.broadcast %jit3A_1516 : f32 to vector<16xf32>
      %max3A_1519 = arith.maximumf %max3A_1518, %mul3A_1515 : vector<16xf32>
      %min3A_1520 = vector.broadcast %jit3A_1517 : f32 to vector<16xf32>
      %min3A_1521 = arith.minimumf %min3A_1520, %max3A_1519 : vector<16xf32>
      %convert_element_type3A_1522 = arith.fptosi %min3A_1521 : vector<16xf32> to vector<16xi32>
      %ne3A_1523 = arith.cmpf one, %get3A_1512, %get3A_1512 : vector<16xf32>
      %broadcast_in_dim3A_1524 = arith.constant 32 : i32
      %broadcast_in_dim3A_1525 = vector.broadcast %broadcast_in_dim3A_1524 : i32 to vector<16xi32>
      %select_n3A_1526 = arith.select %ne3A_1523, %broadcast_in_dim3A_1525, %convert_element_type3A_1522 : vector<16xi1>, vector<16xi32>
      %swap3A_1527 = arith.constant 0 : i32
      %swap3A_1528 = arith.constant 1 : i32
      %swap3A_1529 = arith.index_cast %swap3A_1527 : i32 to index
      %swap3A_1530 = arith.index_cast %swap3A_1528 : i32 to index
      %swap3A_1531 = arith.constant 64 : index
      %swap3A_1532 = tpu.vector_load %arg6[%swap3A_1529, %swap3A_1530, %swap3A_1531] {strides = array<i32>} : memref<2x2x128xi32, #tpu.memory_space<vmem>>, vector<16xi32>,
      tpu.vector_store %arg6[%swap3A_1529, %swap3A_1530, %swap3A_1531], %select_n3A_1526 {strides = array<i32>} : memref<2x2x128xi32, #tpu.memory_space<vmem>>, vector<16xi32>,
      %get3A_1533 = arith.constant 0 : i32
      %get3A_1534 = arith.index_cast %get3A_1533 : i32 to index
      %get3A_1535 = arith.constant 208 : index
      %get3A_1536 = tpu.vector_load %arg5[%get3A_1534, %get3A_1535] {strides = array<i32>} : memref<2x256xf32, #tpu.memory_space<vmem>>, vector<16xf32>,
      %mul3A_1537 = arith.constant 3.200000e+01 : f32
      %mul3A_1538 = vector.broadcast %mul3A_1537 : f32 to vector<16xf32>
      %mul3A_1539 = arith.mulf %get3A_1536, %mul3A_1538 : vector<16xf32>
      %jit3A_1540 = arith.constant 0.000000e+00 : f32
      %jit3A_1541 = arith.constant 3.100000e+01 : f32
      %max3A_1542 = vector.broadcast %jit3A_1540 : f32 to vector<16xf32>
      %max3A_1543 = arith.maximumf %max3A_1542, %mul3A_1539 : vector<16xf32>
      %min3A_1544 = vector.broadcast %jit3A_1541 : f32 to vector<16xf32>
      %min3A_1545 = arith.minimumf %min3A_1544, %max3A_1543 : vector<16xf32>
      %convert_element_type3A_1546 = arith.fptosi %min3A_1545 : vector<16xf32> to vector<16xi32>
      %ne3A_1547 = arith.cmpf one, %get3A_1536, %get3A_1536 : vector<16xf32>
      %broadcast_in_dim3A_1548 = arith.constant 32 : i32
      %broadcast_in_dim3A_1549 = vector.broadcast %broadcast_in_dim3A_1548 : i32 to vector<16xi32>
      %select_n3A_1550 = arith.select %ne3A_1547, %broadcast_in_dim3A_1549, %convert_element_type3A_1546 : vector<16xi1>, vector<16xi32>
      %swap3A_1551 = arith.constant 0 : i32
      %swap3A_1552 = arith.constant 1 : i32
      %swap3A_1553 = arith.index_cast %swap3A_1551 : i32 to index
      %swap3A_1554 = arith.index_cast %swap3A_1552 : i32 to index
      %swap3A_1555 = arith.constant 80 : index
      %swap3A_1556 = tpu.vector_load %arg6[%swap3A_1553, %swap3A_1554, %swap3A_1555] {strides = array<i32>} : memref<2x2x128xi32, #tpu.memory_space<vmem>>, vector<16xi32>,
      tpu.vector_store %arg6[%swap3A_1553, %swap3A_1554, %swap3A_1555], %select_n3A_1550 {strides = array<i32>} : memref<2x2x128xi32, #tpu.memory_space<vmem>>, vector<16xi32>,
      %get3A_1557 = arith.constant 0 : i32
      %get3A_1558 = arith.index_cast %get3A_1557 : i32 to index
      %get3A_1559 = arith.constant 224 : index
      %get3A_1560 = tpu.vector_load %arg5[%get3A_1558, %get3A_1559] {strides = array<i32>} : memref<2x256xf32, #tpu.memory_space<vmem>>, vector<16xf32>,
      %mul3A_1561 = arith.constant 3.200000e+01 : f32
      %mul3A_1562 = vector.broadcast %mul3A_1561 : f32 to vector<16xf32>
      %mul3A_1563 = arith.mulf %get3A_1560, %mul3A_1562 : vector<16xf32>
      %jit3A_1564 = arith.constant 0.000000e+00 : f32
      %jit3A_1565 = arith.constant 3.100000e+01 : f32
      %max3A_1566 = vector.broadcast %jit3A_1564 : f32 to vector<16xf32>
      %max3A_1567 = arith.maximumf %max3A_1566, %mul3A_1563 : vector<16xf32>
      %min3A_1568 = vector.broadcast %jit3A_1565 : f32 to vector<16xf32>
      %min3A_1569 = arith.minimumf %min3A_1568, %max3A_1567 : vector<16xf32>
      %convert_element_type3A_1570 = arith.fptosi %min3A_1569 : vector<16xf32> to vector<16xi32>
      %ne3A_1571 = arith.cmpf one, %get3A_1560, %get3A_1560 : vector<16xf32>
      %broadcast_in_dim3A_1572 = arith.constant 32 : i32
      %broadcast_in_dim3A_1573 = vector.broadcast %broadcast_in_dim3A_1572 : i32 to vector<16xi32>
      %select_n3A_1574 = arith.select %ne3A_1571, %broadcast_in_dim3A_1573, %convert_element_type3A_1570 : vector<16xi1>, vector<16xi32>
      %swap3A_1575 = arith.constant 0 : i32
      %swap3A_1576 = arith.constant 1 : i32
      %swap3A_1577 = arith.index_cast %swap3A_1575 : i32 to index
      %swap3A_1578 = arith.index_cast %swap3A_1576 : i32 to index
      %swap3A_1579 = arith.constant 96 : index
      %swap3A_1580 = tpu.vector_load %arg6[%swap3A_1577, %swap3A_1578, %swap3A_1579] {strides = array<i32>} : memref<2x2x128xi32, #tpu.memory_space<vmem>>, vector<16xi32>,
      tpu.vector_store %arg6[%swap3A_1577, %swap3A_1578, %swap3A_1579], %select_n3A_1574 {strides = array<i32>} : memref<2x2x128xi32, #tpu.memory_space<vmem>>, vector<16xi32>,
      %get3A_1581 = arith.constant 0 : i32
      %get3A_1582 = arith.index_cast %get3A_1581 : i32 to index
      %get3A_1583 = arith.constant 240 : index
      %get3A_1584 = tpu.vector_load %arg5[%get3A_1582, %get3A_1583] {strides = array<i32>} : memref<2x256xf32, #tpu.memory_space<vmem>>, vector<16xf32>,
      %mul3A_1585 = arith.constant 3.200000e+01 : f32
      %mul3A_1586 = vector.broadcast %mul3A_1585 : f32 to vector<16xf32>
      %mul3A_1587 = arith.mulf %get3A_1584, %mul3A_1586 : vector<16xf32>
      %jit3A_1588 = arith.constant 0.000000e+00 : f32
      %jit3A_1589 = arith.constant 3.100000e+01 : f32
      %max3A_1590 = vector.broadcast %jit3A_1588 : f32 to vector<16xf32>
      %max3A_1591 = arith.maximumf %max3A_1590, %mul3A_1587 : vector<16xf32>
      %min3A_1592 = vector.broadcast %jit3A_1589 : f32 to vector<16xf32>
      %min3A_1593 = arith.minimumf %min3A_1592, %max3A_1591 : vector<16xf32>
      %convert_element_type3A_1594 = arith.fptosi %min3A_1593 : vector<16xf32> to vector<16xi32>
      %ne3A_1595 = arith.cmpf one, %get3A_1584, %get3A_1584 : vector<16xf32>
      %broadcast_in_dim3A_1596 = arith.constant 32 : i32
      %broadcast_in_dim3A_1597 = vector.broadcast %broadcast_in_dim3A_1596 : i32 to vector<16xi32>
      %select_n3A_1598 = arith.select %ne3A_1595, %broadcast_in_dim3A_1597, %convert_element_type3A_1594 : vector<16xi1>, vector<16xi32>
      %swap3A_1599 = arith.constant 0 : i32
      %swap3A_1600 = arith.constant 1 : i32
      %swap3A_1601 = arith.index_cast %swap3A_1599 : i32 to index
      %swap3A_1602 = arith.index_cast %swap3A_1600 : i32 to index
      %swap3A_1603 = arith.constant 112 : index
      %swap3A_1604 = tpu.vector_load %arg6[%swap3A_1601, %swap3A_1602, %swap3A_1603] {strides = array<i32>} : memref<2x2x128xi32, #tpu.memory_space<vmem>>, vector<16xi32>,
      tpu.vector_store %arg6[%swap3A_1601, %swap3A_1602, %swap3A_1603], %select_n3A_1598 {strides = array<i32>} : memref<2x2x128xi32, #tpu.memory_space<vmem>>, vector<16xi32>,
      %dma_start3A_1605 = arith.constant 0 : i32
      %dma_start3A_1606 = arith.constant 0 : i32
      %dma_start3A_1607 = arith.constant 0 : i32
      %dma_start3A_1608 = arith.constant 0 : i32
      %dma_start3A_1609 = arith.constant 0 : i32
      %dma_start3A_1610 = tpu.memref_slice %arg7[%dma_start3A_1607, %dma_start3A_1608, %dma_start3A_1609] : memref<2x256x128xf32, #tpu.memory_space<vmem>> -> memref<1x256x128xf32, #tpu.memory_space<vmem>>
      %dma_start3A_1611 = tpu.memref_squeeze %dma_start3A_1610 : memref<1x256x128xf32, #tpu.memory_space<vmem>> -> memref<256x128xf32, #tpu.memory_space<vmem>>
      %dma_start3A_1612 = arith.constant 0 : i32
      %dma_start3A_1613 = arith.constant 0 : i32
      %dma_start3A_1614 = tpu.memref_slice %dma_start3A_1611[%dma_start3A_1612, %dma_start3A_1613] : memref<256x128xf32, #tpu.memory_space<vmem>> -> memref<128x128xf32, #tpu.memory_space<vmem>>
      %dma_start3A_1615 = arith.constant 0 : i32
      %dma_start3A_1616 = arith.constant 0 : i32
      %dma_start3A_1617 = tpu.memref_slice %arg6[%dma_start3A_1605, %dma_start3A_1615, %dma_start3A_1616] : memref<2x2x128xi32, #tpu.memory_space<vmem>> -> memref<1x2x128xi32, #tpu.memory_space<vmem>>
      %dma_start3A_1618 = tpu.memref_squeeze %dma_start3A_1617 : memref<1x2x128xi32, #tpu.memory_space<vmem>> -> memref<2x128xi32, #tpu.memory_space<vmem>>
      %dma_start3A_1619 = arith.constant 0 : i32
      %dma_start3A_1620 = tpu.memref_slice %dma_start3A_1618[%dma_start3A_1606, %dma_start3A_1619] : memref<2x128xi32, #tpu.memory_space<vmem>> -> memref<1x128xi32, #tpu.memory_space<vmem>>
      %dma_start3A_1621 = tpu.memref_squeeze %dma_start3A_1620 : memref<1x128xi32, #tpu.memory_space<vmem>> -> memref<128xi32, #tpu.memory_space<vmem>>
      %dma_start3A_1622 = arith.constant 0 : i32
      %dma_start3A_1623 = arith.constant 0 : i32
      %dma_start3A_1624 = tpu.memref_slice %arg9[%dma_start3A_1622, %dma_start3A_1623] : memref<33x128xf32, #tpu.memory_space<vmem_shared>> -> memref<33x128xf32, #tpu.memory_space<vmem_shared>>
      tpu.enqueue_indirect_dma source(%dma_start3A_1624 : memref<33x128xf32, #tpu.memory_space<vmem_shared>>) target(%dma_start3A_1614 : memref<128x128xf32, #tpu.memory_space<vmem>>) offsets(%dma_start3A_1621 : memref<128xi32, #tpu.memory_space<vmem>>) semaphore(%arg12 : memref<!tpu.dma_semaphore, #tpu.memory_space<semaphore_mem>>)
      %dma_start3A_1625 = arith.constant 0 : i32
      %dma_start3A_1626 = arith.constant 1 : i32
      %dma_start3A_1627 = arith.constant 0 : i32
      %dma_start3A_1628 = arith.constant 0 : i32
      %dma_start3A_1629 = arith.constant 0 : i32
      %dma_start3A_1630 = tpu.memref_slice %arg7[%dma_start3A_1627, %dma_start3A_1628, %dma_start3A_1629] : memref<2x256x128xf32, #tpu.memory_space<vmem>> -> memref<1x256x128xf32, #tpu.memory_space<vmem>>
      %dma_start3A_1631 = tpu.memref_squeeze %dma_start3A_1630 : memref<1x256x128xf32, #tpu.memory_space<vmem>> -> memref<256x128xf32, #tpu.memory_space<vmem>>
      %dma_start3A_1632 = arith.constant 128 : i32
      %dma_start3A_1633 = arith.constant 0 : i32
      %dma_start3A_1634 = tpu.memref_slice %dma_start3A_1631[%dma_start3A_1632, %dma_start3A_1633] : memref<256x128xf32, #tpu.memory_space<vmem>> -> memref<128x128xf32, #tpu.memory_space<vmem>>
      %dma_start3A_1635 = arith.constant 0 : i32
      %dma_start3A_1636 = arith.constant 0 : i32
      %dma_start3A_1637 = tpu.memref_slice %arg6[%dma_start3A_1625, %dma_start3A_1635, %dma_start3A_1636] : memref<2x2x128xi32, #tpu.memory_space<vmem>> -> memref<1x2x128xi32, #tpu.memory_space<vmem>>
      %dma_start3A_1638 = tpu.memref_squeeze %dma_start3A_1637 : memref<1x2x128xi32, #tpu.memory_space<vmem>> -> memref<2x128xi32, #tpu.memory_space<vmem>>
      %dma_start3A_1639 = arith.constant 0 : i32
      %dma_start3A_1640 = tpu.memref_slice %dma_start3A_1638[%dma_start3A_1626, %dma_start3A_1639] : memref<2x128xi32, #tpu.memory_space<vmem>> -> memref<1x128xi32, #tpu.memory_space<vmem>>
      %dma_start3A_1641 = tpu.memref_squeeze %dma_start3A_1640 : memref<1x128xi32, #tpu.memory_space<vmem>> -> memref<128xi32, #tpu.memory_space<vmem>>
      %dma_start3A_1642 = arith.constant 0 : i32
      %dma_start3A_1643 = arith.constant 0 : i32
      %dma_start3A_1644 = tpu.memref_slice %arg9[%dma_start3A_1642, %dma_start3A_1643] : memref<33x128xf32, #tpu.memory_space<vmem_shared>> -> memref<33x128xf32, #tpu.memory_space<vmem_shared>>
      tpu.enqueue_indirect_dma source(%dma_start3A_1644 : memref<33x128xf32, #tpu.memory_space<vmem_shared>>) target(%dma_start3A_1634 : memref<128x128xf32, #tpu.memory_space<vmem>>) offsets(%dma_start3A_1641 : memref<128xi32, #tpu.memory_space<vmem>>) semaphore(%arg12 : memref<!tpu.dma_semaphore, #tpu.memory_space<semaphore_mem>>)
      %dma_wait3A_1645 = arith.constant 1 : i32
      %dma_wait3A_1646 = arith.constant 0 : i32
      %dma_wait3A_1647 = arith.constant 1 : i32
      %dma_wait3A_1648 = arith.constant 0 : i32
      %dma_wait3A_1649 = arith.constant 0 : i32
      %dma_wait3A_1650 = tpu.memref_slice %arg7[%dma_wait3A_1647, %dma_wait3A_1648, %dma_wait3A_1649] : memref<2x256x128xf32, #tpu.memory_space<vmem>> -> memref<1x256x128xf32, #tpu.memory_space<vmem>>
      %dma_wait3A_1651 = tpu.memref_squeeze %dma_wait3A_1650 : memref<1x256x128xf32, #tpu.memory_space<vmem>> -> memref<256x128xf32, #tpu.memory_space<vmem>>
      %dma_wait3A_1652 = arith.constant 0 : i32
      %dma_wait3A_1653 = arith.constant 0 : i32
      %dma_wait3A_1654 = tpu.memref_slice %dma_wait3A_1651[%dma_wait3A_1652, %dma_wait3A_1653] : memref<256x128xf32, #tpu.memory_space<vmem>> -> memref<128x128xf32, #tpu.memory_space<vmem>>
      %dma_wait3A_1655 = arith.constant 0 : i32
      %dma_wait3A_1656 = arith.constant 0 : i32
      %dma_wait3A_1657 = tpu.memref_slice %arg6[%dma_wait3A_1645, %dma_wait3A_1655, %dma_wait3A_1656] : memref<2x2x128xi32, #tpu.memory_space<vmem>> -> memref<1x2x128xi32, #tpu.memory_space<vmem>>
      %dma_wait3A_1658 = tpu.memref_squeeze %dma_wait3A_1657 : memref<1x2x128xi32, #tpu.memory_space<vmem>> -> memref<2x128xi32, #tpu.memory_space<vmem>>
      %dma_wait3A_1659 = arith.constant 0 : i32
      %dma_wait3A_1660 = tpu.memref_slice %dma_wait3A_1658[%dma_wait3A_1646, %dma_wait3A_1659] : memref<2x128xi32, #tpu.memory_space<vmem>> -> memref<1x128xi32, #tpu.memory_space<vmem>>
      %dma_wait3A_1661 = tpu.memref_squeeze %dma_wait3A_1660 : memref<1x128xi32, #tpu.memory_space<vmem>> -> memref<128xi32, #tpu.memory_space<vmem>>
      %dma_wait3A_1662 = arith.constant 0 : i32
      %dma_wait3A_1663 = arith.constant 0 : i32
      %dma_wait3A_1664 = tpu.memref_slice %arg9[%dma_wait3A_1662, %dma_wait3A_1663] : memref<33x128xf32, #tpu.memory_space<vmem_shared>> -> memref<33x128xf32, #tpu.memory_space<vmem_shared>>
      tpu.wait_indirect_dma semaphore(%arg13 : memref<!tpu.dma_semaphore, #tpu.memory_space<semaphore_mem>>) src(%dma_wait3A_1664 : memref<33x128xf32, #tpu.memory_space<vmem_shared>>) dst(%dma_wait3A_1654 : memref<128x128xf32, #tpu.memory_space<vmem>>)
      %dma_wait3A_1665 = arith.constant 1 : i32
      %dma_wait3A_1666 = arith.constant 1 : i32
      %dma_wait3A_1667 = arith.constant 1 : i32
      %dma_wait3A_1668 = arith.constant 0 : i32
      %dma_wait3A_1669 = arith.constant 0 : i32
      %dma_wait3A_1670 = tpu.memref_slice %arg7[%dma_wait3A_1667, %dma_wait3A_1668, %dma_wait3A_1669] : memref<2x256x128xf32, #tpu.memory_space<vmem>> -> memref<1x256x128xf32, #tpu.memory_space<vmem>>
      %dma_wait3A_1671 = tpu.memref_squeeze %dma_wait3A_1670 : memref<1x256x128xf32, #tpu.memory_space<vmem>> -> memref<256x128xf32, #tpu.memory_space<vmem>>
      %dma_wait3A_1672 = arith.constant 128 : i32
      %dma_wait3A_1673 = arith.constant 0 : i32
      %dma_wait3A_1674 = tpu.memref_slice %dma_wait3A_1671[%dma_wait3A_1672, %dma_wait3A_1673] : memref<256x128xf32, #tpu.memory_space<vmem>> -> memref<128x128xf32, #tpu.memory_space<vmem>>
      %dma_wait3A_1675 = arith.constant 0 : i32
      %dma_wait3A_1676 = arith.constant 0 : i32
      %dma_wait3A_1677 = tpu.memref_slice %arg6[%dma_wait3A_1665, %dma_wait3A_1675, %dma_wait3A_1676] : memref<2x2x128xi32, #tpu.memory_space<vmem>> -> memref<1x2x128xi32, #tpu.memory_space<vmem>>
      %dma_wait3A_1678 = tpu.memref_squeeze %dma_wait3A_1677 : memref<1x2x128xi32, #tpu.memory_space<vmem>> -> memref<2x128xi32, #tpu.memory_space<vmem>>
      %dma_wait3A_1679 = arith.constant 0 : i32
      %dma_wait3A_1680 = tpu.memref_slice %dma_wait3A_1678[%dma_wait3A_1666, %dma_wait3A_1679] : memref<2x128xi32, #tpu.memory_space<vmem>> -> memref<1x128xi32, #tpu.memory_space<vmem>>
      %dma_wait3A_1681 = tpu.memref_squeeze %dma_wait3A_1680 : memref<1x128xi32, #tpu.memory_space<vmem>> -> memref<128xi32, #tpu.memory_space<vmem>>
      %dma_wait3A_1682 = arith.constant 0 : i32
      %dma_wait3A_1683 = arith.constant 0 : i32
      %dma_wait3A_1684 = tpu.memref_slice %arg9[%dma_wait3A_1682, %dma_wait3A_1683] : memref<33x128xf32, #tpu.memory_space<vmem_shared>> -> memref<33x128xf32, #tpu.memory_space<vmem_shared>>
      tpu.wait_indirect_dma semaphore(%arg13 : memref<!tpu.dma_semaphore, #tpu.memory_space<semaphore_mem>>) src(%dma_wait3A_1684 : memref<33x128xf32, #tpu.memory_space<vmem_shared>>) dst(%dma_wait3A_1674 : memref<128x128xf32, #tpu.memory_space<vmem>>)
      %sub3A_1685 = arith.constant 1 : i32
      %sub3A_1686 = arith.subi %mul3A_1154, %sub3A_1685 : i32
      %shift_right_arithmetic3A_1687 = arith.constant 1 : i32
      %shift_right_arithmetic3A_1688 = arith.shrsi %sub3A_1686, %shift_right_arithmetic3A_1687 : i32
      %and3A_1689 = arith.constant 1 : i32
      %and3A_1690 = arith.andi %sub3A_1686, %and3A_1689 : i32
      %mul3A_1691 = arith.constant 256 : i32
      %mul3A_1692 = arith.muli %and3A_1690, %mul3A_1691 : i32
      %add3A_1693 = arith.addi %mul3A_2, %mul3A_1692 : i32
      %mul3A_1694 = arith.constant 16384 : i32
      %mul3A_1695 = arith.muli %shift_right_arithmetic3A_1688, %mul3A_1694 : i32
      %add3A_1696 = arith.addi %mul3A_1695, %add3A_1693 : i32
      %dma_start3A_1697 = arith.constant 1 : i32
      %dma_start3A_1698 = arith.constant 0 : i32
      %dma_start3A_1699 = arith.constant 0 : i32
      %dma_start3A_1700 = tpu.memref_slice %arg7[%dma_start3A_1697, %dma_start3A_1698, %dma_start3A_1699] : memref<2x256x128xf32, #tpu.memory_space<vmem>> -> memref<1x256x128xf32, #tpu.memory_space<vmem>>
      %dma_start3A_1701 = tpu.memref_squeeze %dma_start3A_1700 : memref<1x256x128xf32, #tpu.memory_space<vmem>> -> memref<256x128xf32, #tpu.memory_space<vmem>>
      %dma_start3A_1702 = arith.constant 0 : i32
      %dma_start3A_1703 = tpu.memref_slice %arg4[%add3A_1696, %dma_start3A_1702] : memref<819200x128xf32, #tpu.memory_space<hbm>> -> memref<256x128xf32, #tpu.memory_space<hbm>>
      %dma_start3A_1704 = arith.constant 0 : i32
      %dma_start3A_1705 = tpu.memref_slice %arg4[%add3A_1696, %dma_start3A_1704] : memref<819200x128xf32, #tpu.memory_space<hbm>> -> memref<256x128xf32, #tpu.memory_space<hbm>>
      %dma_start3A_1706 = arith.constant 0 : i32
      %dma_start3A_1707 = arith.constant 0 : i32
      %dma_start3A_1708 = tpu.memref_slice %arg7[%dma_start3A_1697, %dma_start3A_1706, %dma_start3A_1707] : memref<2x256x128xf32, #tpu.memory_space<vmem>> -> memref<1x256x128xf32, #tpu.memory_space<vmem>>
      %dma_start3A_1709 = tpu.memref_squeeze %dma_start3A_1708 : memref<1x256x128xf32, #tpu.memory_space<vmem>> -> memref<256x128xf32, #tpu.memory_space<vmem>>
      tpu.enqueue_dma source(%dma_start3A_1709 : memref<256x128xf32, #tpu.memory_space<vmem>>) target(%dma_start3A_1705 : memref<256x128xf32, #tpu.memory_space<hbm>>) target_semaphore(%arg15 : memref<!tpu.dma_semaphore, #tpu.memory_space<semaphore_mem>>)
      %mul3A_1710 = arith.constant 2 : i32
      %mul3A_1711 = arith.muli %mul3A_1710, %scan3A_1152 : i32
      %add3A_1712 = arith.constant 1 : i32
      %add3A_1713 = arith.addi %mul3A_1711, %add3A_1712 : i32
      %add3A_1714 = arith.constant 1 : i32
      %add3A_1715 = arith.addi %add3A_1713, %add3A_1714 : i32
      %min3A_1716 = arith.constant 99 : i32
      %min3A_1717 = arith.minsi %add3A_1715, %min3A_1716 : i32
      %shift_right_arithmetic3A_1718 = arith.constant 1 : i32
      %shift_right_arithmetic3A_1719 = arith.shrsi %min3A_1717, %shift_right_arithmetic3A_1718 : i32
      %and3A_1720 = arith.constant 1 : i32
      %and3A_1721 = arith.andi %min3A_1717, %and3A_1720 : i32
      %mul3A_1722 = arith.constant 256 : i32
      %mul3A_1723 = arith.muli %and3A_1721, %mul3A_1722 : i32
      %add3A_1724 = arith.addi %mul3A_2, %mul3A_1723 : i32
      %dma_start3A_1725 = arith.constant 0 : i32
      %dma_start3A_1726 = arith.constant 0 : i32
      %dma_start3A_1727 = tpu.memref_slice %arg5[%dma_start3A_1725, %dma_start3A_1726] : memref<2x256xf32, #tpu.memory_space<vmem>> -> memref<1x256xf32, #tpu.memory_space<vmem>>
      %dma_start3A_1728 = tpu.memref_squeeze %dma_start3A_1727 : memref<1x256xf32, #tpu.memory_space<vmem>> -> memref<256xf32, #tpu.memory_space<vmem>>
      %dma_start3A_1729 = tpu.memref_slice %arg2[%shift_right_arithmetic3A_1719, %add3A_1724] : memref<50x16384xf32, #tpu.memory_space<hbm>> -> memref<1x256xf32, #tpu.memory_space<hbm>>
      %dma_start3A_1730 = tpu.memref_squeeze %dma_start3A_1729 : memref<1x256xf32, #tpu.memory_space<hbm>> -> memref<256xf32, #tpu.memory_space<hbm>>
      %dma_start3A_1731 = arith.constant 0 : i32
      %dma_start3A_1732 = tpu.memref_slice %arg5[%dma_start3A_1725, %dma_start3A_1731] : memref<2x256xf32, #tpu.memory_space<vmem>> -> memref<1x256xf32, #tpu.memory_space<vmem>>
      %dma_start3A_1733 = tpu.memref_squeeze %dma_start3A_1732 : memref<1x256xf32, #tpu.memory_space<vmem>> -> memref<256xf32, #tpu.memory_space<vmem>>
      %dma_start3A_1734 = tpu.memref_slice %arg2[%shift_right_arithmetic3A_1719, %add3A_1724] : memref<50x16384xf32, #tpu.memory_space<hbm>> -> memref<1x256xf32, #tpu.memory_space<hbm>>
      %dma_start3A_1735 = tpu.memref_squeeze %dma_start3A_1734 : memref<1x256xf32, #tpu.memory_space<hbm>> -> memref<256xf32, #tpu.memory_space<hbm>>
      tpu.enqueue_dma source(%dma_start3A_1735 : memref<256xf32, #tpu.memory_space<hbm>>) target(%dma_start3A_1733 : memref<256xf32, #tpu.memory_space<vmem>>) target_semaphore(%arg10 : memref<!tpu.dma_semaphore, #tpu.memory_space<semaphore_mem>>)
      %min3A_1736 = arith.constant 99 : i32
      %min3A_1737 = arith.minsi %add3A_1713, %min3A_1736 : i32
      %shift_right_arithmetic3A_1738 = arith.constant 1 : i32
      %shift_right_arithmetic3A_1739 = arith.shrsi %min3A_1737, %shift_right_arithmetic3A_1738 : i32
      %and3A_1740 = arith.constant 1 : i32
      %and3A_1741 = arith.andi %min3A_1737, %and3A_1740 : i32
      %mul3A_1742 = arith.constant 256 : i32
      %mul3A_1743 = arith.muli %and3A_1741, %mul3A_1742 : i32
      %add3A_1744 = arith.addi %mul3A_2, %mul3A_1743 : i32
      %dma_wait3A_1745 = arith.constant 1 : i32
      %dma_wait3A_1746 = arith.constant 0 : i32
      %dma_wait3A_1747 = tpu.memref_slice %arg5[%dma_wait3A_1745, %dma_wait3A_1746] : memref<2x256xf32, #tpu.memory_space<vmem>> -> memref<1x256xf32, #tpu.memory_space<vmem>>
      %dma_wait3A_1748 = tpu.memref_squeeze %dma_wait3A_1747 : memref<1x256xf32, #tpu.memory_space<vmem>> -> memref<256xf32, #tpu.memory_space<vmem>>
      %dma_wait3A_1749 = tpu.memref_slice %arg2[%shift_right_arithmetic3A_1739, %add3A_1744] : memref<50x16384xf32, #tpu.memory_space<hbm>> -> memref<1x256xf32, #tpu.memory_space<hbm>>
      %dma_wait3A_1750 = tpu.memref_squeeze %dma_wait3A_1749 : memref<1x256xf32, #tpu.memory_space<hbm>> -> memref<256xf32, #tpu.memory_space<hbm>>
      %dma_wait3A_1751 = arith.constant 0 : i32
      %dma_wait3A_1752 = tpu.memref_slice %arg5[%dma_wait3A_1745, %dma_wait3A_1751] : memref<2x256xf32, #tpu.memory_space<vmem>> -> memref<1x256xf32, #tpu.memory_space<vmem>>
      %dma_wait3A_1753 = tpu.memref_squeeze %dma_wait3A_1752 : memref<1x256xf32, #tpu.memory_space<vmem>> -> memref<256xf32, #tpu.memory_space<vmem>>
      %dma_wait3A_1754 = tpu.memref_slice %arg2[%shift_right_arithmetic3A_1739, %add3A_1744] : memref<50x16384xf32, #tpu.memory_space<hbm>> -> memref<1x256xf32, #tpu.memory_space<hbm>>
      %dma_wait3A_1755 = tpu.memref_squeeze %dma_wait3A_1754 : memref<1x256xf32, #tpu.memory_space<hbm>> -> memref<256xf32, #tpu.memory_space<hbm>>
      tpu.wait_dma2 semaphore(%arg11 : memref<!tpu.dma_semaphore, #tpu.memory_space<semaphore_mem>>) src(%dma_wait3A_1755 : memref<256xf32, #tpu.memory_space<hbm>>) dst(%dma_wait3A_1753 : memref<256xf32, #tpu.memory_space<vmem>>)
      %sub3A_1756 = arith.constant 2 : i32
      %sub3A_1757 = arith.subi %add3A_1713, %sub3A_1756 : i32
      %shift_right_arithmetic3A_1758 = arith.constant 1 : i32
      %shift_right_arithmetic3A_1759 = arith.shrsi %sub3A_1757, %shift_right_arithmetic3A_1758 : i32
      %and3A_1760 = arith.constant 1 : i32
      %and3A_1761 = arith.andi %sub3A_1757, %and3A_1760 : i32
      %mul3A_1762 = arith.constant 256 : i32
      %mul3A_1763 = arith.muli %and3A_1761, %mul3A_1762 : i32
      %add3A_1764 = arith.addi %mul3A_2, %mul3A_1763 : i32
      %mul3A_1765 = arith.constant 16384 : i32
      %mul3A_1766 = arith.muli %shift_right_arithmetic3A_1759, %mul3A_1765 : i32
      %add3A_1767 = arith.addi %mul3A_1766, %add3A_1764 : i32
      %dma_wait3A_1768 = arith.constant 1 : i32
      %dma_wait3A_1769 = arith.constant 0 : i32
      %dma_wait3A_1770 = arith.constant 0 : i32
      %dma_wait3A_1771 = tpu.memref_slice %arg7[%dma_wait3A_1768, %dma_wait3A_1769, %dma_wait3A_1770] : memref<2x256x128xf32, #tpu.memory_space<vmem>> -> memref<1x256x128xf32, #tpu.memory_space<vmem>>
      %dma_wait3A_1772 = tpu.memref_squeeze %dma_wait3A_1771 : memref<1x256x128xf32, #tpu.memory_space<vmem>> -> memref<256x128xf32, #tpu.memory_space<vmem>>
      %dma_wait3A_1773 = arith.constant 0 : i32
      %dma_wait3A_1774 = tpu.memref_slice %arg4[%add3A_1767, %dma_wait3A_1773] : memref<819200x128xf32, #tpu.memory_space<hbm>> -> memref<256x128xf32, #tpu.memory_space<hbm>>
      %dma_wait3A_1775 = arith.constant 0 : i32
      %dma_wait3A_1776 = tpu.memref_slice %arg4[%add3A_1767, %dma_wait3A_1775] : memref<819200x128xf32, #tpu.memory_space<hbm>> -> memref<256x128xf32, #tpu.memory_space<hbm>>
      %dma_wait3A_1777 = arith.constant 0 : i32
      %dma_wait3A_1778 = arith.constant 0 : i32
      %dma_wait3A_1779 = tpu.memref_slice %arg7[%dma_wait3A_1768, %dma_wait3A_1777, %dma_wait3A_1778] : memref<2x256x128xf32, #tpu.memory_space<vmem>> -> memref<1x256x128xf32, #tpu.memory_space<vmem>>
      %dma_wait3A_1780 = tpu.memref_squeeze %dma_wait3A_1779 : memref<1x256x128xf32, #tpu.memory_space<vmem>> -> memref<256x128xf32, #tpu.memory_space<vmem>>
      tpu.wait_dma2 semaphore(%arg15 : memref<!tpu.dma_semaphore, #tpu.memory_space<semaphore_mem>>) src(%dma_wait3A_1780 : memref<256x128xf32, #tpu.memory_space<vmem>>) dst(%dma_wait3A_1776 : memref<256x128xf32, #tpu.memory_space<hbm>>)
      %get3A_1781 = arith.constant 1 : i32
      %get3A_1782 = arith.index_cast %get3A_1781 : i32 to index
      %get3A_1783 = arith.constant 0 : index
      %get3A_1784 = tpu.vector_load %arg5[%get3A_1782, %get3A_1783] {strides = array<i32>} : memref<2x256xf32, #tpu.memory_space<vmem>>, vector<16xf32>,
      %mul3A_1785 = arith.constant 3.200000e+01 : f32
      %mul3A_1786 = vector.broadcast %mul3A_1785 : f32 to vector<16xf32>
      %mul3A_1787 = arith.mulf %get3A_1784, %mul3A_1786 : vector<16xf32>
      %jit3A_1788 = arith.constant 0.000000e+00 : f32
      %jit3A_1789 = arith.constant 3.100000e+01 : f32
      %max3A_1790 = vector.broadcast %jit3A_1788 : f32 to vector<16xf32>
      %max3A_1791 = arith.maximumf %max3A_1790, %mul3A_1787 : vector<16xf32>
      %min3A_1792 = vector.broadcast %jit3A_1789 : f32 to vector<16xf32>
      %min3A_1793 = arith.minimumf %min3A_1792, %max3A_1791 : vector<16xf32>
      %convert_element_type3A_1794 = arith.fptosi %min3A_1793 : vector<16xf32> to vector<16xi32>
      %ne3A_1795 = arith.cmpf one, %get3A_1784, %get3A_1784 : vector<16xf32>
      %broadcast_in_dim3A_1796 = arith.constant 32 : i32
      %broadcast_in_dim3A_1797 = vector.broadcast %broadcast_in_dim3A_1796 : i32 to vector<16xi32>
      %select_n3A_1798 = arith.select %ne3A_1795, %broadcast_in_dim3A_1797, %convert_element_type3A_1794 : vector<16xi1>, vector<16xi32>
      %swap3A_1799 = arith.constant 1 : i32
      %swap3A_1800 = arith.constant 0 : i32
      %swap3A_1801 = arith.index_cast %swap3A_1799 : i32 to index
      %swap3A_1802 = arith.index_cast %swap3A_1800 : i32 to index
      %swap3A_1803 = arith.constant 0 : index
      %swap3A_1804 = tpu.vector_load %arg6[%swap3A_1801, %swap3A_1802, %swap3A_1803] {strides = array<i32>} : memref<2x2x128xi32, #tpu.memory_space<vmem>>, vector<16xi32>,
      tpu.vector_store %arg6[%swap3A_1801, %swap3A_1802, %swap3A_1803], %select_n3A_1798 {strides = array<i32>} : memref<2x2x128xi32, #tpu.memory_space<vmem>>, vector<16xi32>,
      %get3A_1805 = arith.constant 1 : i32
      %get3A_1806 = arith.index_cast %get3A_1805 : i32 to index
      %get3A_1807 = arith.constant 16 : index
      %get3A_1808 = tpu.vector_load %arg5[%get3A_1806, %get3A_1807] {strides = array<i32>} : memref<2x256xf32, #tpu.memory_space<vmem>>, vector<16xf32>,
      %mul3A_1809 = arith.constant 3.200000e+01 : f32
      %mul3A_1810 = vector.broadcast %mul3A_1809 : f32 to vector<16xf32>
      %mul3A_1811 = arith.mulf %get3A_1808, %mul3A_1810 : vector<16xf32>
      %jit3A_1812 = arith.constant 0.000000e+00 : f32
      %jit3A_1813 = arith.constant 3.100000e+01 : f32
      %max3A_1814 = vector.broadcast %jit3A_1812 : f32 to vector<16xf32>
      %max3A_1815 = arith.maximumf %max3A_1814, %mul3A_1811 : vector<16xf32>
      %min3A_1816 = vector.broadcast %jit3A_1813 : f32 to vector<16xf32>
      %min3A_1817 = arith.minimumf %min3A_1816, %max3A_1815 : vector<16xf32>
      %convert_element_type3A_1818 = arith.fptosi %min3A_1817 : vector<16xf32> to vector<16xi32>
      %ne3A_1819 = arith.cmpf one, %get3A_1808, %get3A_1808 : vector<16xf32>
      %broadcast_in_dim3A_1820 = arith.constant 32 : i32
      %broadcast_in_dim3A_1821 = vector.broadcast %broadcast_in_dim3A_1820 : i32 to vector<16xi32>
      %select_n3A_1822 = arith.select %ne3A_1819, %broadcast_in_dim3A_1821, %convert_element_type3A_1818 : vector<16xi1>, vector<16xi32>
      %swap3A_1823 = arith.constant 1 : i32
      %swap3A_1824 = arith.constant 0 : i32
      %swap3A_1825 = arith.index_cast %swap3A_1823 : i32 to index
      %swap3A_1826 = arith.index_cast %swap3A_1824 : i32 to index
      %swap3A_1827 = arith.constant 16 : index
      %swap3A_1828 = tpu.vector_load %arg6[%swap3A_1825, %swap3A_1826, %swap3A_1827] {strides = array<i32>} : memref<2x2x128xi32, #tpu.memory_space<vmem>>, vector<16xi32>,
      tpu.vector_store %arg6[%swap3A_1825, %swap3A_1826, %swap3A_1827], %select_n3A_1822 {strides = array<i32>} : memref<2x2x128xi32, #tpu.memory_space<vmem>>, vector<16xi32>,
      %get3A_1829 = arith.constant 1 : i32
      %get3A_1830 = arith.index_cast %get3A_1829 : i32 to index
      %get3A_1831 = arith.constant 32 : index
      %get3A_1832 = tpu.vector_load %arg5[%get3A_1830, %get3A_1831] {strides = array<i32>} : memref<2x256xf32, #tpu.memory_space<vmem>>, vector<16xf32>,
      %mul3A_1833 = arith.constant 3.200000e+01 : f32
      %mul3A_1834 = vector.broadcast %mul3A_1833 : f32 to vector<16xf32>
      %mul3A_1835 = arith.mulf %get3A_1832, %mul3A_1834 : vector<16xf32>
      %jit3A_1836 = arith.constant 0.000000e+00 : f32
      %jit3A_1837 = arith.constant 3.100000e+01 : f32
      %max3A_1838 = vector.broadcast %jit3A_1836 : f32 to vector<16xf32>
      %max3A_1839 = arith.maximumf %max3A_1838, %mul3A_1835 : vector<16xf32>
      %min3A_1840 = vector.broadcast %jit3A_1837 : f32 to vector<16xf32>
      %min3A_1841 = arith.minimumf %min3A_1840, %max3A_1839 : vector<16xf32>
      %convert_element_type3A_1842 = arith.fptosi %min3A_1841 : vector<16xf32> to vector<16xi32>
      %ne3A_1843 = arith.cmpf one, %get3A_1832, %get3A_1832 : vector<16xf32>
      %broadcast_in_dim3A_1844 = arith.constant 32 : i32
      %broadcast_in_dim3A_1845 = vector.broadcast %broadcast_in_dim3A_1844 : i32 to vector<16xi32>
      %select_n3A_1846 = arith.select %ne3A_1843, %broadcast_in_dim3A_1845, %convert_element_type3A_1842 : vector<16xi1>, vector<16xi32>
      %swap3A_1847 = arith.constant 1 : i32
      %swap3A_1848 = arith.constant 0 : i32
      %swap3A_1849 = arith.index_cast %swap3A_1847 : i32 to index
      %swap3A_1850 = arith.index_cast %swap3A_1848 : i32 to index
      %swap3A_1851 = arith.constant 32 : index
      %swap3A_1852 = tpu.vector_load %arg6[%swap3A_1849, %swap3A_1850, %swap3A_1851] {strides = array<i32>} : memref<2x2x128xi32, #tpu.memory_space<vmem>>, vector<16xi32>,
      tpu.vector_store %arg6[%swap3A_1849, %swap3A_1850, %swap3A_1851], %select_n3A_1846 {strides = array<i32>} : memref<2x2x128xi32, #tpu.memory_space<vmem>>, vector<16xi32>,
      %get3A_1853 = arith.constant 1 : i32
      %get3A_1854 = arith.index_cast %get3A_1853 : i32 to index
      %get3A_1855 = arith.constant 48 : index
      %get3A_1856 = tpu.vector_load %arg5[%get3A_1854, %get3A_1855] {strides = array<i32>} : memref<2x256xf32, #tpu.memory_space<vmem>>, vector<16xf32>,
      %mul3A_1857 = arith.constant 3.200000e+01 : f32
      %mul3A_1858 = vector.broadcast %mul3A_1857 : f32 to vector<16xf32>
      %mul3A_1859 = arith.mulf %get3A_1856, %mul3A_1858 : vector<16xf32>
      %jit3A_1860 = arith.constant 0.000000e+00 : f32
      %jit3A_1861 = arith.constant 3.100000e+01 : f32
      %max3A_1862 = vector.broadcast %jit3A_1860 : f32 to vector<16xf32>
      %max3A_1863 = arith.maximumf %max3A_1862, %mul3A_1859 : vector<16xf32>
      %min3A_1864 = vector.broadcast %jit3A_1861 : f32 to vector<16xf32>
      %min3A_1865 = arith.minimumf %min3A_1864, %max3A_1863 : vector<16xf32>
      %convert_element_type3A_1866 = arith.fptosi %min3A_1865 : vector<16xf32> to vector<16xi32>
      %ne3A_1867 = arith.cmpf one, %get3A_1856, %get3A_1856 : vector<16xf32>
      %broadcast_in_dim3A_1868 = arith.constant 32 : i32
      %broadcast_in_dim3A_1869 = vector.broadcast %broadcast_in_dim3A_1868 : i32 to vector<16xi32>
      %select_n3A_1870 = arith.select %ne3A_1867, %broadcast_in_dim3A_1869, %convert_element_type3A_1866 : vector<16xi1>, vector<16xi32>
      %swap3A_1871 = arith.constant 1 : i32
      %swap3A_1872 = arith.constant 0 : i32
      %swap3A_1873 = arith.index_cast %swap3A_1871 : i32 to index
      %swap3A_1874 = arith.index_cast %swap3A_1872 : i32 to index
      %swap3A_1875 = arith.constant 48 : index
      %swap3A_1876 = tpu.vector_load %arg6[%swap3A_1873, %swap3A_1874, %swap3A_1875] {strides = array<i32>} : memref<2x2x128xi32, #tpu.memory_space<vmem>>, vector<16xi32>,
      tpu.vector_store %arg6[%swap3A_1873, %swap3A_1874, %swap3A_1875], %select_n3A_1870 {strides = array<i32>} : memref<2x2x128xi32, #tpu.memory_space<vmem>>, vector<16xi32>,
      %get3A_1877 = arith.constant 1 : i32
      %get3A_1878 = arith.index_cast %get3A_1877 : i32 to index
      %get3A_1879 = arith.constant 64 : index
      %get3A_1880 = tpu.vector_load %arg5[%get3A_1878, %get3A_1879] {strides = array<i32>} : memref<2x256xf32, #tpu.memory_space<vmem>>, vector<16xf32>,
      %mul3A_1881 = arith.constant 3.200000e+01 : f32
      %mul3A_1882 = vector.broadcast %mul3A_1881 : f32 to vector<16xf32>
      %mul3A_1883 = arith.mulf %get3A_1880, %mul3A_1882 : vector<16xf32>
      %jit3A_1884 = arith.constant 0.000000e+00 : f32
      %jit3A_1885 = arith.constant 3.100000e+01 : f32
      %max3A_1886 = vector.broadcast %jit3A_1884 : f32 to vector<16xf32>
      %max3A_1887 = arith.maximumf %max3A_1886, %mul3A_1883 : vector<16xf32>
      %min3A_1888 = vector.broadcast %jit3A_1885 : f32 to vector<16xf32>
      %min3A_1889 = arith.minimumf %min3A_1888, %max3A_1887 : vector<16xf32>
      %convert_element_type3A_1890 = arith.fptosi %min3A_1889 : vector<16xf32> to vector<16xi32>
      %ne3A_1891 = arith.cmpf one, %get3A_1880, %get3A_1880 : vector<16xf32>
      %broadcast_in_dim3A_1892 = arith.constant 32 : i32
      %broadcast_in_dim3A_1893 = vector.broadcast %broadcast_in_dim3A_1892 : i32 to vector<16xi32>
      %select_n3A_1894 = arith.select %ne3A_1891, %broadcast_in_dim3A_1893, %convert_element_type3A_1890 : vector<16xi1>, vector<16xi32>
      %swap3A_1895 = arith.constant 1 : i32
      %swap3A_1896 = arith.constant 0 : i32
      %swap3A_1897 = arith.index_cast %swap3A_1895 : i32 to index
      %swap3A_1898 = arith.index_cast %swap3A_1896 : i32 to index
      %swap3A_1899 = arith.constant 64 : index
      %swap3A_1900 = tpu.vector_load %arg6[%swap3A_1897, %swap3A_1898, %swap3A_1899] {strides = array<i32>} : memref<2x2x128xi32, #tpu.memory_space<vmem>>, vector<16xi32>,
      tpu.vector_store %arg6[%swap3A_1897, %swap3A_1898, %swap3A_1899], %select_n3A_1894 {strides = array<i32>} : memref<2x2x128xi32, #tpu.memory_space<vmem>>, vector<16xi32>,
      %get3A_1901 = arith.constant 1 : i32
      %get3A_1902 = arith.index_cast %get3A_1901 : i32 to index
      %get3A_1903 = arith.constant 80 : index
      %get3A_1904 = tpu.vector_load %arg5[%get3A_1902, %get3A_1903] {strides = array<i32>} : memref<2x256xf32, #tpu.memory_space<vmem>>, vector<16xf32>,
      %mul3A_1905 = arith.constant 3.200000e+01 : f32
      %mul3A_1906 = vector.broadcast %mul3A_1905 : f32 to vector<16xf32>
      %mul3A_1907 = arith.mulf %get3A_1904, %mul3A_1906 : vector<16xf32>
      %jit3A_1908 = arith.constant 0.000000e+00 : f32
      %jit3A_1909 = arith.constant 3.100000e+01 : f32
      %max3A_1910 = vector.broadcast %jit3A_1908 : f32 to vector<16xf32>
      %max3A_1911 = arith.maximumf %max3A_1910, %mul3A_1907 : vector<16xf32>
      %min3A_1912 = vector.broadcast %jit3A_1909 : f32 to vector<16xf32>
      %min3A_1913 = arith.minimumf %min3A_1912, %max3A_1911 : vector<16xf32>
      %convert_element_type3A_1914 = arith.fptosi %min3A_1913 : vector<16xf32> to vector<16xi32>
      %ne3A_1915 = arith.cmpf one, %get3A_1904, %get3A_1904 : vector<16xf32>
      %broadcast_in_dim3A_1916 = arith.constant 32 : i32
      %broadcast_in_dim3A_1917 = vector.broadcast %broadcast_in_dim3A_1916 : i32 to vector<16xi32>
      %select_n3A_1918 = arith.select %ne3A_1915, %broadcast_in_dim3A_1917, %convert_element_type3A_1914 : vector<16xi1>, vector<16xi32>
      %swap3A_1919 = arith.constant 1 : i32
      %swap3A_1920 = arith.constant 0 : i32
      %swap3A_1921 = arith.index_cast %swap3A_1919 : i32 to index
      %swap3A_1922 = arith.index_cast %swap3A_1920 : i32 to index
      %swap3A_1923 = arith.constant 80 : index
      %swap3A_1924 = tpu.vector_load %arg6[%swap3A_1921, %swap3A_1922, %swap3A_1923] {strides = array<i32>} : memref<2x2x128xi32, #tpu.memory_space<vmem>>, vector<16xi32>,
      tpu.vector_store %arg6[%swap3A_1921, %swap3A_1922, %swap3A_1923], %select_n3A_1918 {strides = array<i32>} : memref<2x2x128xi32, #tpu.memory_space<vmem>>, vector<16xi32>,
      %get3A_1925 = arith.constant 1 : i32
      %get3A_1926 = arith.index_cast %get3A_1925 : i32 to index
      %get3A_1927 = arith.constant 96 : index
      %get3A_1928 = tpu.vector_load %arg5[%get3A_1926, %get3A_1927] {strides = array<i32>} : memref<2x256xf32, #tpu.memory_space<vmem>>, vector<16xf32>,
      %mul3A_1929 = arith.constant 3.200000e+01 : f32
      %mul3A_1930 = vector.broadcast %mul3A_1929 : f32 to vector<16xf32>
      %mul3A_1931 = arith.mulf %get3A_1928, %mul3A_1930 : vector<16xf32>
      %jit3A_1932 = arith.constant 0.000000e+00 : f32
      %jit3A_1933 = arith.constant 3.100000e+01 : f32
      %max3A_1934 = vector.broadcast %jit3A_1932 : f32 to vector<16xf32>
      %max3A_1935 = arith.maximumf %max3A_1934, %mul3A_1931 : vector<16xf32>
      %min3A_1936 = vector.broadcast %jit3A_1933 : f32 to vector<16xf32>
      %min3A_1937 = arith.minimumf %min3A_1936, %max3A_1935 : vector<16xf32>
      %convert_element_type3A_1938 = arith.fptosi %min3A_1937 : vector<16xf32> to vector<16xi32>
      %ne3A_1939 = arith.cmpf one, %get3A_1928, %get3A_1928 : vector<16xf32>
      %broadcast_in_dim3A_1940 = arith.constant 32 : i32
      %broadcast_in_dim3A_1941 = vector.broadcast %broadcast_in_dim3A_1940 : i32 to vector<16xi32>
      %select_n3A_1942 = arith.select %ne3A_1939, %broadcast_in_dim3A_1941, %convert_element_type3A_1938 : vector<16xi1>, vector<16xi32>
      %swap3A_1943 = arith.constant 1 : i32
      %swap3A_1944 = arith.constant 0 : i32
      %swap3A_1945 = arith.index_cast %swap3A_1943 : i32 to index
      %swap3A_1946 = arith.index_cast %swap3A_1944 : i32 to index
      %swap3A_1947 = arith.constant 96 : index
      %swap3A_1948 = tpu.vector_load %arg6[%swap3A_1945, %swap3A_1946, %swap3A_1947] {strides = array<i32>} : memref<2x2x128xi32, #tpu.memory_space<vmem>>, vector<16xi32>,
      tpu.vector_store %arg6[%swap3A_1945, %swap3A_1946, %swap3A_1947], %select_n3A_1942 {strides = array<i32>} : memref<2x2x128xi32, #tpu.memory_space<vmem>>, vector<16xi32>,
      %get3A_1949 = arith.constant 1 : i32
      %get3A_1950 = arith.index_cast %get3A_1949 : i32 to index
      %get3A_1951 = arith.constant 112 : index
      %get3A_1952 = tpu.vector_load %arg5[%get3A_1950, %get3A_1951] {strides = array<i32>} : memref<2x256xf32, #tpu.memory_space<vmem>>, vector<16xf32>,
      %mul3A_1953 = arith.constant 3.200000e+01 : f32
      %mul3A_1954 = vector.broadcast %mul3A_1953 : f32 to vector<16xf32>
      %mul3A_1955 = arith.mulf %get3A_1952, %mul3A_1954 : vector<16xf32>
      %jit3A_1956 = arith.constant 0.000000e+00 : f32
      %jit3A_1957 = arith.constant 3.100000e+01 : f32
      %max3A_1958 = vector.broadcast %jit3A_1956 : f32 to vector<16xf32>
      %max3A_1959 = arith.maximumf %max3A_1958, %mul3A_1955 : vector<16xf32>
      %min3A_1960 = vector.broadcast %jit3A_1957 : f32 to vector<16xf32>
      %min3A_1961 = arith.minimumf %min3A_1960, %max3A_1959 : vector<16xf32>
      %convert_element_type3A_1962 = arith.fptosi %min3A_1961 : vector<16xf32> to vector<16xi32>
      %ne3A_1963 = arith.cmpf one, %get3A_1952, %get3A_1952 : vector<16xf32>
      %broadcast_in_dim3A_1964 = arith.constant 32 : i32
      %broadcast_in_dim3A_1965 = vector.broadcast %broadcast_in_dim3A_1964 : i32 to vector<16xi32>
      %select_n3A_1966 = arith.select %ne3A_1963, %broadcast_in_dim3A_1965, %convert_element_type3A_1962 : vector<16xi1>, vector<16xi32>
      %swap3A_1967 = arith.constant 1 : i32
      %swap3A_1968 = arith.constant 0 : i32
      %swap3A_1969 = arith.index_cast %swap3A_1967 : i32 to index
      %swap3A_1970 = arith.index_cast %swap3A_1968 : i32 to index
      %swap3A_1971 = arith.constant 112 : index
      %swap3A_1972 = tpu.vector_load %arg6[%swap3A_1969, %swap3A_1970, %swap3A_1971] {strides = array<i32>} : memref<2x2x128xi32, #tpu.memory_space<vmem>>, vector<16xi32>,
      tpu.vector_store %arg6[%swap3A_1969, %swap3A_1970, %swap3A_1971], %select_n3A_1966 {strides = array<i32>} : memref<2x2x128xi32, #tpu.memory_space<vmem>>, vector<16xi32>,
      %get3A_1973 = arith.constant 1 : i32
      %get3A_1974 = arith.index_cast %get3A_1973 : i32 to index
      %get3A_1975 = arith.constant 128 : index
      %get3A_1976 = tpu.vector_load %arg5[%get3A_1974, %get3A_1975] {strides = array<i32>} : memref<2x256xf32, #tpu.memory_space<vmem>>, vector<16xf32>,
      %mul3A_1977 = arith.constant 3.200000e+01 : f32
      %mul3A_1978 = vector.broadcast %mul3A_1977 : f32 to vector<16xf32>
      %mul3A_1979 = arith.mulf %get3A_1976, %mul3A_1978 : vector<16xf32>
      %jit3A_1980 = arith.constant 0.000000e+00 : f32
      %jit3A_1981 = arith.constant 3.100000e+01 : f32
      %max3A_1982 = vector.broadcast %jit3A_1980 : f32 to vector<16xf32>
      %max3A_1983 = arith.maximumf %max3A_1982, %mul3A_1979 : vector<16xf32>
      %min3A_1984 = vector.broadcast %jit3A_1981 : f32 to vector<16xf32>
      %min3A_1985 = arith.minimumf %min3A_1984, %max3A_1983 : vector<16xf32>
      %convert_element_type3A_1986 = arith.fptosi %min3A_1985 : vector<16xf32> to vector<16xi32>
      %ne3A_1987 = arith.cmpf one, %get3A_1976, %get3A_1976 : vector<16xf32>
      %broadcast_in_dim3A_1988 = arith.constant 32 : i32
      %broadcast_in_dim3A_1989 = vector.broadcast %broadcast_in_dim3A_1988 : i32 to vector<16xi32>
      %select_n3A_1990 = arith.select %ne3A_1987, %broadcast_in_dim3A_1989, %convert_element_type3A_1986 : vector<16xi1>, vector<16xi32>
      %swap3A_1991 = arith.constant 1 : i32
      %swap3A_1992 = arith.constant 1 : i32
      %swap3A_1993 = arith.index_cast %swap3A_1991 : i32 to index
      %swap3A_1994 = arith.index_cast %swap3A_1992 : i32 to index
      %swap3A_1995 = arith.constant 0 : index
      %swap3A_1996 = tpu.vector_load %arg6[%swap3A_1993, %swap3A_1994, %swap3A_1995] {strides = array<i32>} : memref<2x2x128xi32, #tpu.memory_space<vmem>>, vector<16xi32>,
      tpu.vector_store %arg6[%swap3A_1993, %swap3A_1994, %swap3A_1995], %select_n3A_1990 {strides = array<i32>} : memref<2x2x128xi32, #tpu.memory_space<vmem>>, vector<16xi32>,
      %get3A_1997 = arith.constant 1 : i32
      %get3A_1998 = arith.index_cast %get3A_1997 : i32 to index
      %get3A_1999 = arith.constant 144 : index
      %get3A_2000 = tpu.vector_load %arg5[%get3A_1998, %get3A_1999] {strides = array<i32>} : memref<2x256xf32, #tpu.memory_space<vmem>>, vector<16xf32>,
      %mul3A_2001 = arith.constant 3.200000e+01 : f32
      %mul3A_2002 = vector.broadcast %mul3A_2001 : f32 to vector<16xf32>
      %mul3A_2003 = arith.mulf %get3A_2000, %mul3A_2002 : vector<16xf32>
      %jit3A_2004 = arith.constant 0.000000e+00 : f32
      %jit3A_2005 = arith.constant 3.100000e+01 : f32
      %max3A_2006 = vector.broadcast %jit3A_2004 : f32 to vector<16xf32>
      %max3A_2007 = arith.maximumf %max3A_2006, %mul3A_2003 : vector<16xf32>
      %min3A_2008 = vector.broadcast %jit3A_2005 : f32 to vector<16xf32>
      %min3A_2009 = arith.minimumf %min3A_2008, %max3A_2007 : vector<16xf32>
      %convert_element_type3A_2010 = arith.fptosi %min3A_2009 : vector<16xf32> to vector<16xi32>
      %ne3A_2011 = arith.cmpf one, %get3A_2000, %get3A_2000 : vector<16xf32>
      %broadcast_in_dim3A_2012 = arith.constant 32 : i32
      %broadcast_in_dim3A_2013 = vector.broadcast %broadcast_in_dim3A_2012 : i32 to vector<16xi32>
      %select_n3A_2014 = arith.select %ne3A_2011, %broadcast_in_dim3A_2013, %convert_element_type3A_2010 : vector<16xi1>, vector<16xi32>
      %swap3A_2015 = arith.constant 1 : i32
      %swap3A_2016 = arith.constant 1 : i32
      %swap3A_2017 = arith.index_cast %swap3A_2015 : i32 to index
      %swap3A_2018 = arith.index_cast %swap3A_2016 : i32 to index
      %swap3A_2019 = arith.constant 16 : index
      %swap3A_2020 = tpu.vector_load %arg6[%swap3A_2017, %swap3A_2018, %swap3A_2019] {strides = array<i32>} : memref<2x2x128xi32, #tpu.memory_space<vmem>>, vector<16xi32>,
      tpu.vector_store %arg6[%swap3A_2017, %swap3A_2018, %swap3A_2019], %select_n3A_2014 {strides = array<i32>} : memref<2x2x128xi32, #tpu.memory_space<vmem>>, vector<16xi32>,
      %get3A_2021 = arith.constant 1 : i32
      %get3A_2022 = arith.index_cast %get3A_2021 : i32 to index
      %get3A_2023 = arith.constant 160 : index
      %get3A_2024 = tpu.vector_load %arg5[%get3A_2022, %get3A_2023] {strides = array<i32>} : memref<2x256xf32, #tpu.memory_space<vmem>>, vector<16xf32>,
      %mul3A_2025 = arith.constant 3.200000e+01 : f32
      %mul3A_2026 = vector.broadcast %mul3A_2025 : f32 to vector<16xf32>
      %mul3A_2027 = arith.mulf %get3A_2024, %mul3A_2026 : vector<16xf32>
      %jit3A_2028 = arith.constant 0.000000e+00 : f32
      %jit3A_2029 = arith.constant 3.100000e+01 : f32
      %max3A_2030 = vector.broadcast %jit3A_2028 : f32 to vector<16xf32>
      %max3A_2031 = arith.maximumf %max3A_2030, %mul3A_2027 : vector<16xf32>
      %min3A_2032 = vector.broadcast %jit3A_2029 : f32 to vector<16xf32>
      %min3A_2033 = arith.minimumf %min3A_2032, %max3A_2031 : vector<16xf32>
      %convert_element_type3A_2034 = arith.fptosi %min3A_2033 : vector<16xf32> to vector<16xi32>
      %ne3A_2035 = arith.cmpf one, %get3A_2024, %get3A_2024 : vector<16xf32>
      %broadcast_in_dim3A_2036 = arith.constant 32 : i32
      %broadcast_in_dim3A_2037 = vector.broadcast %broadcast_in_dim3A_2036 : i32 to vector<16xi32>
      %select_n3A_2038 = arith.select %ne3A_2035, %broadcast_in_dim3A_2037, %convert_element_type3A_2034 : vector<16xi1>, vector<16xi32>
      %swap3A_2039 = arith.constant 1 : i32
      %swap3A_2040 = arith.constant 1 : i32
      %swap3A_2041 = arith.index_cast %swap3A_2039 : i32 to index
      %swap3A_2042 = arith.index_cast %swap3A_2040 : i32 to index
      %swap3A_2043 = arith.constant 32 : index
      %swap3A_2044 = tpu.vector_load %arg6[%swap3A_2041, %swap3A_2042, %swap3A_2043] {strides = array<i32>} : memref<2x2x128xi32, #tpu.memory_space<vmem>>, vector<16xi32>,
      tpu.vector_store %arg6[%swap3A_2041, %swap3A_2042, %swap3A_2043], %select_n3A_2038 {strides = array<i32>} : memref<2x2x128xi32, #tpu.memory_space<vmem>>, vector<16xi32>,
      %get3A_2045 = arith.constant 1 : i32
      %get3A_2046 = arith.index_cast %get3A_2045 : i32 to index
      %get3A_2047 = arith.constant 176 : index
      %get3A_2048 = tpu.vector_load %arg5[%get3A_2046, %get3A_2047] {strides = array<i32>} : memref<2x256xf32, #tpu.memory_space<vmem>>, vector<16xf32>,
      %mul3A_2049 = arith.constant 3.200000e+01 : f32
      %mul3A_2050 = vector.broadcast %mul3A_2049 : f32 to vector<16xf32>
      %mul3A_2051 = arith.mulf %get3A_2048, %mul3A_2050 : vector<16xf32>
      %jit3A_2052 = arith.constant 0.000000e+00 : f32
      %jit3A_2053 = arith.constant 3.100000e+01 : f32
      %max3A_2054 = vector.broadcast %jit3A_2052 : f32 to vector<16xf32>
      %max3A_2055 = arith.maximumf %max3A_2054, %mul3A_2051 : vector<16xf32>
      %min3A_2056 = vector.broadcast %jit3A_2053 : f32 to vector<16xf32>
      %min3A_2057 = arith.minimumf %min3A_2056, %max3A_2055 : vector<16xf32>
      %convert_element_type3A_2058 = arith.fptosi %min3A_2057 : vector<16xf32> to vector<16xi32>
      %ne3A_2059 = arith.cmpf one, %get3A_2048, %get3A_2048 : vector<16xf32>
      %broadcast_in_dim3A_2060 = arith.constant 32 : i32
      %broadcast_in_dim3A_2061 = vector.broadcast %broadcast_in_dim3A_2060 : i32 to vector<16xi32>
      %select_n3A_2062 = arith.select %ne3A_2059, %broadcast_in_dim3A_2061, %convert_element_type3A_2058 : vector<16xi1>, vector<16xi32>
      %swap3A_2063 = arith.constant 1 : i32
      %swap3A_2064 = arith.constant 1 : i32
      %swap3A_2065 = arith.index_cast %swap3A_2063 : i32 to index
      %swap3A_2066 = arith.index_cast %swap3A_2064 : i32 to index
      %swap3A_2067 = arith.constant 48 : index
      %swap3A_2068 = tpu.vector_load %arg6[%swap3A_2065, %swap3A_2066, %swap3A_2067] {strides = array<i32>} : memref<2x2x128xi32, #tpu.memory_space<vmem>>, vector<16xi32>,
      tpu.vector_store %arg6[%swap3A_2065, %swap3A_2066, %swap3A_2067], %select_n3A_2062 {strides = array<i32>} : memref<2x2x128xi32, #tpu.memory_space<vmem>>, vector<16xi32>,
      %get3A_2069 = arith.constant 1 : i32
      %get3A_2070 = arith.index_cast %get3A_2069 : i32 to index
      %get3A_2071 = arith.constant 192 : index
      %get3A_2072 = tpu.vector_load %arg5[%get3A_2070, %get3A_2071] {strides = array<i32>} : memref<2x256xf32, #tpu.memory_space<vmem>>, vector<16xf32>,
      %mul3A_2073 = arith.constant 3.200000e+01 : f32
      %mul3A_2074 = vector.broadcast %mul3A_2073 : f32 to vector<16xf32>
      %mul3A_2075 = arith.mulf %get3A_2072, %mul3A_2074 : vector<16xf32>
      %jit3A_2076 = arith.constant 0.000000e+00 : f32
      %jit3A_2077 = arith.constant 3.100000e+01 : f32
      %max3A_2078 = vector.broadcast %jit3A_2076 : f32 to vector<16xf32>
      %max3A_2079 = arith.maximumf %max3A_2078, %mul3A_2075 : vector<16xf32>
      %min3A_2080 = vector.broadcast %jit3A_2077 : f32 to vector<16xf32>
      %min3A_2081 = arith.minimumf %min3A_2080, %max3A_2079 : vector<16xf32>
      %convert_element_type3A_2082 = arith.fptosi %min3A_2081 : vector<16xf32> to vector<16xi32>
      %ne3A_2083 = arith.cmpf one, %get3A_2072, %get3A_2072 : vector<16xf32>
      %broadcast_in_dim3A_2084 = arith.constant 32 : i32
      %broadcast_in_dim3A_2085 = vector.broadcast %broadcast_in_dim3A_2084 : i32 to vector<16xi32>
      %select_n3A_2086 = arith.select %ne3A_2083, %broadcast_in_dim3A_2085, %convert_element_type3A_2082 : vector<16xi1>, vector<16xi32>
      %swap3A_2087 = arith.constant 1 : i32
      %swap3A_2088 = arith.constant 1 : i32
      %swap3A_2089 = arith.index_cast %swap3A_2087 : i32 to index
      %swap3A_2090 = arith.index_cast %swap3A_2088 : i32 to index
      %swap3A_2091 = arith.constant 64 : index
      %swap3A_2092 = tpu.vector_load %arg6[%swap3A_2089, %swap3A_2090, %swap3A_2091] {strides = array<i32>} : memref<2x2x128xi32, #tpu.memory_space<vmem>>, vector<16xi32>,
      tpu.vector_store %arg6[%swap3A_2089, %swap3A_2090, %swap3A_2091], %select_n3A_2086 {strides = array<i32>} : memref<2x2x128xi32, #tpu.memory_space<vmem>>, vector<16xi32>,
      %get3A_2093 = arith.constant 1 : i32
      %get3A_2094 = arith.index_cast %get3A_2093 : i32 to index
      %get3A_2095 = arith.constant 208 : index
      %get3A_2096 = tpu.vector_load %arg5[%get3A_2094, %get3A_2095] {strides = array<i32>} : memref<2x256xf32, #tpu.memory_space<vmem>>, vector<16xf32>,
      %mul3A_2097 = arith.constant 3.200000e+01 : f32
      %mul3A_2098 = vector.broadcast %mul3A_2097 : f32 to vector<16xf32>
      %mul3A_2099 = arith.mulf %get3A_2096, %mul3A_2098 : vector<16xf32>
      %jit3A_2100 = arith.constant 0.000000e+00 : f32
      %jit3A_2101 = arith.constant 3.100000e+01 : f32
      %max3A_2102 = vector.broadcast %jit3A_2100 : f32 to vector<16xf32>
      %max3A_2103 = arith.maximumf %max3A_2102, %mul3A_2099 : vector<16xf32>
      %min3A_2104 = vector.broadcast %jit3A_2101 : f32 to vector<16xf32>
      %min3A_2105 = arith.minimumf %min3A_2104, %max3A_2103 : vector<16xf32>
      %convert_element_type3A_2106 = arith.fptosi %min3A_2105 : vector<16xf32> to vector<16xi32>
      %ne3A_2107 = arith.cmpf one, %get3A_2096, %get3A_2096 : vector<16xf32>
      %broadcast_in_dim3A_2108 = arith.constant 32 : i32
      %broadcast_in_dim3A_2109 = vector.broadcast %broadcast_in_dim3A_2108 : i32 to vector<16xi32>
      %select_n3A_2110 = arith.select %ne3A_2107, %broadcast_in_dim3A_2109, %convert_element_type3A_2106 : vector<16xi1>, vector<16xi32>
      %swap3A_2111 = arith.constant 1 : i32
      %swap3A_2112 = arith.constant 1 : i32
      %swap3A_2113 = arith.index_cast %swap3A_2111 : i32 to index
      %swap3A_2114 = arith.index_cast %swap3A_2112 : i32 to index
      %swap3A_2115 = arith.constant 80 : index
      %swap3A_2116 = tpu.vector_load %arg6[%swap3A_2113, %swap3A_2114, %swap3A_2115] {strides = array<i32>} : memref<2x2x128xi32, #tpu.memory_space<vmem>>, vector<16xi32>,
      tpu.vector_store %arg6[%swap3A_2113, %swap3A_2114, %swap3A_2115], %select_n3A_2110 {strides = array<i32>} : memref<2x2x128xi32, #tpu.memory_space<vmem>>, vector<16xi32>,
      %get3A_2117 = arith.constant 1 : i32
      %get3A_2118 = arith.index_cast %get3A_2117 : i32 to index
      %get3A_2119 = arith.constant 224 : index
      %get3A_2120 = tpu.vector_load %arg5[%get3A_2118, %get3A_2119] {strides = array<i32>} : memref<2x256xf32, #tpu.memory_space<vmem>>, vector<16xf32>,
      %mul3A_2121 = arith.constant 3.200000e+01 : f32
      %mul3A_2122 = vector.broadcast %mul3A_2121 : f32 to vector<16xf32>
      %mul3A_2123 = arith.mulf %get3A_2120, %mul3A_2122 : vector<16xf32>
      %jit3A_2124 = arith.constant 0.000000e+00 : f32
      %jit3A_2125 = arith.constant 3.100000e+01 : f32
      %max3A_2126 = vector.broadcast %jit3A_2124 : f32 to vector<16xf32>
      %max3A_2127 = arith.maximumf %max3A_2126, %mul3A_2123 : vector<16xf32>
      %min3A_2128 = vector.broadcast %jit3A_2125 : f32 to vector<16xf32>
      %min3A_2129 = arith.minimumf %min3A_2128, %max3A_2127 : vector<16xf32>
      %convert_element_type3A_2130 = arith.fptosi %min3A_2129 : vector<16xf32> to vector<16xi32>
      %ne3A_2131 = arith.cmpf one, %get3A_2120, %get3A_2120 : vector<16xf32>
      %broadcast_in_dim3A_2132 = arith.constant 32 : i32
      %broadcast_in_dim3A_2133 = vector.broadcast %broadcast_in_dim3A_2132 : i32 to vector<16xi32>
      %select_n3A_2134 = arith.select %ne3A_2131, %broadcast_in_dim3A_2133, %convert_element_type3A_2130 : vector<16xi1>, vector<16xi32>
      %swap3A_2135 = arith.constant 1 : i32
      %swap3A_2136 = arith.constant 1 : i32
      %swap3A_2137 = arith.index_cast %swap3A_2135 : i32 to index
      %swap3A_2138 = arith.index_cast %swap3A_2136 : i32 to index
      %swap3A_2139 = arith.constant 96 : index
      %swap3A_2140 = tpu.vector_load %arg6[%swap3A_2137, %swap3A_2138, %swap3A_2139] {strides = array<i32>} : memref<2x2x128xi32, #tpu.memory_space<vmem>>, vector<16xi32>,
      tpu.vector_store %arg6[%swap3A_2137, %swap3A_2138, %swap3A_2139], %select_n3A_2134 {strides = array<i32>} : memref<2x2x128xi32, #tpu.memory_space<vmem>>, vector<16xi32>,
      %get3A_2141 = arith.constant 1 : i32
      %get3A_2142 = arith.index_cast %get3A_2141 : i32 to index
      %get3A_2143 = arith.constant 240 : index
      %get3A_2144 = tpu.vector_load %arg5[%get3A_2142, %get3A_2143] {strides = array<i32>} : memref<2x256xf32, #tpu.memory_space<vmem>>, vector<16xf32>,
      %mul3A_2145 = arith.constant 3.200000e+01 : f32
      %mul3A_2146 = vector.broadcast %mul3A_2145 : f32 to vector<16xf32>
      %mul3A_2147 = arith.mulf %get3A_2144, %mul3A_2146 : vector<16xf32>
      %jit3A_2148 = arith.constant 0.000000e+00 : f32
      %jit3A_2149 = arith.constant 3.100000e+01 : f32
      %max3A_2150 = vector.broadcast %jit3A_2148 : f32 to vector<16xf32>
      %max3A_2151 = arith.maximumf %max3A_2150, %mul3A_2147 : vector<16xf32>
      %min3A_2152 = vector.broadcast %jit3A_2149 : f32 to vector<16xf32>
      %min3A_2153 = arith.minimumf %min3A_2152, %max3A_2151 : vector<16xf32>
      %convert_element_type3A_2154 = arith.fptosi %min3A_2153 : vector<16xf32> to vector<16xi32>
      %ne3A_2155 = arith.cmpf one, %get3A_2144, %get3A_2144 : vector<16xf32>
      %broadcast_in_dim3A_2156 = arith.constant 32 : i32
      %broadcast_in_dim3A_2157 = vector.broadcast %broadcast_in_dim3A_2156 : i32 to vector<16xi32>
      %select_n3A_2158 = arith.select %ne3A_2155, %broadcast_in_dim3A_2157, %convert_element_type3A_2154 : vector<16xi1>, vector<16xi32>
      %swap3A_2159 = arith.constant 1 : i32
      %swap3A_2160 = arith.constant 1 : i32
      %swap3A_2161 = arith.index_cast %swap3A_2159 : i32 to index
      %swap3A_2162 = arith.index_cast %swap3A_2160 : i32 to index
      %swap3A_2163 = arith.constant 112 : index
      %swap3A_2164 = tpu.vector_load %arg6[%swap3A_2161, %swap3A_2162, %swap3A_2163] {strides = array<i32>} : memref<2x2x128xi32, #tpu.memory_space<vmem>>, vector<16xi32>,
      tpu.vector_store %arg6[%swap3A_2161, %swap3A_2162, %swap3A_2163], %select_n3A_2158 {strides = array<i32>} : memref<2x2x128xi32, #tpu.memory_space<vmem>>, vector<16xi32>,
      %dma_start3A_2165 = arith.constant 1 : i32
      %dma_start3A_2166 = arith.constant 0 : i32
      %dma_start3A_2167 = arith.constant 1 : i32
      %dma_start3A_2168 = arith.constant 0 : i32
      %dma_start3A_2169 = arith.constant 0 : i32
      %dma_start3A_2170 = tpu.memref_slice %arg7[%dma_start3A_2167, %dma_start3A_2168, %dma_start3A_2169] : memref<2x256x128xf32, #tpu.memory_space<vmem>> -> memref<1x256x128xf32, #tpu.memory_space<vmem>>
      %dma_start3A_2171 = tpu.memref_squeeze %dma_start3A_2170 : memref<1x256x128xf32, #tpu.memory_space<vmem>> -> memref<256x128xf32, #tpu.memory_space<vmem>>
      %dma_start3A_2172 = arith.constant 0 : i32
      %dma_start3A_2173 = arith.constant 0 : i32
      %dma_start3A_2174 = tpu.memref_slice %dma_start3A_2171[%dma_start3A_2172, %dma_start3A_2173] : memref<256x128xf32, #tpu.memory_space<vmem>> -> memref<128x128xf32, #tpu.memory_space<vmem>>
      %dma_start3A_2175 = arith.constant 0 : i32
      %dma_start3A_2176 = arith.constant 0 : i32
      %dma_start3A_2177 = tpu.memref_slice %arg6[%dma_start3A_2165, %dma_start3A_2175, %dma_start3A_2176] : memref<2x2x128xi32, #tpu.memory_space<vmem>> -> memref<1x2x128xi32, #tpu.memory_space<vmem>>
      %dma_start3A_2178 = tpu.memref_squeeze %dma_start3A_2177 : memref<1x2x128xi32, #tpu.memory_space<vmem>> -> memref<2x128xi32, #tpu.memory_space<vmem>>
      %dma_start3A_2179 = arith.constant 0 : i32
      %dma_start3A_2180 = tpu.memref_slice %dma_start3A_2178[%dma_start3A_2166, %dma_start3A_2179] : memref<2x128xi32, #tpu.memory_space<vmem>> -> memref<1x128xi32, #tpu.memory_space<vmem>>
      %dma_start3A_2181 = tpu.memref_squeeze %dma_start3A_2180 : memref<1x128xi32, #tpu.memory_space<vmem>> -> memref<128xi32, #tpu.memory_space<vmem>>
      %dma_start3A_2182 = arith.constant 0 : i32
      %dma_start3A_2183 = arith.constant 0 : i32
      %dma_start3A_2184 = tpu.memref_slice %arg9[%dma_start3A_2182, %dma_start3A_2183] : memref<33x128xf32, #tpu.memory_space<vmem_shared>> -> memref<33x128xf32, #tpu.memory_space<vmem_shared>>
      tpu.enqueue_indirect_dma source(%dma_start3A_2184 : memref<33x128xf32, #tpu.memory_space<vmem_shared>>) target(%dma_start3A_2174 : memref<128x128xf32, #tpu.memory_space<vmem>>) offsets(%dma_start3A_2181 : memref<128xi32, #tpu.memory_space<vmem>>) semaphore(%arg13 : memref<!tpu.dma_semaphore, #tpu.memory_space<semaphore_mem>>)
      %dma_start3A_2185 = arith.constant 1 : i32
      %dma_start3A_2186 = arith.constant 1 : i32
      %dma_start3A_2187 = arith.constant 1 : i32
      %dma_start3A_2188 = arith.constant 0 : i32
      %dma_start3A_2189 = arith.constant 0 : i32
      %dma_start3A_2190 = tpu.memref_slice %arg7[%dma_start3A_2187, %dma_start3A_2188, %dma_start3A_2189] : memref<2x256x128xf32, #tpu.memory_space<vmem>> -> memref<1x256x128xf32, #tpu.memory_space<vmem>>
      %dma_start3A_2191 = tpu.memref_squeeze %dma_start3A_2190 : memref<1x256x128xf32, #tpu.memory_space<vmem>> -> memref<256x128xf32, #tpu.memory_space<vmem>>
      %dma_start3A_2192 = arith.constant 128 : i32
      %dma_start3A_2193 = arith.constant 0 : i32
      %dma_start3A_2194 = tpu.memref_slice %dma_start3A_2191[%dma_start3A_2192, %dma_start3A_2193] : memref<256x128xf32, #tpu.memory_space<vmem>> -> memref<128x128xf32, #tpu.memory_space<vmem>>
      %dma_start3A_2195 = arith.constant 0 : i32
      %dma_start3A_2196 = arith.constant 0 : i32
      %dma_start3A_2197 = tpu.memref_slice %arg6[%dma_start3A_2185, %dma_start3A_2195, %dma_start3A_2196] : memref<2x2x128xi32, #tpu.memory_space<vmem>> -> memref<1x2x128xi32, #tpu.memory_space<vmem>>
      %dma_start3A_2198 = tpu.memref_squeeze %dma_start3A_2197 : memref<1x2x128xi32, #tpu.memory_space<vmem>> -> memref<2x128xi32, #tpu.memory_space<vmem>>
      %dma_start3A_2199 = arith.constant 0 : i32
      %dma_start3A_2200 = tpu.memref_slice %dma_start3A_2198[%dma_start3A_2186, %dma_start3A_2199] : memref<2x128xi32, #tpu.memory_space<vmem>> -> memref<1x128xi32, #tpu.memory_space<vmem>>
      %dma_start3A_2201 = tpu.memref_squeeze %dma_start3A_2200 : memref<1x128xi32, #tpu.memory_space<vmem>> -> memref<128xi32, #tpu.memory_space<vmem>>
      %dma_start3A_2202 = arith.constant 0 : i32
      %dma_start3A_2203 = arith.constant 0 : i32
      %dma_start3A_2204 = tpu.memref_slice %arg9[%dma_start3A_2202, %dma_start3A_2203] : memref<33x128xf32, #tpu.memory_space<vmem_shared>> -> memref<33x128xf32, #tpu.memory_space<vmem_shared>>
      tpu.enqueue_indirect_dma source(%dma_start3A_2204 : memref<33x128xf32, #tpu.memory_space<vmem_shared>>) target(%dma_start3A_2194 : memref<128x128xf32, #tpu.memory_space<vmem>>) offsets(%dma_start3A_2201 : memref<128xi32, #tpu.memory_space<vmem>>) semaphore(%arg13 : memref<!tpu.dma_semaphore, #tpu.memory_space<semaphore_mem>>)
      %dma_wait3A_2205 = arith.constant 0 : i32
      %dma_wait3A_2206 = arith.constant 0 : i32
      %dma_wait3A_2207 = arith.constant 0 : i32
      %dma_wait3A_2208 = arith.constant 0 : i32
      %dma_wait3A_2209 = arith.constant 0 : i32
      %dma_wait3A_2210 = tpu.memref_slice %arg7[%dma_wait3A_2207, %dma_wait3A_2208, %dma_wait3A_2209] : memref<2x256x128xf32, #tpu.memory_space<vmem>> -> memref<1x256x128xf32, #tpu.memory_space<vmem>>
      %dma_wait3A_2211 = tpu.memref_squeeze %dma_wait3A_2210 : memref<1x256x128xf32, #tpu.memory_space<vmem>> -> memref<256x128xf32, #tpu.memory_space<vmem>>
      %dma_wait3A_2212 = arith.constant 0 : i32
      %dma_wait3A_2213 = arith.constant 0 : i32
      %dma_wait3A_2214 = tpu.memref_slice %dma_wait3A_2211[%dma_wait3A_2212, %dma_wait3A_2213] : memref<256x128xf32, #tpu.memory_space<vmem>> -> memref<128x128xf32, #tpu.memory_space<vmem>>
      %dma_wait3A_2215 = arith.constant 0 : i32
      %dma_wait3A_2216 = arith.constant 0 : i32
      %dma_wait3A_2217 = tpu.memref_slice %arg6[%dma_wait3A_2205, %dma_wait3A_2215, %dma_wait3A_2216] : memref<2x2x128xi32, #tpu.memory_space<vmem>> -> memref<1x2x128xi32, #tpu.memory_space<vmem>>
      %dma_wait3A_2218 = tpu.memref_squeeze %dma_wait3A_2217 : memref<1x2x128xi32, #tpu.memory_space<vmem>> -> memref<2x128xi32, #tpu.memory_space<vmem>>
      %dma_wait3A_2219 = arith.constant 0 : i32
      %dma_wait3A_2220 = tpu.memref_slice %dma_wait3A_2218[%dma_wait3A_2206, %dma_wait3A_2219] : memref<2x128xi32, #tpu.memory_space<vmem>> -> memref<1x128xi32, #tpu.memory_space<vmem>>
      %dma_wait3A_2221 = tpu.memref_squeeze %dma_wait3A_2220 : memref<1x128xi32, #tpu.memory_space<vmem>> -> memref<128xi32, #tpu.memory_space<vmem>>
      %dma_wait3A_2222 = arith.constant 0 : i32
      %dma_wait3A_2223 = arith.constant 0 : i32
      %dma_wait3A_2224 = tpu.memref_slice %arg9[%dma_wait3A_2222, %dma_wait3A_2223] : memref<33x128xf32, #tpu.memory_space<vmem_shared>> -> memref<33x128xf32, #tpu.memory_space<vmem_shared>>
      tpu.wait_indirect_dma semaphore(%arg12 : memref<!tpu.dma_semaphore, #tpu.memory_space<semaphore_mem>>) src(%dma_wait3A_2224 : memref<33x128xf32, #tpu.memory_space<vmem_shared>>) dst(%dma_wait3A_2214 : memref<128x128xf32, #tpu.memory_space<vmem>>)
      %dma_wait3A_2225 = arith.constant 0 : i32
      %dma_wait3A_2226 = arith.constant 1 : i32
      %dma_wait3A_2227 = arith.constant 0 : i32
      %dma_wait3A_2228 = arith.constant 0 : i32
      %dma_wait3A_2229 = arith.constant 0 : i32
      %dma_wait3A_2230 = tpu.memref_slice %arg7[%dma_wait3A_2227, %dma_wait3A_2228, %dma_wait3A_2229] : memref<2x256x128xf32, #tpu.memory_space<vmem>> -> memref<1x256x128xf32, #tpu.memory_space<vmem>>
      %dma_wait3A_2231 = tpu.memref_squeeze %dma_wait3A_2230 : memref<1x256x128xf32, #tpu.memory_space<vmem>> -> memref<256x128xf32, #tpu.memory_space<vmem>>
      %dma_wait3A_2232 = arith.constant 128 : i32
      %dma_wait3A_2233 = arith.constant 0 : i32
      %dma_wait3A_2234 = tpu.memref_slice %dma_wait3A_2231[%dma_wait3A_2232, %dma_wait3A_2233] : memref<256x128xf32, #tpu.memory_space<vmem>> -> memref<128x128xf32, #tpu.memory_space<vmem>>
      %dma_wait3A_2235 = arith.constant 0 : i32
      %dma_wait3A_2236 = arith.constant 0 : i32
      %dma_wait3A_2237 = tpu.memref_slice %arg6[%dma_wait3A_2225, %dma_wait3A_2235, %dma_wait3A_2236] : memref<2x2x128xi32, #tpu.memory_space<vmem>> -> memref<1x2x128xi32, #tpu.memory_space<vmem>>
      %dma_wait3A_2238 = tpu.memref_squeeze %dma_wait3A_2237 : memref<1x2x128xi32, #tpu.memory_space<vmem>> -> memref<2x128xi32, #tpu.memory_space<vmem>>
      %dma_wait3A_2239 = arith.constant 0 : i32
      %dma_wait3A_2240 = tpu.memref_slice %dma_wait3A_2238[%dma_wait3A_2226, %dma_wait3A_2239] : memref<2x128xi32, #tpu.memory_space<vmem>> -> memref<1x128xi32, #tpu.memory_space<vmem>>
      %dma_wait3A_2241 = tpu.memref_squeeze %dma_wait3A_2240 : memref<1x128xi32, #tpu.memory_space<vmem>> -> memref<128xi32, #tpu.memory_space<vmem>>
      %dma_wait3A_2242 = arith.constant 0 : i32
      %dma_wait3A_2243 = arith.constant 0 : i32
      %dma_wait3A_2244 = tpu.memref_slice %arg9[%dma_wait3A_2242, %dma_wait3A_2243] : memref<33x128xf32, #tpu.memory_space<vmem_shared>> -> memref<33x128xf32, #tpu.memory_space<vmem_shared>>
      tpu.wait_indirect_dma semaphore(%arg12 : memref<!tpu.dma_semaphore, #tpu.memory_space<semaphore_mem>>) src(%dma_wait3A_2244 : memref<33x128xf32, #tpu.memory_space<vmem_shared>>) dst(%dma_wait3A_2234 : memref<128x128xf32, #tpu.memory_space<vmem>>)
      %sub3A_2245 = arith.constant 1 : i32
      %sub3A_2246 = arith.subi %add3A_1713, %sub3A_2245 : i32
      %shift_right_arithmetic3A_2247 = arith.constant 1 : i32
      %shift_right_arithmetic3A_2248 = arith.shrsi %sub3A_2246, %shift_right_arithmetic3A_2247 : i32
      %and3A_2249 = arith.constant 1 : i32
      %and3A_2250 = arith.andi %sub3A_2246, %and3A_2249 : i32
      %mul3A_2251 = arith.constant 256 : i32
      %mul3A_2252 = arith.muli %and3A_2250, %mul3A_2251 : i32
      %add3A_2253 = arith.addi %mul3A_2, %mul3A_2252 : i32
      %mul3A_2254 = arith.constant 16384 : i32
      %mul3A_2255 = arith.muli %shift_right_arithmetic3A_2248, %mul3A_2254 : i32
      %add3A_2256 = arith.addi %mul3A_2255, %add3A_2253 : i32
      %dma_start3A_2257 = arith.constant 0 : i32
      %dma_start3A_2258 = arith.constant 0 : i32
      %dma_start3A_2259 = arith.constant 0 : i32
      %dma_start3A_2260 = tpu.memref_slice %arg7[%dma_start3A_2257, %dma_start3A_2258, %dma_start3A_2259] : memref<2x256x128xf32, #tpu.memory_space<vmem>> -> memref<1x256x128xf32, #tpu.memory_space<vmem>>
      %dma_start3A_2261 = tpu.memref_squeeze %dma_start3A_2260 : memref<1x256x128xf32, #tpu.memory_space<vmem>> -> memref<256x128xf32, #tpu.memory_space<vmem>>
      %dma_start3A_2262 = arith.constant 0 : i32
      %dma_start3A_2263 = tpu.memref_slice %arg4[%add3A_2256, %dma_start3A_2262] : memref<819200x128xf32, #tpu.memory_space<hbm>> -> memref<256x128xf32, #tpu.memory_space<hbm>>
      %dma_start3A_2264 = arith.constant 0 : i32
      %dma_start3A_2265 = tpu.memref_slice %arg4[%add3A_2256, %dma_start3A_2264] : memref<819200x128xf32, #tpu.memory_space<hbm>> -> memref<256x128xf32, #tpu.memory_space<hbm>>
      %dma_start3A_2266 = arith.constant 0 : i32
      %dma_start3A_2267 = arith.constant 0 : i32
      %dma_start3A_2268 = tpu.memref_slice %arg7[%dma_start3A_2257, %dma_start3A_2266, %dma_start3A_2267] : memref<2x256x128xf32, #tpu.memory_space<vmem>> -> memref<1x256x128xf32, #tpu.memory_space<vmem>>
      %dma_start3A_2269 = tpu.memref_squeeze %dma_start3A_2268 : memref<1x256x128xf32, #tpu.memory_space<vmem>> -> memref<256x128xf32, #tpu.memory_space<vmem>>
      tpu.enqueue_dma source(%dma_start3A_2269 : memref<256x128xf32, #tpu.memory_space<vmem>>) target(%dma_start3A_2265 : memref<256x128xf32, #tpu.memory_space<hbm>>) target_semaphore(%arg14 : memref<!tpu.dma_semaphore, #tpu.memory_space<semaphore_mem>>)
    }
    %scan3A_1015 = arith.constant 49 : i32
    %dma_wait3A_1016 = arith.constant 1 : i32
    %dma_wait3A_1017 = arith.constant 0 : i32
    %dma_wait3A_1018 = arith.constant 1 : i32
    %dma_wait3A_1019 = arith.constant 0 : i32
    %dma_wait3A_1020 = arith.constant 0 : i32
    %dma_wait3A_1021 = tpu.memref_slice %arg7[%dma_wait3A_1018, %dma_wait3A_1019, %dma_wait3A_1020] : memref<2x256x128xf32, #tpu.memory_space<vmem>> -> memref<1x256x128xf32, #tpu.memory_space<vmem>>
    %dma_wait3A_1022 = tpu.memref_squeeze %dma_wait3A_1021 : memref<1x256x128xf32, #tpu.memory_space<vmem>> -> memref<256x128xf32, #tpu.memory_space<vmem>>
    %dma_wait3A_1023 = arith.constant 0 : i32
    %dma_wait3A_1024 = arith.constant 0 : i32
    %dma_wait3A_1025 = tpu.memref_slice %dma_wait3A_1022[%dma_wait3A_1023, %dma_wait3A_1024] : memref<256x128xf32, #tpu.memory_space<vmem>> -> memref<128x128xf32, #tpu.memory_space<vmem>>
    %dma_wait3A_1026 = arith.constant 0 : i32
    %dma_wait3A_1027 = arith.constant 0 : i32
    %dma_wait3A_1028 = tpu.memref_slice %arg6[%dma_wait3A_1016, %dma_wait3A_1026, %dma_wait3A_1027] : memref<2x2x128xi32, #tpu.memory_space<vmem>> -> memref<1x2x128xi32, #tpu.memory_space<vmem>>
    %dma_wait3A_1029 = tpu.memref_squeeze %dma_wait3A_1028 : memref<1x2x128xi32, #tpu.memory_space<vmem>> -> memref<2x128xi32, #tpu.memory_space<vmem>>
    %dma_wait3A_1030 = arith.constant 0 : i32
    %dma_wait3A_1031 = tpu.memref_slice %dma_wait3A_1029[%dma_wait3A_1017, %dma_wait3A_1030] : memref<2x128xi32, #tpu.memory_space<vmem>> -> memref<1x128xi32, #tpu.memory_space<vmem>>
    %dma_wait3A_1032 = tpu.memref_squeeze %dma_wait3A_1031 : memref<1x128xi32, #tpu.memory_space<vmem>> -> memref<128xi32, #tpu.memory_space<vmem>>
    %dma_wait3A_1033 = arith.constant 0 : i32
    %dma_wait3A_1034 = arith.constant 0 : i32
    %dma_wait3A_1035 = tpu.memref_slice %arg9[%dma_wait3A_1033, %dma_wait3A_1034] : memref<33x128xf32, #tpu.memory_space<vmem_shared>> -> memref<33x128xf32, #tpu.memory_space<vmem_shared>>
    tpu.wait_indirect_dma semaphore(%arg13 : memref<!tpu.dma_semaphore, #tpu.memory_space<semaphore_mem>>) src(%dma_wait3A_1035 : memref<33x128xf32, #tpu.memory_space<vmem_shared>>) dst(%dma_wait3A_1025 : memref<128x128xf32, #tpu.memory_space<vmem>>)
    %dma_wait3A_1036 = arith.constant 1 : i32
    %dma_wait3A_1037 = arith.constant 1 : i32
    %dma_wait3A_1038 = arith.constant 1 : i32
    %dma_wait3A_1039 = arith.constant 0 : i32
    %dma_wait3A_1040 = arith.constant 0 : i32
    %dma_wait3A_1041 = tpu.memref_slice %arg7[%dma_wait3A_1038, %dma_wait3A_1039, %dma_wait3A_1040] : memref<2x256x128xf32, #tpu.memory_space<vmem>> -> memref<1x256x128xf32, #tpu.memory_space<vmem>>
    %dma_wait3A_1042 = tpu.memref_squeeze %dma_wait3A_1041 : memref<1x256x128xf32, #tpu.memory_space<vmem>> -> memref<256x128xf32, #tpu.memory_space<vmem>>
    %dma_wait3A_1043 = arith.constant 128 : i32
    %dma_wait3A_1044 = arith.constant 0 : i32
    %dma_wait3A_1045 = tpu.memref_slice %dma_wait3A_1042[%dma_wait3A_1043, %dma_wait3A_1044] : memref<256x128xf32, #tpu.memory_space<vmem>> -> memref<128x128xf32, #tpu.memory_space<vmem>>
    %dma_wait3A_1046 = arith.constant 0 : i32
    %dma_wait3A_1047 = arith.constant 0 : i32
    %dma_wait3A_1048 = tpu.memref_slice %arg6[%dma_wait3A_1036, %dma_wait3A_1046, %dma_wait3A_1047] : memref<2x2x128xi32, #tpu.memory_space<vmem>> -> memref<1x2x128xi32, #tpu.memory_space<vmem>>
    %dma_wait3A_1049 = tpu.memref_squeeze %dma_wait3A_1048 : memref<1x2x128xi32, #tpu.memory_space<vmem>> -> memref<2x128xi32, #tpu.memory_space<vmem>>
    %dma_wait3A_1050 = arith.constant 0 : i32
    %dma_wait3A_1051 = tpu.memref_slice %dma_wait3A_1049[%dma_wait3A_1037, %dma_wait3A_1050] : memref<2x128xi32, #tpu.memory_space<vmem>> -> memref<1x128xi32, #tpu.memory_space<vmem>>
    %dma_wait3A_1052 = tpu.memref_squeeze %dma_wait3A_1051 : memref<1x128xi32, #tpu.memory_space<vmem>> -> memref<128xi32, #tpu.memory_space<vmem>>
    %dma_wait3A_1053 = arith.constant 0 : i32
    %dma_wait3A_1054 = arith.constant 0 : i32
    %dma_wait3A_1055 = tpu.memref_slice %arg9[%dma_wait3A_1053, %dma_wait3A_1054] : memref<33x128xf32, #tpu.memory_space<vmem_shared>> -> memref<33x128xf32, #tpu.memory_space<vmem_shared>>
    tpu.wait_indirect_dma semaphore(%arg13 : memref<!tpu.dma_semaphore, #tpu.memory_space<semaphore_mem>>) src(%dma_wait3A_1055 : memref<33x128xf32, #tpu.memory_space<vmem_shared>>) dst(%dma_wait3A_1045 : memref<128x128xf32, #tpu.memory_space<vmem>>)
    %shift_right_arithmetic3A_1056 = arith.constant 99 : i32
    %shift_right_arithmetic3A_1057 = arith.constant 1 : i32
    %shift_right_arithmetic3A_1058 = arith.shrsi %shift_right_arithmetic3A_1056, %shift_right_arithmetic3A_1057 : i32
    %and3A_1059 = arith.constant 99 : i32
    %and3A_1060 = arith.constant 1 : i32
    %and3A_1061 = arith.andi %and3A_1059, %and3A_1060 : i32
    %mul3A_1062 = arith.constant 256 : i32
    %mul3A_1063 = arith.muli %and3A_1061, %mul3A_1062 : i32
    %add3A_1064 = arith.addi %mul3A_2, %mul3A_1063 : i32
    %mul3A_1065 = arith.constant 16384 : i32
    %mul3A_1066 = arith.muli %shift_right_arithmetic3A_1058, %mul3A_1065 : i32
    %add3A_1067 = arith.addi %mul3A_1066, %add3A_1064 : i32
    %dma_start3A_1068 = arith.constant 1 : i32
    %dma_start3A_1069 = arith.constant 0 : i32
    %dma_start3A_1070 = arith.constant 0 : i32
    %dma_start3A_1071 = tpu.memref_slice %arg7[%dma_start3A_1068, %dma_start3A_1069, %dma_start3A_1070] : memref<2x256x128xf32, #tpu.memory_space<vmem>> -> memref<1x256x128xf32, #tpu.memory_space<vmem>>
    %dma_start3A_1072 = tpu.memref_squeeze %dma_start3A_1071 : memref<1x256x128xf32, #tpu.memory_space<vmem>> -> memref<256x128xf32, #tpu.memory_space<vmem>>
    %dma_start3A_1073 = arith.constant 0 : i32
    %dma_start3A_1074 = tpu.memref_slice %arg4[%add3A_1067, %dma_start3A_1073] : memref<819200x128xf32, #tpu.memory_space<hbm>> -> memref<256x128xf32, #tpu.memory_space<hbm>>
    %dma_start3A_1075 = arith.constant 0 : i32
    %dma_start3A_1076 = tpu.memref_slice %arg4[%add3A_1067, %dma_start3A_1075] : memref<819200x128xf32, #tpu.memory_space<hbm>> -> memref<256x128xf32, #tpu.memory_space<hbm>>
    %dma_start3A_1077 = arith.constant 0 : i32
    %dma_start3A_1078 = arith.constant 0 : i32
    %dma_start3A_1079 = tpu.memref_slice %arg7[%dma_start3A_1068, %dma_start3A_1077, %dma_start3A_1078] : memref<2x256x128xf32, #tpu.memory_space<vmem>> -> memref<1x256x128xf32, #tpu.memory_space<vmem>>
    %dma_start3A_1080 = tpu.memref_squeeze %dma_start3A_1079 : memref<1x256x128xf32, #tpu.memory_space<vmem>> -> memref<256x128xf32, #tpu.memory_space<vmem>>
    tpu.enqueue_dma source(%dma_start3A_1080 : memref<256x128xf32, #tpu.memory_space<vmem>>) target(%dma_start3A_1076 : memref<256x128xf32, #tpu.memory_space<hbm>>) target_semaphore(%arg15 : memref<!tpu.dma_semaphore, #tpu.memory_space<semaphore_mem>>)
    %min3A_1081 = arith.constant 99 : i32
    %min3A_1082 = arith.constant 99 : i32
    %min3A_1083 = arith.minsi %min3A_1081, %min3A_1082 : i32
    %shift_right_arithmetic3A_1084 = arith.constant 1 : i32
    %shift_right_arithmetic3A_1085 = arith.shrsi %min3A_1083, %shift_right_arithmetic3A_1084 : i32
    %and3A_1086 = arith.constant 1 : i32
    %and3A_1087 = arith.andi %min3A_1083, %and3A_1086 : i32
    %mul3A_1088 = arith.constant 256 : i32
    %mul3A_1089 = arith.muli %and3A_1087, %mul3A_1088 : i32
    %add3A_1090 = arith.addi %mul3A_2, %mul3A_1089 : i32
    %dma_wait3A_1091 = arith.constant 0 : i32
    %dma_wait3A_1092 = arith.constant 0 : i32
    %dma_wait3A_1093 = tpu.memref_slice %arg5[%dma_wait3A_1091, %dma_wait3A_1092] : memref<2x256xf32, #tpu.memory_space<vmem>> -> memref<1x256xf32, #tpu.memory_space<vmem>>
    %dma_wait3A_1094 = tpu.memref_squeeze %dma_wait3A_1093 : memref<1x256xf32, #tpu.memory_space<vmem>> -> memref<256xf32, #tpu.memory_space<vmem>>
    %dma_wait3A_1095 = tpu.memref_slice %arg2[%shift_right_arithmetic3A_1085, %add3A_1090] : memref<50x16384xf32, #tpu.memory_space<hbm>> -> memref<1x256xf32, #tpu.memory_space<hbm>>
    %dma_wait3A_1096 = tpu.memref_squeeze %dma_wait3A_1095 : memref<1x256xf32, #tpu.memory_space<hbm>> -> memref<256xf32, #tpu.memory_space<hbm>>
    %dma_wait3A_1097 = arith.constant 0 : i32
    %dma_wait3A_1098 = tpu.memref_slice %arg5[%dma_wait3A_1091, %dma_wait3A_1097] : memref<2x256xf32, #tpu.memory_space<vmem>> -> memref<1x256xf32, #tpu.memory_space<vmem>>
    %dma_wait3A_1099 = tpu.memref_squeeze %dma_wait3A_1098 : memref<1x256xf32, #tpu.memory_space<vmem>> -> memref<256xf32, #tpu.memory_space<vmem>>
    %dma_wait3A_1100 = tpu.memref_slice %arg2[%shift_right_arithmetic3A_1085, %add3A_1090] : memref<50x16384xf32, #tpu.memory_space<hbm>> -> memref<1x256xf32, #tpu.memory_space<hbm>>
    %dma_wait3A_1101 = tpu.memref_squeeze %dma_wait3A_1100 : memref<1x256xf32, #tpu.memory_space<hbm>> -> memref<256xf32, #tpu.memory_space<hbm>>
    tpu.wait_dma2 semaphore(%arg10 : memref<!tpu.dma_semaphore, #tpu.memory_space<semaphore_mem>>) src(%dma_wait3A_1101 : memref<256xf32, #tpu.memory_space<hbm>>) dst(%dma_wait3A_1099 : memref<256xf32, #tpu.memory_space<vmem>>)
    %shift_right_arithmetic3A_1102 = arith.constant 98 : i32
    %shift_right_arithmetic3A_1103 = arith.constant 1 : i32
    %shift_right_arithmetic3A_1104 = arith.shrsi %shift_right_arithmetic3A_1102, %shift_right_arithmetic3A_1103 : i32
    %and3A_1105 = arith.constant 98 : i32
    %and3A_1106 = arith.constant 1 : i32
    %and3A_1107 = arith.andi %and3A_1105, %and3A_1106 : i32
    %mul3A_1108 = arith.constant 256 : i32
    %mul3A_1109 = arith.muli %and3A_1107, %mul3A_1108 : i32
    %add3A_1110 = arith.addi %mul3A_2, %mul3A_1109 : i32
    %mul3A_1111 = arith.constant 16384 : i32
    %mul3A_1112 = arith.muli %shift_right_arithmetic3A_1104, %mul3A_1111 : i32
    %add3A_1113 = arith.addi %mul3A_1112, %add3A_1110 : i32
    %dma_wait3A_1114 = arith.constant 0 : i32
    %dma_wait3A_1115 = arith.constant 0 : i32
    %dma_wait3A_1116 = arith.constant 0 : i32
    %dma_wait3A_1117 = tpu.memref_slice %arg7[%dma_wait3A_1114, %dma_wait3A_1115, %dma_wait3A_1116] : memref<2x256x128xf32, #tpu.memory_space<vmem>> -> memref<1x256x128xf32, #tpu.memory_space<vmem>>
    %dma_wait3A_1118 = tpu.memref_squeeze %dma_wait3A_1117 : memref<1x256x128xf32, #tpu.memory_space<vmem>> -> memref<256x128xf32, #tpu.memory_space<vmem>>
    %dma_wait3A_1119 = arith.constant 0 : i32
    %dma_wait3A_1120 = tpu.memref_slice %arg4[%add3A_1113, %dma_wait3A_1119] : memref<819200x128xf32, #tpu.memory_space<hbm>> -> memref<256x128xf32, #tpu.memory_space<hbm>>
    %dma_wait3A_1121 = arith.constant 0 : i32
    %dma_wait3A_1122 = tpu.memref_slice %arg4[%add3A_1113, %dma_wait3A_1121] : memref<819200x128xf32, #tpu.memory_space<hbm>> -> memref<256x128xf32, #tpu.memory_space<hbm>>
    %dma_wait3A_1123 = arith.constant 0 : i32
    %dma_wait3A_1124 = arith.constant 0 : i32
    %dma_wait3A_1125 = tpu.memref_slice %arg7[%dma_wait3A_1114, %dma_wait3A_1123, %dma_wait3A_1124] : memref<2x256x128xf32, #tpu.memory_space<vmem>> -> memref<1x256x128xf32, #tpu.memory_space<vmem>>
    %dma_wait3A_1126 = tpu.memref_squeeze %dma_wait3A_1125 : memref<1x256x128xf32, #tpu.memory_space<vmem>> -> memref<256x128xf32, #tpu.memory_space<vmem>>
    tpu.wait_dma2 semaphore(%arg14 : memref<!tpu.dma_semaphore, #tpu.memory_space<semaphore_mem>>) src(%dma_wait3A_1126 : memref<256x128xf32, #tpu.memory_space<vmem>>) dst(%dma_wait3A_1122 : memref<256x128xf32, #tpu.memory_space<hbm>>)
    %shift_right_arithmetic3A_1127 = arith.constant 99 : i32
    %shift_right_arithmetic3A_1128 = arith.constant 1 : i32
    %shift_right_arithmetic3A_1129 = arith.shrsi %shift_right_arithmetic3A_1127, %shift_right_arithmetic3A_1128 : i32
    %and3A_1130 = arith.constant 99 : i32
    %and3A_1131 = arith.constant 1 : i32
    %and3A_1132 = arith.andi %and3A_1130, %and3A_1131 : i32
    %mul3A_1133 = arith.constant 256 : i32
    %mul3A_1134 = arith.muli %and3A_1132, %mul3A_1133 : i32
    %add3A_1135 = arith.addi %mul3A_2, %mul3A_1134 : i32
    %mul3A_1136 = arith.constant 16384 : i32
    %mul3A_1137 = arith.muli %shift_right_arithmetic3A_1129, %mul3A_1136 : i32
    %add3A_1138 = arith.addi %mul3A_1137, %add3A_1135 : i32
    %dma_wait3A_1139 = arith.constant 1 : i32
    %dma_wait3A_1140 = arith.constant 0 : i32
    %dma_wait3A_1141 = arith.constant 0 : i32
    %dma_wait3A_1142 = tpu.memref_slice %arg7[%dma_wait3A_1139, %dma_wait3A_1140, %dma_wait3A_1141] : memref<2x256x128xf32, #tpu.memory_space<vmem>> -> memref<1x256x128xf32, #tpu.memory_space<vmem>>
    %dma_wait3A_1143 = tpu.memref_squeeze %dma_wait3A_1142 : memref<1x256x128xf32, #tpu.memory_space<vmem>> -> memref<256x128xf32, #tpu.memory_space<vmem>>
    %dma_wait3A_1144 = arith.constant 0 : i32
    %dma_wait3A_1145 = tpu.memref_slice %arg4[%add3A_1138, %dma_wait3A_1144] : memref<819200x128xf32, #tpu.memory_space<hbm>> -> memref<256x128xf32, #tpu.memory_space<hbm>>
    %dma_wait3A_1146 = arith.constant 0 : i32
    %dma_wait3A_1147 = tpu.memref_slice %arg4[%add3A_1138, %dma_wait3A_1146] : memref<819200x128xf32, #tpu.memory_space<hbm>> -> memref<256x128xf32, #tpu.memory_space<hbm>>
    %dma_wait3A_1148 = arith.constant 0 : i32
    %dma_wait3A_1149 = arith.constant 0 : i32
    %dma_wait3A_1150 = tpu.memref_slice %arg7[%dma_wait3A_1139, %dma_wait3A_1148, %dma_wait3A_1149] : memref<2x256x128xf32, #tpu.memory_space<vmem>> -> memref<1x256x128xf32, #tpu.memory_space<vmem>>
    %dma_wait3A_1151 = tpu.memref_squeeze %dma_wait3A_1150 : memref<1x256x128xf32, #tpu.memory_space<vmem>> -> memref<256x128xf32, #tpu.memory_space<vmem>>
    tpu.wait_dma2 semaphore(%arg15 : memref<!tpu.dma_semaphore, #tpu.memory_space<semaphore_mem>>) src(%dma_wait3A_1151 : memref<256x128xf32, #tpu.memory_space<vmem>>) dst(%dma_wait3A_1147 : memref<256x128xf32, #tpu.memory_space<hbm>>)
    return
  }
}

</mosaic_0001>

<sc_bundles>
// kernel: kernel.3.cloned.1.call-start
scs
__scs_entry_jumppad:
0x0: {  	(pc) =	sbr.rel $0x88, $3  }
0x1: {  	(tag) =	ssettag $0x0;
	lr =	simm.s32 $0x1  }
0x2: {  	[smem:$0x3F9F] =	sst lr;
	_ =	strace $0xD0000000  }
0x3: {  	_ = 	snop  }
0x4: {  	_ = 	snop  }
0x5: {  	_ = 	snop  }
0x6: {  	_ = 	snop  }
0x7: {  	_ = 	snop  }
__scs_overlays_trampoline_lowered:
0x8: {  	[smem:$0x3FAE] =	sst s0  }
0x9: {  	[smem:$0x3FAF] =	sst s1  }
0xa: {  	[smem:$0x3FB0] =	sst s2  }
0xb: {  	[smem:$0x3FB1] =	sst s3  }
0xc: {  	[smem:$0x3FB2] =	sst s4  }
0xd: {  	[smem:$0x3FB3] =	sst s5  }
0xe: {  	[smem:$0x3FB4] =	sst s6  }
0xf: {  	[smem:$0x3FB5] =	sst s7  }
0x10: {  	[smem:$0x3FB6] =	sst s8  }
0x11: {  	[smem:$0x3FB7] =	sst s9;
	s0 =	simm.s32 @!p0 $0x0  }
0x12: {  	s1 =	sld [smem:$0x3F9D];
	s0 =	simm.s32 @p0 $0x1  }
0x13: {  	[smem:$0x3FB8] =	sst s0;
	s0 =	simm.s32 @!p1 $0x0  }
0x14: {  	s2 =	sld [smem:$0x3F9C];
	s0 =	simm.s32 @p1 $0x1  }
0x15: {  	[smem:$0x3FB9] =	sst s0;
	s0 =	simm.s32 @!p2 $0x0  }
0x16: {  	s3 =	sld [smem:$0x3FDB];
	s0 =	simm.s32 @p2 $0x1  }
0x17: {  	s4 =	simm.s32 $0x1BF5;
	[smem:$0x3FBB] =	sst s0  }
0x18: {  	s0 =	sld [smem:$0x3F9E];
	_ =	swait.ge [sflag:s4], $0x0  }
0x19: {  	s7 =	sld [smem:$0x3F9F]  }
0x1a: {  	s8 =	sadd.s32 $0xFFFFE003, lr  }
0x1b: {  	s9 =	sadd.s32 $0xFFFFFEF7, lr;
	s5 =	simm.s32 $0xFFFFFFFF;
	p2 =	slt.u32 s8, $0xFFFFF086  }
0x1c: {  	p1 =	slt.u32 s9, $0xF7A;
	s5 =	simm.s32 @!p2 $0x0  }
0x1d: {  	s5 =	simm.s32 @p1 $0x1;
	p0 =	seq.s32 s7, s2  }
0x1e: {  	s7 =	smul.u32 @!p0 $0xF7A, s2;
	p2 =	seq.s32 @!p0 s5, $0x0  }
0x1f: {  	s9 =	smul.u32 $0xF7A, s1;
	s8 =	simm.s32 @!p0 $0x1BF5;
	p2 =	por !p2, p0  }
0x20: {  	[sflag:s8] =	ssyncset.s32 @!p0 $0xFFFFF086;
	s6 =	sadd.s32 @!p0 s3, s7;
	s7 =	simm.s32 @!p0 $0x108  }
0x21: {  	s3 =	sadd.s32 s3, s9;
	s6 =	sadd.s32 @!p0 $0x88, s6;
	s7 =	simm.s32 @p2 $0x1082  }
0x22: {  	[simem:s7], [sflag:s8] =	dma.local @!p0 [hbm:s6], $0xF7A  }
0x23: {  	s9 =	sor.u32 $0xD0000000, s2;
	s6 =	simm.s32 $0x108;
	_ =	swait.ge @!p0 [sflag:s8], $0x0  }
0x24: {  	s3 =	sadd.s32 $0x88, s3;
	s6 =	simm.s32 @!p1 $0x1082;
	[sflag:s4] =	ssyncset.s32 $0xFFFFF086  }
0x25: {  	[simem:s6], [sflag:s4] =	dma.local [hbm:s3], $0xF7A  }
0x26: {  	[smem:$0x3F9F] =	sst s1;
	(tag) =	ssettag s2;
	_ =	strace s9  }
0x27: {  	s1 =	sld [smem:$0x3FAF]  }
0x28: {  	s2 =	sld [smem:$0x3FB0]  }
0x29: {  	s4 =	sld [smem:$0x3FB2]  }
0x2a: {  	p0 =	seq.s32 s5, $0x0;
	s5 =	sld [smem:$0x3FB3]  }
0x2b: {  	s6 =	sld [smem:$0x3FB4]  }
0x2c: {  	s7 =	sld [smem:$0x3FB5]  }
0x2d: {  	s3 =	simm.s32 $0x108;
	s8 =	sld [smem:$0x3FB6]  }
0x2e: {  	s3 =	simm.s32 @!p0 $0x1082;
	s9 =	sld [smem:$0x3FB7]  }
0x2f: {  	lr =	sadd.s32 s0, s3;
	s0 =	sld [smem:$0x3FAE]  }
0x30: {  	s3 =	sld [smem:$0x3FB1]  }
0x31: {  	[smem:$0x3FBA] =	sst s10  }
0x32: {  	s10 =	sld [smem:$0x3FB8];
	_ =	sdelay $0x3  }
0x33: {  	p0 =	seq.s32 s10, $0x1;
	s10 =	sld [smem:$0x3FBA];
	_ =	sdelay $0x3  }
0x34: {  	[smem:$0x3FBA] =	sst s10  }
0x35: {  	s10 =	sld [smem:$0x3FB9];
	_ =	sdelay $0x3  }
0x36: {  	p1 =	seq.s32 s10, $0x1;
	s10 =	sld [smem:$0x3FBA];
	_ =	sdelay $0x3  }
0x37: {  	[smem:$0x3FBA] =	sst s10  }
0x38: {  	s10 =	sld [smem:$0x3FBB]  }
0x39: {  	_ = 	snop;
	(pc) =	sbr.ind lr, $3  }
0x3a: {  	_ = 	snop  }
0x3b: {  	_ = 	snop  }
0x3c: {  	p2 =	seq.s32 s10, $0x1;
	s10 =	sld [smem:$0x3FBA]  }
0x3d: {  	_ =	shalt  }
0x3e: {  	_ =	shalt  }
0x3f: {  	_ =	shalt  }
0x40: {  	_ =	shalt  }
0x41: {  	_ =	shalt  }
0x42: {  	_ =	shalt  }
0x43: {  	_ =	shalt  }
0x44: {  	_ =	shalt  }
0x45: {  	_ =	shalt  }
0x46: {  	_ =	shalt  }
0x47: {  	_ =	shalt  }
0x48: {  	_ =	shalt  }
0x49: {  	_ =	shalt  }
0x4a: {  	_ =	shalt  }
0x4b: {  	_ =	shalt  }
0x4c: {  	_ =	shalt  }
0x4d: {  	_ =	shalt  }
0x4e: {  	_ =	shalt  }
0x4f: {  	_ =	shalt  }
0x50: {  	_ =	shalt  }
0x51: {  	_ =	shalt  }
0x52: {  	_ =	shalt  }
0x53: {  	_ =	shalt  }
0x54: {  	_ =	shalt  }
0x55: {  	_ =	shalt  }
0x56: {  	_ =	shalt  }
0x57: {  	_ =	shalt  }
0x58: {  	_ =	shalt  }
0x59: {  	_ =	shalt  }
0x5a: {  	_ =	shalt  }
0x5b: {  	_ =	shalt  }
0x5c: {  	_ =	shalt  }
0x5d: {  	_ =	shalt  }
0x5e: {  	_ =	shalt  }
0x5f: {  	_ =	shalt  }
0x60: {  	_ =	shalt  }
0x61: {  	_ =	shalt  }
0x62: {  	_ =	shalt  }
0x63: {  	_ =	shalt  }
0x64: {  	_ =	shalt  }
0x65: {  	_ =	shalt  }
0x66: {  	_ =	shalt  }
0x67: {  	_ =	shalt  }
0x68: {  	_ =	shalt  }
0x69: {  	_ =	shalt  }
0x6a: {  	_ =	shalt  }
0x6b: {  	_ =	shalt  }
0x6c: {  	_ =	shalt  }
0x6d: {  	_ =	shalt  }
0x6e: {  	_ =	shalt  }
0x6f: {  	_ =	shalt  }
0x70: {  	_ =	shalt  }
0x71: {  	_ =	shalt  }
0x72: {  	_ =	shalt  }
0x73: {  	_ =	shalt  }
0x74: {  	_ =	shalt  }
0x75: {  	_ =	shalt  }
0x76: {  	_ =	shalt  }
0x77: {  	_ =	shalt  }
0x78: {  	_ =	shalt  }
0x79: {  	_ =	shalt  }
0x7a: {  	_ =	shalt  }
0x7b: {  	_ =	shalt  }
0x7c: {  	_ =	shalt  }
0x7d: {  	_ =	shalt  }
0x7e: {  	_ =	shalt  }
0x7f: {  	_ =	shalt  }
0x80: {  	_ =	shalt  }
0x81: {  	_ =	shalt  }
0x82: {  	_ =	shalt  }
0x83: {  	_ =	shalt  }
0x84: {  	_ =	shalt  }
0x85: {  	_ =	shalt  }
0x86: {  	_ =	shalt  }
0x87: {  	_ =	shalt  }
.Lfunc_end0:
.L_simem_size_0:
called_computation_lowered:
.L_overlay_start_0:
0x88: {  	s2 =	sld [smem:$0x3FD9]  }
0x89: {  	s3 =	sld [smem:$0x3FFE];
	_ =	sdelay $0x1  }
0x8a: {  	s1 =	srdreg.scid  }
0x8b: {  	s0 =	sand.u32 $0x1, s1  }
0x8c: {  	s18 =	sshll.u32 s0, $0xA;
	s2 =	sadd.s32 s3, s2  }
0x8d: {  	s2 =	sadd.s32 s2, s18  }
0x8e: {  	[smem:$0x3FC6] =	sst s2  }
0x8f: {  	_ = 	snop  }
0x90: {  	s2 =	sld [smem:$0x3FC9]  }
0x91: {  	s19 =	sld [smem:$0x3FC8]  }
0x92: {  	s4 =	sld [smem:$0x3FD0];
	(tm) =	ssettm $0x1  }
0x93: {  	s5 =	sld [smem:$0x3FFB];
	_ =	sdelay $0x3  }
0x94: {  	_ =	strace s5  }
0x95: {  	s5 =	sld [smem:$0x3FFC];
	_ =	sdelay $0x3  }
0x96: {  	_ =	strace s5  }
0x97: {  	s5 =	sld [smem:$0x3FFD];
	_ =	sdelay $0x3  }
0x98: {  	_ =	strace s5  }
0x99: {  	_ =	strace $0x8FFFFFFF  }
0x9a: {  	s20 =	sld [smem:$0x3FDB];
	_ =	sdelay $0x1  }
0x9b: {  	s6 =	simm.s32 $_scs_section_size  }
0x9c: {  	s7 =	simm.s32 $_size__tile_overlayer_lowered;
	s8 =	simm.s32 $_tile_overlayer_lowered  }
0x9d: {  	s23 =	simm.s32 $0x1BFF;
	s22 =	sshll.u32 s8, $0x1;
	s5 =	sadd.s32 s6, s20  }
0x9e: {  	s9 =	simm.s32 $0x0;
	s21 =	sshll.u32 s7, $0x1;
	s7 =	sadd.s32 s22, s5  }
0x9f: {  	[timem:s9], [sflag:s23] =	dma.local [hbm:s7], s21  }
0xa0: {  	_ =	swait.ge [sflag:s23], s21  }
0xa1: {  	s6 =	ssub.s32 $0x0, s21;
	[sflag:s23] =	ssyncset.done $0x0  }
0xa2: {  	[sflag:s23] =	ssyncadd.s32 s6;
	_ =	sdelay $0x1  }
0xa3: {  	s24 =	simm.s32 $0x1B8B  }
0xa4: {  	_ =	swait.ge [sflag:s24], $0x1  }
0xa5: {  	[sflag:s24] =	ssyncset.done $0x0  }
0xa6: {  	s25 =	simm.s32 $0x1B8E;
	[sflag:s24] =	ssyncadd.s32 $0xFFFFFFFF  }
0xa7: {  	s26 =	simm.s32 $execute0_lowered;
	[smem:$0x3FD2] =	sst s25  }
0xa8: {  	s6 =	sshll.u32 s26, $0x1;
	_ =	strace $0x80000046;
	[dreg:$0x1] =	wrdreg $0xFFFFFFFF  }
0xa9: {  	s28 =	simm.s32 $_size_execute0_lowered;
	s5 =	sadd.s32 s5, s6;
	[dreg:$0x0] =	wrdreg $0x0  }
0xaa: {  	s6 =	sshll.u32 s28, $0x1;
	[dreg:$0x2] =	wrdreg s5  }
0xab: {  	[dreg:$0x3] =	wrdreg s6  }
0xac: {  	[dreg:$0x4] =	wrdreg $0xC0  }
0xad: {  	_ =	task [dreg:s9], $0x5FFFF  }
0xae: {  	[dreg:$0x1] =	wrdreg $0xFFFFFFFF  }
0xaf: {  	[dreg:$0x0] =	wrdreg $0x60  }
0xb0: {  	[dreg:$0x2] =	wrdreg s2  }
0xb1: {  	[dreg:$0x3] =	wrdreg s19  }
0xb2: {  	[dreg:$0x4] =	wrdreg s4  }
0xb3: {  	[dreg:$0x5] =	wrdreg $0x118000  }
0xb4: {  	[dreg:$0x6] =	wrdreg $0x9  }
0xb5: {  	_ =	task.clear_ibuf [dreg:s9], $0x7FFFF;
	_ =	strace $0x90000046  }
0xb6: {  	s29 =	simm.s32 $0x9;
	_ =	strace $0x80000048  }
0xb7: {  	_ =	swait.ge [sflag:s29], $0x1  }
0xb8: {  	[sflag:s29] =	ssyncadd.s32 $0xFFFFFFFF  }
0xb9: {  	_ =	strace $0x90000048  }
0xba: {  	_ =	sfence  }
0xbb: {  	s30 =	sld [smem:$0x0];
	_ =	sdelay $0x2  }
0xbc: {  	s31 =	sshll.u32 s1, $0xD;
	s1 =	sshrl.u32 s1, $0x2  }
0xbd: {  	s3 =	sand.u32 $0x4000, s31;
	s1 =	sadd.s32 s1, s30  }
0xbe: {  	s0 =	sor.u32 s3, s0;
	s1 =	sshll.u32 s1, $0x11  }
0xbf: {  	s0 =	sor.u32 s1, s0  }
0xc0: {  	s0 =	sadd.s32 $0x8F2B, s0  }
0xc1: {  	[sflag:s0] =	ssyncadd.remote.s32 $0x1  }
0xc2: {  	_ =	sfence.sel $0xFFFF  }
0xc3: {  	[dreg:$0x0] =	wrdreg $0xFFFFFFFF;
	(pc) =	sbr.abs _section_cstart, $3  }
0xc4: {  	[dreg:$0x1] =	wrdreg $0xFFFFFFFF  }
0xc5: {  	_ =	task.clear_ibuf [dreg:s9], $0x2FFFF;
	_ =	strace $0x9FFFFFFF  }
0xc6: {  	(tm) =	ssettm $0x7FFFFFFF  }
0xc7: {  	_ =	shalt  }
tec
execute0_lowered:
.L_overlay_start_1:
0x0: {  	(tag) =	ssettag $0x1  }
0x1: {  	s0 =	rddreg [dreg:$0x0]  }
0x2: {  	s1 =	rddreg [dreg:$0x2]  }
0x3: {  	s2 =	rddreg [dreg:$0x3]  }
0x4: {  	s3 =	srdreg.scid;
	s8 =	stileid.u32  }
0x5: {  	s12 =	simm.s32 $0x1;
	s13 =	simm.s32 $0x80;
	s14 =	simm.s32 $0x200  }
0x6: {  	s15 =	simm.s32 $0x400;
	s16 =	simm.s32 $0x280;
	s17 =	simm.s32 $0x4400  }
0x7: {  	s19 =	simm.s32 $0x180;
	s20 =	simm.s32 $0x300;
	s28 =	simm.s32 $0x2  }
0x8: {  	s29 =	simm.s32 $0x6;
	s30 =	simm.s32 $0x0;
	s6 =	sand.u32 $0x1, s3  }
0x9: {  	s3 =	simm.s32 $0x0;
	s4 =	sshll.u32 s8, $0xA;
	s23 =	sshll.u32 s8, $0xE  }
0xa: {  	p0 =	sne.s32 s8, $0x0;
	s5 =	sshll.u32 s6, $0x9;
	[smem:$0x7FF] =	sst s3  }
0xb: {  	s7 =	ssub.s32 $0x2, s6;
	s10 =	sadd.s32 s23, s1;
	s11 =	sshll.u32 s6, $0xD  }
0xc: {  	s23 =	simm.s32 $0xC400;
	s9 =	sor.u32 s5, s4;
	_ =	strace $0x80000047  }
0xd: {  	s21 =	sshrl.u32 s7, $0x1;
	s25 =	sadd.s32 s11, s10;
	s11 =	simm.s32 $0x100  }
0xe: {  	s4 =	sadd.s32 s0, s9;
	s22 =	ssub.s32 s7, s21;
	s9 =	sshll.u32 s9, $0x4  }
0xf: {  	[dreg:$0x5] =	wrdreg s25;
	s21 =	simm.s32 $0x8400;
	s24 =	sadd.s32 s1, s9  }
0x10: {  	s25 =	simm.s32 $0x5;
	s0 =	smax.u32 s22, $0x1;
	[dreg:$0x6] =	wrdreg s24  }
0x11: {  	s5 =	sadd.s32 $0x100, s4;
	s26 =	sadd.s32 $0x80, s4;
	[dreg:$0x8] =	wrdreg s0  }
0x12: {  	s7 =	sadd.s32 $0x10, s4;
	s6 =	sadd.s32 $0xC41000, s24;
	[dreg:$0x9] =	wrdreg s26  }
0x13: {  	s22 =	simm.s32 $0x380;
	s31 =	sadd.s32 $0x80, s5;
	[dreg:$0x7] =	wrdreg s6  }
0x14: {  	s24 =	simm.s32 $0x3;
	s26 =	simm.s32 $0x4;
	[dreg:$0xa] =	wrdreg s31  }
.LBB2_1:
0x15: {  	s0 =	simm.s32 @!p0 $0x0;
	s1 =	simm.s32 @!p0 $0x10400;
	s6 =	rddreg [dreg:$0x1]  }
0x16: {  	[tilespmem:s1], [sflag:$0x7] =	stream.linear.gather @!p0 [hbm4b:s6+s0], $0x1080, $0x38;
	[tilespmem:$0x11908] =	vst v63  }
0x17: {  	s0 =	simm.s32 @!p0 $0x7  }
0x18: {  	_ =	swait.ge @!p0 [sflag:s0], $0x1080  }
0x19: {  	[sflag:s0] =	ssyncset.done @!p0 $0x0  }
0x1a: {  	[sflag:s0] =	ssyncadd.s32 @!p0 $0xFFFFEF80  }
0x1b: {  	[spmem:s2] =	stream.linear.scatter @!p0 [tilespmem:s1], [sflag:$0x7], $0x1080, $0x38;
	[tilespmem:$0x11908] =	vst v63  }
0x1c: {  	_ =	swait.ge @!p0 [sflag:s0], $0x1080  }
0x1d: {  	[sflag:s0] =	ssyncset.done @!p0 $0x0  }
0x1e: {  	[sflag:s0] =	ssyncadd.s32 @!p0 $0xFFFFEF80  }
0x1f: {  	[bflag:$0x0] =	sbarrier.arrive $0xFFFF  }
0x20: {  	[tilespmem:s3], [sflag:$0x1] =	stream.linear.gather [hbm4b:s4+s3], $0x80, $0x38;
	[tilespmem:$0x11908] =	vst v63  }
0x21: {  	s8 =	rddreg [dreg:$0x9]  }
0x22: {  	[tilespmem:s11], [sflag:$0x1] =	stream.linear.gather [hbm4b:s8+s3], $0x80, $0x38;
	[tilespmem:$0x11908] =	vst v63  }
0x23: {  	_ =	swait.ge [sflag:s12], $0x100  }
0x24: {  	[sflag:s12] =	ssyncset.done $0x0  }
0x25: {  	[sflag:s12] =	ssyncadd.s32 $0xFFFFFF00  }
0x26: {  	v0 =	vld [tilespmem:$0x0]  }
0x27: {  	v1 =	vld [tilespmem:$0x10]  }
0x28: {  	v2 =	vld [tilespmem:$0x20]  }
0x29: {  	v3 =	vld [tilespmem:$0x30]  }
0x2a: {  	v4 =	vld [tilespmem:$0x40]  }
0x2b: {  	v5 =	vld [tilespmem:$0x50]  }
0x2c: {  	v6 =	vld [tilespmem:$0x60]  }
0x2d: {  	v7 =	vld [tilespmem:$0x70]  }
0x2e: {  	v8 =	vld [tilespmem:$0x100]  }
0x2f: {  	v9 =	vld [tilespmem:$0x110]  }
0x30: {  	v10 =	vld [tilespmem:$0x120]  }
0x31: {  	v11 =	vld [tilespmem:$0x130]  }
0x32: {  	v12 =	vld [tilespmem:$0x140]  }
0x33: {  	v47 =	vld [tilespmem:$0x150];
	v0 =	vmul.f32 $3.200000000e+01, v0;
	v1 =	vmul.f32 $3.200000000e+01, v1  }
0x34: {  	v51 =	vld [tilespmem:$0x160];
	v2 =	vmul.f32 $3.200000000e+01, v2;
	v3 =	vmul.f32 $3.200000000e+01, v3  }
0x35: {  	v53 =	vld [tilespmem:$0x170];
	v4 =	vmul.f32 $3.200000000e+01, v4;
	v5 =	vmul.f32 $3.200000000e+01, v5  }
0x36: {  	v6 =	vmul.f32 $3.200000000e+01, v6;
	v7 =	vmul.f32 $3.200000000e+01, v7  }
0x37: {  	v8 =	vmul.f32 $3.200000000e+01, v8;
	v9 =	vmul.f32 $3.200000000e+01, v9  }
0x38: {  	v44 =	vmul.f32 $3.200000000e+01, v10;
	v50 =	vmul.f32 $3.200000000e+01, v11  }
0x39: {  	v55 =	vmul.f32 $3.200000000e+01, v12;
	v57 =	vmul.f32 $3.200000000e+01, v47  }
0x3a: {  	v60 =	vmul.f32 $3.200000000e+01, v51;
	v63 =	vmul.f32 $3.200000000e+01, v53;
	v0 =	vmax.f32 v0, $0.0e+00  }
0x3b: {  	v1 =	vmax.f32 v1, $0.0e+00;
	v2 =	vmax.f32 v2, $0.0e+00;
	v3 =	vmax.f32 v3, $0.0e+00  }
0x3c: {  	v4 =	vmax.f32 v4, $0.0e+00;
	v5 =	vmax.f32 v5, $0.0e+00;
	v6 =	vmax.f32 v6, $0.0e+00  }
0x3d: {  	v7 =	vmax.f32 v7, $0.0e+00;
	v8 =	vmax.f32 v8, $0.0e+00;
	v46 =	vmax.f32 v9, $0.0e+00  }
0x3e: {  	v49 =	vmax.f32 v44, $0.0e+00;
	v54 =	vmax.f32 v50, $0.0e+00;
	v56 =	vmax.f32 v55, $0.0e+00  }
0x3f: {  	v62 =	vmax.f32 v57, $0.0e+00;
	v10 =	vmax.f32 v60, $0.0e+00;
	v0 =	vmin.f32 v0, $3.100000000e+01  }
0x40: {  	v12 =	vmax.f32 v63, $0.0e+00;
	v1 =	vmin.f32 v1, $3.100000000e+01;
	v0 =	vtrunc.f32 v0  }
0x41: {  	v2 =	vmin.f32 v2, $3.100000000e+01;
	v1 =	vtrunc.f32 v1;
	v0 =	vcvt.f32.s32 v0  }
0x42: {  	v3 =	vmin.f32 v3, $3.100000000e+01;
	v2 =	vtrunc.f32 v2;
	v1 =	vcvt.f32.s32 v1  }
0x43: {  	v4 =	vmin.f32 v4, $3.100000000e+01;
	v3 =	vtrunc.f32 v3;
	v2 =	vcvt.f32.s32 v2;
	[tilespmem:$0x200] =	vst v0  }
0x44: {  	v5 =	vmin.f32 v5, $3.100000000e+01;
	v4 =	vtrunc.f32 v4;
	v3 =	vcvt.f32.s32 v3;
	[tilespmem:$0x210] =	vst v1  }
0x45: {  	v6 =	vmin.f32 v6, $3.100000000e+01;
	v5 =	vtrunc.f32 v5;
	v4 =	vcvt.f32.s32 v4;
	[tilespmem:$0x220] =	vst v2  }
0x46: {  	v11 =	vmin.f32 v10, $3.100000000e+01;
	v6 =	vtrunc.f32 v6;
	v5 =	vcvt.f32.s32 v5;
	[tilespmem:$0x230] =	vst v3  }
0x47: {  	v15 =	vmin.f32 v12, $3.100000000e+01;
	v14 =	vtrunc.f32 v11;
	v6 =	vcvt.f32.s32 v6;
	[tilespmem:$0x240] =	vst v4  }
0x48: {  	v7 =	vmin.f32 v7, $3.100000000e+01;
	v17 =	vtrunc.f32 v15;
	v16 =	vcvt.f32.s32 v14;
	[tilespmem:$0x250] =	vst v5  }
0x49: {  	v43 =	vmin.f32 v8, $3.100000000e+01;
	v42 =	vtrunc.f32 v7;
	v18 =	vcvt.f32.s32 v17;
	[tilespmem:$0x260] =	vst v6  }
0x4a: {  	v48 =	vmin.f32 v46, $3.100000000e+01;
	v45 =	vtrunc.f32 v43;
	v0 =	vcvt.f32.s32 v42;
	[tilespmem:$0x2E0] =	vst v16  }
0x4b: {  	v52 =	vmin.f32 v49, $3.100000000e+01;
	v1 =	vcvt.f32.s32 v45;
	v2 =	vtrunc.f32 v48;
	[tilespmem:$0x2F0] =	vst v18  }
0x4c: {  	v3 =	vtrunc.f32 v52;
	v4 =	vmin.f32 v54, $3.100000000e+01;
	v2 =	vcvt.f32.s32 v2;
	[tilespmem:$0x270] =	vst v0  }
0x4d: {  	v59 =	vmin.f32 v56, $3.100000000e+01;
	v3 =	vcvt.f32.s32 v3;
	v4 =	vtrunc.f32 v4;
	[tilespmem:$0x280] =	vst v1  }
0x4e: {  	v9 =	vmin.f32 v62, $3.100000000e+01;
	v61 =	vtrunc.f32 v59;
	v58 =	vcvt.f32.s32 v4;
	[tilespmem:$0x290] =	vst v2  }
0x4f: {  	v1 =	vcvt.f32.s32 v61;
	[tilespmem:$0x2A0] =	vst v3;
	v2 =	vtrunc.f32 v9  }
0x50: {  	[tilespmem:$0x2B0] =	vst v58;
	v13 =	vcvt.f32.s32 v2  }
0x51: {  	[tilespmem:$0x2C0] =	vst v1  }
0x52: {  	[tilespmem:$0x2D0] =	vst v13  }
0x53: {  	[tilespmem:s15], [sflag:$0x3] =	stream.indirect.gather [spmem:s2], $0x80, s14, s13, $0xb8;
	[tilespmem:$0x11908] =	vst v63  }
0x54: {  	_ = 	snop  }
0x55: {  	[tilespmem:s17], [sflag:$0x3] =	stream.indirect.gather [spmem:s2], $0x80, s16, s13, $0xb8;
	[tilespmem:$0x11908] =	vst v63  }
0x56: {  	_ = 	snop  }
0x57: {  	[tilespmem:s13], [sflag:$0x2] =	stream.linear.gather [hbm4b:s5+s3], $0x80, $0x38;
	[tilespmem:$0x11908] =	vst v63  }
0x58: {  	s9 =	rddreg [dreg:$0xa]  }
0x59: {  	[tilespmem:s19], [sflag:$0x2] =	stream.linear.gather [hbm4b:s9+s3], $0x80, $0x38;
	[tilespmem:$0x11908] =	vst v63  }
0x5a: {  	_ =	swait.ge [sflag:s28], $0x100  }
0x5b: {  	[sflag:s28] =	ssyncset.done $0x0  }
0x5c: {  	[sflag:s28] =	ssyncadd.s32 $0xFFFFFF00  }
0x5d: {  	v19 =	vld [tilespmem:$0x80]  }
0x5e: {  	v20 =	vld [tilespmem:$0x90]  }
0x5f: {  	v21 =	vld [tilespmem:$0xA0]  }
0x60: {  	v22 =	vld [tilespmem:$0xB0]  }
0x61: {  	v23 =	vld [tilespmem:$0xC0]  }
0x62: {  	v24 =	vld [tilespmem:$0xD0]  }
0x63: {  	v25 =	vld [tilespmem:$0xE0]  }
0x64: {  	v26 =	vld [tilespmem:$0xF0]  }
0x65: {  	v27 =	vld [tilespmem:$0x180]  }
0x66: {  	v28 =	vld [tilespmem:$0x190]  }
0x67: {  	v29 =	vld [tilespmem:$0x1A0]  }
0x68: {  	v30 =	vld [tilespmem:$0x1B0]  }
0x69: {  	v31 =	vld [tilespmem:$0x1C0]  }
0x6a: {  	v37 =	vld [tilespmem:$0x1D0];
	v0 =	vmul.f32 $3.200000000e+01, v19;
	v1 =	vmul.f32 $3.200000000e+01, v20  }
0x6b: {  	v41 =	vld [tilespmem:$0x1E0];
	v2 =	vmul.f32 $3.200000000e+01, v21;
	v3 =	vmul.f32 $3.200000000e+01, v22  }
0x6c: {  	v43 =	vld [tilespmem:$0x1F0];
	v4 =	vmul.f32 $3.200000000e+01, v23;
	v5 =	vmul.f32 $3.200000000e+01, v24  }
0x6d: {  	v6 =	vmul.f32 $3.200000000e+01, v25;
	v7 =	vmul.f32 $3.200000000e+01, v26  }
0x6e: {  	v8 =	vmul.f32 $3.200000000e+01, v27;
	v9 =	vmul.f32 $3.200000000e+01, v28  }
0x6f: {  	v34 =	vmul.f32 $3.200000000e+01, v29;
	v40 =	vmul.f32 $3.200000000e+01, v30  }
0x70: {  	v45 =	vmul.f32 $3.200000000e+01, v31;
	v47 =	vmul.f32 $3.200000000e+01, v37  }
0x71: {  	v50 =	vmul.f32 $3.200000000e+01, v41;
	v53 =	vmul.f32 $3.200000000e+01, v43;
	v0 =	vmax.f32 v0, $0.0e+00  }
0x72: {  	v1 =	vmax.f32 v1, $0.0e+00;
	v2 =	vmax.f32 v2, $0.0e+00;
	v3 =	vmax.f32 v3, $0.0e+00  }
0x73: {  	v4 =	vmax.f32 v4, $0.0e+00;
	v5 =	vmax.f32 v5, $0.0e+00;
	v6 =	vmax.f32 v6, $0.0e+00  }
0x74: {  	v7 =	vmax.f32 v7, $0.0e+00;
	v8 =	vmax.f32 v8, $0.0e+00;
	v36 =	vmax.f32 v9, $0.0e+00  }
0x75: {  	v39 =	vmax.f32 v34, $0.0e+00;
	v44 =	vmax.f32 v40, $0.0e+00;
	v46 =	vmax.f32 v45, $0.0e+00  }
0x76: {  	v52 =	vmax.f32 v47, $0.0e+00;
	v55 =	vmax.f32 v50, $0.0e+00;
	v0 =	vmin.f32 v0, $3.100000000e+01  }
0x77: {  	v57 =	vmax.f32 v53, $0.0e+00;
	v1 =	vmin.f32 v1, $3.100000000e+01;
	v0 =	vtrunc.f32 v0  }
0x78: {  	v2 =	vmin.f32 v2, $3.100000000e+01;
	v1 =	vtrunc.f32 v1;
	v0 =	vcvt.f32.s32 v0  }
0x79: {  	v3 =	vmin.f32 v3, $3.100000000e+01;
	v2 =	vtrunc.f32 v2;
	v1 =	vcvt.f32.s32 v1  }
0x7a: {  	v4 =	vmin.f32 v4, $3.100000000e+01;
	v3 =	vtrunc.f32 v3;
	v2 =	vcvt.f32.s32 v2;
	[tilespmem:$0x300] =	vst v0  }
0x7b: {  	v5 =	vmin.f32 v5, $3.100000000e+01;
	v4 =	vtrunc.f32 v4;
	v3 =	vcvt.f32.s32 v3;
	[tilespmem:$0x310] =	vst v1  }
0x7c: {  	v6 =	vmin.f32 v6, $3.100000000e+01;
	v5 =	vtrunc.f32 v5;
	v4 =	vcvt.f32.s32 v4;
	[tilespmem:$0x320] =	vst v2  }
0x7d: {  	v56 =	vmin.f32 v55, $3.100000000e+01;
	v6 =	vtrunc.f32 v6;
	v5 =	vcvt.f32.s32 v5;
	[tilespmem:$0x330] =	vst v3  }
0x7e: {  	v60 =	vmin.f32 v57, $3.100000000e+01;
	v59 =	vtrunc.f32 v56;
	v6 =	vcvt.f32.s32 v6;
	[tilespmem:$0x340] =	vst v4  }
0x7f: {  	v7 =	vmin.f32 v7, $3.100000000e+01;
	v62 =	vtrunc.f32 v60;
	v61 =	vcvt.f32.s32 v59;
	[tilespmem:$0x350] =	vst v5  }
0x80: {  	v33 =	vmin.f32 v8, $3.100000000e+01;
	v32 =	vtrunc.f32 v7;
	v63 =	vcvt.f32.s32 v62;
	[tilespmem:$0x360] =	vst v6  }
0x81: {  	v38 =	vmin.f32 v36, $3.100000000e+01;
	v35 =	vtrunc.f32 v33;
	v0 =	vcvt.f32.s32 v32;
	[tilespmem:$0x3E0] =	vst v61  }
0x82: {  	v42 =	vmin.f32 v39, $3.100000000e+01;
	v1 =	vcvt.f32.s32 v35;
	v2 =	vtrunc.f32 v38;
	[tilespmem:$0x3F0] =	vst v63  }
0x83: {  	v3 =	vtrunc.f32 v42;
	v4 =	vmin.f32 v44, $3.100000000e+01;
	v2 =	vcvt.f32.s32 v2;
	[tilespmem:$0x370] =	vst v0  }
0x84: {  	v49 =	vmin.f32 v46, $3.100000000e+01;
	v3 =	vcvt.f32.s32 v3;
	v4 =	vtrunc.f32 v4;
	[tilespmem:$0x380] =	vst v1  }
0x85: {  	v54 =	vmin.f32 v52, $3.100000000e+01;
	v51 =	vtrunc.f32 v49;
	v48 =	vcvt.f32.s32 v4;
	[tilespmem:$0x390] =	vst v2  }
0x86: {  	v1 =	vcvt.f32.s32 v51;
	[tilespmem:$0x3A0] =	vst v3;
	v2 =	vtrunc.f32 v54  }
0x87: {  	[tilespmem:$0x3B0] =	vst v48;
	v58 =	vcvt.f32.s32 v2  }
0x88: {  	[tilespmem:$0x3C0] =	vst v1  }
0x89: {  	[tilespmem:$0x3D0] =	vst v58  }
0x8a: {  	[tilespmem:s21], [sflag:$0x4] =	stream.indirect.gather [spmem:s2], $0x80, s20, s13, $0xb8;
	[tilespmem:$0x11908] =	vst v63  }
0x8b: {  	_ = 	snop  }
0x8c: {  	[tilespmem:s23], [sflag:$0x4] =	stream.indirect.gather [spmem:s2], $0x80, s22, s13, $0xb8;
	[tilespmem:$0x11908] =	vst v63  }
0x8d: {  	_ =	swait.ge [sflag:s24], $0x4000  }
0x8e: {  	[sflag:s24] =	ssyncset.done $0x0  }
0x8f: {  	[sflag:s24] =	ssyncadd.s32 $0xFFFFC000  }
0x90: {  	_ =	swait.ge [sflag:s24], $0x4000  }
0x91: {  	[sflag:s24] =	ssyncset.done $0x0  }
0x92: {  	s10 =	rddreg [dreg:$0x6];
	[sflag:s24] =	ssyncadd.s32 $0xFFFFC000  }
0x93: {  	[hbm4b:s10+s3] =	stream.linear.scatter [tilespmem:s15], [sflag:$0x5], $0x8000, $0x38;
	[tilespmem:$0x11908] =	vst v63  }
0x94: {  	s18 =	sadd.s32 $0x80, s7;
	s31 =	simm.s32 $0x800  }
0x95: {  	[tilespmem:s3], [sflag:$0x1] =	stream.linear.gather [hbm4b:s7+s3], $0x80, $0x38;
	[tilespmem:$0x11908] =	vst v63  }
0x96: {  	s1 =	simm.s32 $0x2;
	s0 =	simm.s32 $0x10;
	s8 =	simm.s32 $0x0  }
0x97: {  	[tilespmem:s11], [sflag:$0x1] =	stream.linear.gather [hbm4b:s18+s3], $0x80, $0x38;
	[tilespmem:$0x11908] =	vst v63  }
.LBB2_2:
0x98: {  	s9 =	sand.u32 $0x1C000, s31;
	s10 =	sand.u32 $0x70, s0  }
0x99: {  	s9 =	sor.u32 s10, s9  }
0x9a: {  	s9 =	sadd.s32 s9, s5  }
0x9b: {  	[tilespmem:s13], [sflag:$0x2] =	stream.linear.gather [hbm4b:s9+s3], $0x80, $0x38;
	[tilespmem:$0x11908] =	vst v63  }
0x9c: {  	s9 =	sadd.s32 $0x80, s9  }
0x9d: {  	[tilespmem:s19], [sflag:$0x2] =	stream.linear.gather [hbm4b:s9+s3], $0x80, $0x38;
	[tilespmem:$0x11908] =	vst v63  }
0x9e: {  	_ =	swait.ge [sflag:s12], $0x100  }
0x9f: {  	[sflag:s12] =	ssyncset.done $0x0  }
0xa0: {  	[sflag:s12] =	ssyncadd.s32 $0xFFFFFF00  }
0xa1: {  	_ =	swait.ge [sflag:s25], $0x8000  }
0xa2: {  	[sflag:s25] =	ssyncset.done $0x0  }
0xa3: {  	[sflag:s25] =	ssyncadd.s32 $0xFFFF8000  }
0xa4: {  	v0 =	vld [tilespmem:$0x0]  }
0xa5: {  	v1 =	vld [tilespmem:$0x10]  }
0xa6: {  	v2 =	vld [tilespmem:$0x20]  }
0xa7: {  	v3 =	vld [tilespmem:$0x30]  }
0xa8: {  	v4 =	vld [tilespmem:$0x40]  }
0xa9: {  	v5 =	vld [tilespmem:$0x50]  }
0xaa: {  	v6 =	vld [tilespmem:$0x60]  }
0xab: {  	v7 =	vld [tilespmem:$0x70]  }
0xac: {  	v8 =	vld [tilespmem:$0x100]  }
0xad: {  	v9 =	vld [tilespmem:$0x110]  }
0xae: {  	v10 =	vld [tilespmem:$0x120]  }
0xaf: {  	v11 =	vld [tilespmem:$0x130]  }
0xb0: {  	v12 =	vld [tilespmem:$0x140]  }
0xb1: {  	v47 =	vld [tilespmem:$0x150];
	v0 =	vmul.f32 $3.200000000e+01, v0;
	v1 =	vmul.f32 $3.200000000e+01, v1  }
0xb2: {  	v51 =	vld [tilespmem:$0x160];
	v2 =	vmul.f32 $3.200000000e+01, v2;
	v3 =	vmul.f32 $3.200000000e+01, v3  }
0xb3: {  	v53 =	vld [tilespmem:$0x170];
	v4 =	vmul.f32 $3.200000000e+01, v4;
	v5 =	vmul.f32 $3.200000000e+01, v5  }
0xb4: {  	v6 =	vmul.f32 $3.200000000e+01, v6;
	v7 =	vmul.f32 $3.200000000e+01, v7  }
0xb5: {  	v8 =	vmul.f32 $3.200000000e+01, v8;
	v9 =	vmul.f32 $3.200000000e+01, v9  }
0xb6: {  	v44 =	vmul.f32 $3.200000000e+01, v10;
	v50 =	vmul.f32 $3.200000000e+01, v11  }
0xb7: {  	v55 =	vmul.f32 $3.200000000e+01, v12;
	v57 =	vmul.f32 $3.200000000e+01, v47  }
0xb8: {  	v60 =	vmul.f32 $3.200000000e+01, v51;
	v63 =	vmul.f32 $3.200000000e+01, v53;
	v0 =	vmax.f32 v0, $0.0e+00  }
0xb9: {  	v1 =	vmax.f32 v1, $0.0e+00;
	v2 =	vmax.f32 v2, $0.0e+00;
	v3 =	vmax.f32 v3, $0.0e+00  }
0xba: {  	v4 =	vmax.f32 v4, $0.0e+00;
	v5 =	vmax.f32 v5, $0.0e+00;
	v6 =	vmax.f32 v6, $0.0e+00  }
0xbb: {  	v7 =	vmax.f32 v7, $0.0e+00;
	v8 =	vmax.f32 v8, $0.0e+00;
	v46 =	vmax.f32 v9, $0.0e+00  }
0xbc: {  	v49 =	vmax.f32 v44, $0.0e+00;
	v54 =	vmax.f32 v50, $0.0e+00;
	v56 =	vmax.f32 v55, $0.0e+00  }
0xbd: {  	v62 =	vmax.f32 v57, $0.0e+00;
	v10 =	vmax.f32 v60, $0.0e+00;
	v0 =	vmin.f32 v0, $3.100000000e+01  }
0xbe: {  	v12 =	vmax.f32 v63, $0.0e+00;
	v1 =	vmin.f32 v1, $3.100000000e+01;
	v0 =	vtrunc.f32 v0  }
0xbf: {  	v2 =	vmin.f32 v2, $3.100000000e+01;
	v1 =	vtrunc.f32 v1;
	v0 =	vcvt.f32.s32 v0  }
0xc0: {  	v3 =	vmin.f32 v3, $3.100000000e+01;
	v2 =	vtrunc.f32 v2;
	v1 =	vcvt.f32.s32 v1  }
0xc1: {  	v4 =	vmin.f32 v4, $3.100000000e+01;
	v3 =	vtrunc.f32 v3;
	v2 =	vcvt.f32.s32 v2;
	[tilespmem:$0x200] =	vst v0  }
0xc2: {  	v5 =	vmin.f32 v5, $3.100000000e+01;
	v4 =	vtrunc.f32 v4;
	v3 =	vcvt.f32.s32 v3;
	[tilespmem:$0x210] =	vst v1  }
0xc3: {  	v6 =	vmin.f32 v6, $3.100000000e+01;
	v5 =	vtrunc.f32 v5;
	v4 =	vcvt.f32.s32 v4;
	[tilespmem:$0x220] =	vst v2  }
0xc4: {  	v11 =	vmin.f32 v10, $3.100000000e+01;
	v6 =	vtrunc.f32 v6;
	v5 =	vcvt.f32.s32 v5;
	[tilespmem:$0x230] =	vst v3  }
0xc5: {  	v15 =	vmin.f32 v12, $3.100000000e+01;
	v14 =	vtrunc.f32 v11;
	v6 =	vcvt.f32.s32 v6;
	[tilespmem:$0x240] =	vst v4  }
0xc6: {  	v7 =	vmin.f32 v7, $3.100000000e+01;
	v17 =	vtrunc.f32 v15;
	v16 =	vcvt.f32.s32 v14;
	[tilespmem:$0x250] =	vst v5  }
0xc7: {  	v43 =	vmin.f32 v8, $3.100000000e+01;
	v42 =	vtrunc.f32 v7;
	v18 =	vcvt.f32.s32 v17;
	[tilespmem:$0x260] =	vst v6  }
0xc8: {  	v48 =	vmin.f32 v46, $3.100000000e+01;
	v45 =	vtrunc.f32 v43;
	v0 =	vcvt.f32.s32 v42;
	[tilespmem:$0x2E0] =	vst v16  }
0xc9: {  	v52 =	vmin.f32 v49, $3.100000000e+01;
	v1 =	vcvt.f32.s32 v45;
	v2 =	vtrunc.f32 v48;
	[tilespmem:$0x2F0] =	vst v18  }
0xca: {  	v3 =	vtrunc.f32 v52;
	v4 =	vmin.f32 v54, $3.100000000e+01;
	v2 =	vcvt.f32.s32 v2;
	[tilespmem:$0x270] =	vst v0  }
0xcb: {  	v59 =	vmin.f32 v56, $3.100000000e+01;
	v3 =	vcvt.f32.s32 v3;
	v4 =	vtrunc.f32 v4;
	[tilespmem:$0x280] =	vst v1  }
0xcc: {  	v9 =	vmin.f32 v62, $3.100000000e+01;
	v61 =	vtrunc.f32 v59;
	v58 =	vcvt.f32.s32 v4;
	[tilespmem:$0x290] =	vst v2  }
0xcd: {  	v1 =	vcvt.f32.s32 v61;
	[tilespmem:$0x2A0] =	vst v3;
	v2 =	vtrunc.f32 v9  }
0xce: {  	[tilespmem:$0x2B0] =	vst v58;
	v13 =	vcvt.f32.s32 v2  }
0xcf: {  	[tilespmem:$0x2C0] =	vst v1  }
0xd0: {  	[tilespmem:$0x2D0] =	vst v13  }
0xd1: {  	[tilespmem:s15], [sflag:$0x3] =	stream.indirect.gather [spmem:s2], $0x80, s14, s13, $0xb8;
	[tilespmem:$0x11908] =	vst v63  }
0xd2: {  	_ = 	snop  }
0xd3: {  	[tilespmem:s17], [sflag:$0x3] =	stream.indirect.gather [spmem:s2], $0x80, s16, s13, $0xb8;
	[tilespmem:$0x11908] =	vst v63  }
0xd4: {  	_ =	swait.ge [sflag:s26], $0x4000  }
0xd5: {  	[sflag:s26] =	ssyncset.done $0x0  }
0xd6: {  	[sflag:s26] =	ssyncadd.s32 $0xFFFFC000  }
0xd7: {  	p1 =	slt.s32 s1, $0x61;
	s10 =	smov.u32 s1;
	_ =	swait.ge [sflag:s26], $0x4000  }
0xd8: {  	s10 =	simm.s32 @!p1 $0x61;
	s18 =	rddreg [dreg:$0x5]  }
0xd9: {  	s10 =	sadd.s32 $0x2, s10;
	[sflag:s26] =	ssyncset.done $0x0;
	s9 =	sadd.s32 s8, s18  }
0xda: {  	[sflag:s26] =	ssyncadd.s32 $0xFFFFC000;
	s18 =	sshll.u32 s10, $0x8;
	s6 =	sadd.s32 $0x1000, s9  }
0xdb: {  	[hbm4b:s6+s3] =	stream.linear.scatter [tilespmem:s21], [sflag:$0x6], $0x8000, $0x38;
	[tilespmem:$0x11908] =	vst v63  }
0xdc: {  	s18 =	sand.u32 $0x100, s18;
	s6 =	sshll.u32 s10, $0xA  }
0xdd: {  	s10 =	sshll.u32 s10, $0x3;
	s18 =	sadd.s32 s18, s4;
	s6 =	sand.u32 $0x3C000, s6  }
0xde: {  	s10 =	sand.u32 $0x70, s10;
	s6 =	sadd.s32 s6, s18  }
0xdf: {  	s6 =	sadd.s32 s10, s6  }
0xe0: {  	[tilespmem:s3], [sflag:$0x1] =	stream.linear.gather [hbm4b:s6+s3], $0x80, $0x38;
	[tilespmem:$0x11908] =	vst v63  }
0xe1: {  	s6 =	sadd.s32 $0x80, s6  }
0xe2: {  	[tilespmem:s11], [sflag:$0x1] =	stream.linear.gather [hbm4b:s6+s3], $0x80, $0x38;
	[tilespmem:$0x11908] =	vst v63  }
0xe3: {  	_ =	swait.ge [sflag:s28], $0x100  }
0xe4: {  	[sflag:s28] =	ssyncset.done $0x0  }
0xe5: {  	[sflag:s28] =	ssyncadd.s32 $0xFFFFFF00  }
0xe6: {  	_ =	swait.ge [sflag:s29], $0x8000  }
0xe7: {  	[sflag:s29] =	ssyncset.done $0x0  }
0xe8: {  	[sflag:s29] =	ssyncadd.s32 $0xFFFF8000  }
0xe9: {  	v19 =	vld [tilespmem:$0x80]  }
0xea: {  	v20 =	vld [tilespmem:$0x90]  }
0xeb: {  	v21 =	vld [tilespmem:$0xA0]  }
0xec: {  	v22 =	vld [tilespmem:$0xB0]  }
0xed: {  	v23 =	vld [tilespmem:$0xC0]  }
0xee: {  	v24 =	vld [tilespmem:$0xD0]  }
0xef: {  	v25 =	vld [tilespmem:$0xE0]  }
0xf0: {  	v26 =	vld [tilespmem:$0xF0]  }
0xf1: {  	v27 =	vld [tilespmem:$0x180]  }
0xf2: {  	v28 =	vld [tilespmem:$0x190]  }
0xf3: {  	v29 =	vld [tilespmem:$0x1A0]  }
0xf4: {  	v30 =	vld [tilespmem:$0x1B0]  }
0xf5: {  	v31 =	vld [tilespmem:$0x1C0]  }
0xf6: {  	v37 =	vld [tilespmem:$0x1D0];
	v0 =	vmul.f32 $3.200000000e+01, v19;
	v1 =	vmul.f32 $3.200000000e+01, v20  }
0xf7: {  	v41 =	vld [tilespmem:$0x1E0];
	v2 =	vmul.f32 $3.200000000e+01, v21;
	v3 =	vmul.f32 $3.200000000e+01, v22  }
0xf8: {  	v43 =	vld [tilespmem:$0x1F0];
	v4 =	vmul.f32 $3.200000000e+01, v23;
	v5 =	vmul.f32 $3.200000000e+01, v24  }
0xf9: {  	v6 =	vmul.f32 $3.200000000e+01, v25;
	v7 =	vmul.f32 $3.200000000e+01, v26  }
0xfa: {  	v8 =	vmul.f32 $3.200000000e+01, v27;
	v9 =	vmul.f32 $3.200000000e+01, v28  }
0xfb: {  	v34 =	vmul.f32 $3.200000000e+01, v29;
	v40 =	vmul.f32 $3.200000000e+01, v30  }
0xfc: {  	v45 =	vmul.f32 $3.200000000e+01, v31;
	v47 =	vmul.f32 $3.200000000e+01, v37  }
0xfd: {  	v50 =	vmul.f32 $3.200000000e+01, v41;
	v53 =	vmul.f32 $3.200000000e+01, v43;
	v0 =	vmax.f32 v0, $0.0e+00  }
0xfe: {  	v1 =	vmax.f32 v1, $0.0e+00;
	v2 =	vmax.f32 v2, $0.0e+00;
	v3 =	vmax.f32 v3, $0.0e+00  }
0xff: {  	v4 =	vmax.f32 v4, $0.0e+00;
	v5 =	vmax.f32 v5, $0.0e+00;
	v6 =	vmax.f32 v6, $0.0e+00  }
0x100: {  	v7 =	vmax.f32 v7, $0.0e+00;
	v8 =	vmax.f32 v8, $0.0e+00;
	v36 =	vmax.f32 v9, $0.0e+00  }
0x101: {  	v39 =	vmax.f32 v34, $0.0e+00;
	v44 =	vmax.f32 v40, $0.0e+00;
	v46 =	vmax.f32 v45, $0.0e+00  }
0x102: {  	v52 =	vmax.f32 v47, $0.0e+00;
	v55 =	vmax.f32 v50, $0.0e+00;
	v0 =	vmin.f32 v0, $3.100000000e+01  }
0x103: {  	v57 =	vmax.f32 v53, $0.0e+00;
	v1 =	vmin.f32 v1, $3.100000000e+01;
	v0 =	vtrunc.f32 v0  }
0x104: {  	v2 =	vmin.f32 v2, $3.100000000e+01;
	v1 =	vtrunc.f32 v1;
	v0 =	vcvt.f32.s32 v0  }
0x105: {  	v3 =	vmin.f32 v3, $3.100000000e+01;
	v2 =	vtrunc.f32 v2;
	v1 =	vcvt.f32.s32 v1  }
0x106: {  	v4 =	vmin.f32 v4, $3.100000000e+01;
	v3 =	vtrunc.f32 v3;
	v2 =	vcvt.f32.s32 v2;
	[tilespmem:$0x300] =	vst v0  }
0x107: {  	v5 =	vmin.f32 v5, $3.100000000e+01;
	v4 =	vtrunc.f32 v4;
	v3 =	vcvt.f32.s32 v3;
	[tilespmem:$0x310] =	vst v1  }
0x108: {  	v6 =	vmin.f32 v6, $3.100000000e+01;
	v5 =	vtrunc.f32 v5;
	v4 =	vcvt.f32.s32 v4;
	[tilespmem:$0x320] =	vst v2  }
0x109: {  	v56 =	vmin.f32 v55, $3.100000000e+01;
	v6 =	vtrunc.f32 v6;
	v5 =	vcvt.f32.s32 v5;
	[tilespmem:$0x330] =	vst v3  }
0x10a: {  	v60 =	vmin.f32 v57, $3.100000000e+01;
	v59 =	vtrunc.f32 v56;
	v6 =	vcvt.f32.s32 v6;
	[tilespmem:$0x340] =	vst v4  }
0x10b: {  	v7 =	vmin.f32 v7, $3.100000000e+01;
	v62 =	vtrunc.f32 v60;
	v61 =	vcvt.f32.s32 v59;
	[tilespmem:$0x350] =	vst v5  }
0x10c: {  	v33 =	vmin.f32 v8, $3.100000000e+01;
	v32 =	vtrunc.f32 v7;
	v63 =	vcvt.f32.s32 v62;
	[tilespmem:$0x360] =	vst v6  }
0x10d: {  	v38 =	vmin.f32 v36, $3.100000000e+01;
	v35 =	vtrunc.f32 v33;
	v0 =	vcvt.f32.s32 v32;
	[tilespmem:$0x3E0] =	vst v61  }
0x10e: {  	v42 =	vmin.f32 v39, $3.100000000e+01;
	v1 =	vcvt.f32.s32 v35;
	v2 =	vtrunc.f32 v38;
	[tilespmem:$0x3F0] =	vst v63  }
0x10f: {  	v3 =	vtrunc.f32 v42;
	v4 =	vmin.f32 v44, $3.100000000e+01;
	v2 =	vcvt.f32.s32 v2;
	[tilespmem:$0x370] =	vst v0  }
0x110: {  	v49 =	vmin.f32 v46, $3.100000000e+01;
	v3 =	vcvt.f32.s32 v3;
	v4 =	vtrunc.f32 v4;
	[tilespmem:$0x380] =	vst v1  }
0x111: {  	v54 =	vmin.f32 v52, $3.100000000e+01;
	v51 =	vtrunc.f32 v49;
	v48 =	vcvt.f32.s32 v4;
	[tilespmem:$0x390] =	vst v2  }
0x112: {  	v1 =	vcvt.f32.s32 v51;
	[tilespmem:$0x3A0] =	vst v3;
	v2 =	vtrunc.f32 v54  }
0x113: {  	[tilespmem:$0x3B0] =	vst v48;
	v58 =	vcvt.f32.s32 v2  }
0x114: {  	[tilespmem:$0x3C0] =	vst v1  }
0x115: {  	[tilespmem:$0x3D0] =	vst v58  }
0x116: {  	[tilespmem:s21], [sflag:$0x4] =	stream.indirect.gather [spmem:s2], $0x80, s20, s13, $0xb8;
	[tilespmem:$0x11908] =	vst v63  }
0x117: {  	_ = 	snop  }
0x118: {  	[tilespmem:s23], [sflag:$0x4] =	stream.indirect.gather [spmem:s2], $0x80, s22, s13, $0xb8;
	[tilespmem:$0x11908] =	vst v63  }
0x119: {  	_ =	swait.ge [sflag:s24], $0x4000  }
0x11a: {  	p1 =	sne.s32 s8, $0xC00000;
	[sflag:s24] =	ssyncset.done $0x0  }
.Ltmp0:
0x11b: {  	[sflag:s24] =	ssyncadd.s32 $0xFFFFC000;
	(pc) =	sbr.rel @p1 .LBB2_2-.Ltmp0, $4  }
0x11c: {  	s31 =	sadd.s32 $0x800, s31;
	_ =	swait.ge [sflag:s24], $0x4000  }
0x11d: {  	s0 =	sadd.s32 $0x10, s0;
	s1 =	sadd.s32 $0x2, s1;
	[sflag:s24] =	ssyncset.done $0x0  }
0x11e: {  	s8 =	sadd.s32 $0x40000, s8;
	s18 =	sadd.s32 $0x40000, s9;
	[sflag:s24] =	ssyncadd.s32 $0xFFFFC000  }
0x11f: {  	[hbm4b:s18+s3] =	stream.linear.scatter [tilespmem:s15], [sflag:$0x5], $0x8000, $0x38;
	[tilespmem:$0x11908] =	vst v63  }
0x120: {  	_ =	swait.ge [sflag:s26], $0x4000  }
0x121: {  	[sflag:s26] =	ssyncset.done $0x0  }
0x122: {  	[sflag:s26] =	ssyncadd.s32 $0xFFFFC000  }
0x123: {  	_ =	swait.ge [sflag:s26], $0x4000  }
0x124: {  	[sflag:s26] =	ssyncset.done $0x0  }
0x125: {  	s0 =	rddreg [dreg:$0x7];
	[sflag:s26] =	ssyncadd.s32 $0xFFFFC000  }
0x126: {  	[hbm4b:s0+s3] =	stream.linear.scatter [tilespmem:s21], [sflag:$0x6], $0x8000, $0x38;
	[tilespmem:$0x11908] =	vst v63  }
0x127: {  	_ =	swait.ge [sflag:s12], $0x100  }
0x128: {  	[sflag:s12] =	ssyncset.done $0x0  }
0x129: {  	[sflag:s12] =	ssyncadd.s32 $0xFFFFFF00  }
0x12a: {  	_ =	swait.ge [sflag:s25], $0x8000  }
0x12b: {  	[sflag:s25] =	ssyncset.done $0x0  }
0x12c: {  	[sflag:s25] =	ssyncadd.s32 $0xFFFF8000  }
0x12d: {  	_ =	swait.ge [sflag:s29], $0x8000  }
0x12e: {  	s30 =	sadd.s32 $0x1, s30;
	s31 =	rddreg [dreg:$0x8]  }
0x12f: {  	p1 =	sne.s32 s30, s31  }
.Ltmp1:
0x130: {  	_ = 	snop;
	(pc) =	sbr.rel @p1 .LBB2_1-.Ltmp1, $3  }
0x131: {  	_ =	sdelay $0x1  }
0x132: {  	[sflag:s29] =	ssyncset.done $0x0  }
0x133: {  	[sflag:s29] =	ssyncadd.s32 $0xFFFF8000  }
0x134: {  	_ =	sfence.sel $0x180000  }
0x135: {  	[bflag:$0x0] =	sbarrier.arrive $0xFFFF  }
0x136: {  	_ =	strace $0x90000047  }
0x137: {  	[bflag:$0x2] =	sbarrier.arrive $0xFFFF  }
0x138: {  	s0 =	rddreg [dreg:$0x4]  }
0x139: {  	s0 =	sadd.s32 @!p0 $0x100000, s0  }
0x13a: {  	[sflag:s0] =	ssyncadd.tile.s32 @!p0 $0x1;
	_ =	shalt  }
.Lfunc_end2:
_tile_overlayer_lowered:
.L_overlay_start_2:
0x13b: {  	(tag) =	ssettag $0x2  }
0x13c: {  	s0 =	rddreg [dreg:$0x0];
	s2 =	stileid.u32  }
0x13d: {  	s1 =	rddreg [dreg:$0x1];
	p0 =	sne.s32 s2, $0x0  }
0x13e: {  	s3 =	rddreg [dreg:$0x2];
	[bflag:$0x3] =	sbarrier.arrive $0xFFFF;
	s2 =	simm.s32 @!p0 $0x1C07  }
0x13f: {  	[timem:s3], [sflag:s2] =	dma.local @!p0 [hbm:s0], s1  }
0x140: {  	s0 =	simm.s32 @!p0 $0x7  }
0x141: {  	_ =	swait.ge @!p0 [sflag:s0], s1  }
0x142: {  	s1 =	ssub.s32 @!p0 $0x0, s1;
	[sflag:s0] =	ssyncset.done @!p0 $0x0  }
0x143: {  	[sflag:s0] =	ssyncadd.s32 @!p0 s1  }
0x144: {  	[bflag:$0x3] =	sbarrier.arrive $0xFFFF  }
0x145: {  	_ =	shalt  }

</sc_bundles>
